<compile_context>
chip_gen: v7x
topology: tpu7x:2x2x1
jax: 0.10.2.dev20260603
libtpu: 0.0.44.dev20260713+nightly
codegen_flags: <defaults>
</compile_context>

<pallas_src>
import jax
import jax.numpy as jnp
from jax import lax
from jax.experimental import pallas as pl
from jax.experimental.pallas import tpu as pltpu
from jax.experimental.pallas import tpu_sc as plsc

N = 4096
E = 131072
IN_DIM = 128
OUT_DIM = 128
HEADS = 4
HEAD_DIM = OUT_DIM // HEADS

NC = 2
NS = 16
NW = NC * NS
EPW = E // NW
CHUNK = 128
NCHUNK = EPW // CHUNK
GROUPS = CHUNK // 16
ROWS_PER_TILE = N // NS

_f32 = jnp.float32
_i32 = jnp.int32


def _prep_body(x_ref, w_ref, amat_ref, wx_ref, s8_ref):
    wx = jnp.dot(x_ref[...], w_ref[...], preferred_element_type=_f32,
                 precision=lax.Precision.HIGHEST)
    wx_ref[...] = wx
    s = jnp.dot(wx, amat_ref[...], preferred_element_type=_f32,
                precision=lax.Precision.HIGHEST)
    s8_ref[...] = s[:, :8]


_prep = pl.pallas_call(
    _prep_body,
    out_shape=(
        jax.ShapeDtypeStruct((N, OUT_DIM), _f32),
        jax.ShapeDtypeStruct((N, 8), _f32),
    ),
)


def _dedup_body(key2_hbm, id2_hbm, tbl_hbm, key1_v, id1_v):
    wid = lax.axis_index("s") * NC + lax.axis_index("c")

    def scat(i, carry):
        pltpu.sync_copy(key2_hbm.at[wid, i], key1_v)
        pltpu.sync_copy(id2_hbm.at[wid, i], id1_v)
        pltpu.sync_copy(id1_v, tbl_hbm.at[key1_v])
        return carry

    lax.fori_loop(0, NCHUNK, scat, 0)


_dedup = pl.kernel(
    _dedup_body,
    out_type=jax.ShapeDtypeStruct((N * N,), _i32),
    mesh=plsc.VectorSubcoreMesh(core_axis_name="c", subcore_axis_name="s"),
    scratch_types=[
        pltpu.VMEM((CHUNK,), _i32),
        pltpu.VMEM((CHUNK,), _i32),
    ],
    compiler_params=pltpu.CompilerParams(needs_layout_passes=False),
)


def _main_body(src2_hbm, dst2_hbm, key2_hbm, tbl_hbm,
               sf_hbm, wx_hbm, zrow_hbm, zflat_hbm,
               acc_hbm, z_hbm,
               src_v, dst_v, src2_v, dst1_v, key1_v, tbl_v,
               s_v, rows_v, z_v, acc_sh, sem):
    cid = lax.axis_index("c")
    sid = lax.axis_index("s")
    wid = sid * NC + cid
    base = wid * EPW
    lane = lax.iota(_i32, 16)

    r0 = sid * ROWS_PER_TILE
    pltpu.sync_copy(zrow_hbm, acc_sh.at[pl.ds(r0, ROWS_PER_TILE)])
    pltpu.sync_copy(zflat_hbm, z_v)

    pltpu.sync_copy(src2_hbm.at[wid], src2_v)
    pltpu.sync_copy(sf_hbm, s_v)

    def stage_1d(i, carry):
        pltpu.sync_copy(src2_hbm.at[wid, i], src_v.at[pl.ds(i * CHUNK, CHUNK)])
        pltpu.sync_copy(dst2_hbm.at[wid, i], dst_v.at[pl.ds(i * CHUNK, CHUNK)])
        return carry

    lax.fori_loop(0, NCHUNK, stage_1d, 0)

    def mred(i, macc):
        return jnp.maximum(macc, s_v[pl.ds(i * 16, 16)])

    m16v = lax.fori_loop(0, N * 8 // 16, mred,
                         jnp.full((16,), -3.0e38, _f32))
    mfold = jnp.maximum(
        m16v, m16v.at[(lane + 8) % 16].get(mode="promise_in_bounds"))
    cs = []
    for h in range(HEADS):
        m1 = mfold.at[jnp.full((16,), h, _i32)].get(mode="promise_in_bounds")
        m2 = mfold.at[jnp.full((16,), 4 + h, _i32)].get(
            mode="promise_in_bounds")
        t = m1 + m2
        cs.append(jnp.maximum(t, 0.2 * t))

    plsc.subcore_barrier()

    def chunk_body(j, carry):
        cpa = pltpu.async_copy(dst2_hbm.at[wid, j], dst1_v, sem)
        cpb = pltpu.async_copy(key2_hbm.at[wid, j], key1_v, sem)
        cpc = pltpu.async_copy(wx_hbm.at[src2_v.at[j]], rows_v, sem)
        cpa.wait()
        cpb.wait()
        cpd = pltpu.async_copy(tbl_hbm.at[key1_v], tbl_v, sem)
        cpc.wait()
        cpd.wait()

        def group_body(l, gcarry):
            off = j * CHUNK + l * 16
            erow = l * 16 + lane
            s16 = src_v[pl.ds(off, 16)]
            d16 = dst_v[pl.ds(off, 16)]
            t16 = tbl_v[pl.ds(l * 16, 16)]
            keep = t16 == (base + off + lane)
            for h in range(HEADS):
                s1 = plsc.load_gather(s_v, [s16 * 8 + h])
                s2 = plsc.load_gather(s_v, [d16 * 8 + (4 + h)])
                t = s1 + s2
                e = jnp.maximum(t, 0.2 * t) - cs[h]
                w = jnp.where(keep, jnp.exp(e), 0.0)
                for k in range(16):
                    plsc.addupdate_scatter(z_v, [d16 * 4 + h], w,
                                           mask=lane == k)
                for q in range(HEAD_DIM):
                    colf = jnp.full((16,), h * HEAD_DIM + q, _i32)
                    v = plsc.load_gather(rows_v, [erow, colf])
                    plsc.store_scatter(rows_v, [erow, colf], v * w)
            return gcarry

        lax.fori_loop(0, GROUPS, group_body, 0)
        pltpu.sync_copy(rows_v, acc_sh.at[dst1_v], add=True)
        return carry

    lax.fori_loop(0, NCHUNK, chunk_body, 0)
    plsc.subcore_barrier()

    pltpu.sync_copy(acc_sh.at[pl.ds(r0, ROWS_PER_TILE)],
                    acc_hbm.at[cid, pl.ds(r0, ROWS_PER_TILE)])
    pltpu.sync_copy(z_v, z_hbm.at[wid])


_main = pl.kernel(
    _main_body,
    out_type=(
        jax.ShapeDtypeStruct((NC, N, OUT_DIM), _f32),
        jax.ShapeDtypeStruct((NW, N * HEADS), _f32),
    ),
    mesh=plsc.VectorSubcoreMesh(core_axis_name="c", subcore_axis_name="s"),
    scratch_types=[
        pltpu.VMEM((EPW,), _i32),
        pltpu.VMEM((EPW,), _i32),
        pltpu.VMEM((NCHUNK, CHUNK), _i32),
        pltpu.VMEM((CHUNK,), _i32),
        pltpu.VMEM((CHUNK,), _i32),
        pltpu.VMEM((CHUNK,), _i32),
        pltpu.VMEM((N * 8,), _f32),
        pltpu.VMEM((CHUNK, OUT_DIM), _f32),
        pltpu.VMEM((N * HEADS,), _f32),
        pltpu.VMEM_SHARED((N, OUT_DIM), _f32),
        pltpu.SemaphoreType.DMA,
    ],
    compiler_params=pltpu.CompilerParams(needs_layout_passes=False),
)


def _finish_body(acc_ref, z_ref, o_ref):
    num = acc_ref[0] + acc_ref[1]
    zsum = jnp.sum(z_ref[...], axis=0)
    zz = zsum.reshape(128, N * HEADS // 128)
    ci = lax.broadcasted_iota(_i32, (128, 4096), 0)
    ki = lax.broadcasted_iota(_i32, (128, 4096), 1)
    smat = ((ki // 128) * HEADS + (ki % 128) // HEAD_DIM == ci).astype(_f32)
    zb = jnp.dot(zz, smat, preferred_element_type=_f32,
                 precision=lax.Precision.HIGHEST).reshape(N, OUT_DIM)
    pos = zb > 0
    y = jnp.where(pos, num / jnp.where(pos, zb, 1.0), 0.0)
    o_ref[...] = jnp.where(y > 0, y, jnp.exp(jnp.minimum(y, 0.0)) - 1.0)


_finish = pl.pallas_call(
    _finish_body,
    out_shape=jax.ShapeDtypeStruct((N, OUT_DIM), _f32),
)


@jax.jit
def kernel(x, edge_index, W, a):
    rows = jnp.arange(OUT_DIM)
    hh = rows // HEAD_DIM
    dd = rows % HEAD_DIM
    amat = jnp.zeros((OUT_DIM, OUT_DIM), _f32)
    amat = amat.at[rows, hh].set(a[dd]).at[rows, hh + 4].set(a[HEAD_DIM + dd])

    src2 = edge_index[0].reshape(NW, NCHUNK, CHUNK)
    dst2 = edge_index[1].reshape(NW, NCHUNK, CHUNK)
    key2 = (dst2 * N + src2).astype(_i32)
    id2 = jnp.arange(E, dtype=_i32).reshape(NW, NCHUNK, CHUNK)
    zrow = jnp.zeros((ROWS_PER_TILE, OUT_DIM), _f32)
    zflat = jnp.zeros((N * HEADS,), _f32)

    wx, s8 = _prep(x, W, amat)
    sf = s8.reshape(N * 8)
    tbl = _dedup(key2, id2)
    acc, z = _main(src2, dst2, key2, tbl, sf, wx, zrow, zflat)
    return _finish(acc, z)

# --- scband reference (transcript-rebuilt; emitter-appended) ---
"""Pipeline reference for scband-gatlayer-37366215475783 (READ-ONLY COPY).

The authoritative reference and input builder live on the scoring server;
editing this copy changes nothing except your own understanding.
"""

import jax, jax.numpy as jnp
import numpy as np

N = 4096
E = 131072
IN_DIM = 128
OUT_DIM = 128
HEADS = 4
HEAD_DIM = OUT_DIM // HEADS


def setup_inputs(seed: int = 0) -> dict:
    key = jax.random.key(seed)
    k1, k2, k3, k4 = jax.random.split(key, 4)
    x = jax.random.normal(k1, (N, IN_DIM), dtype=jnp.float32)
    edge_index = jax.random.randint(k2, (2, E), 0, N, dtype=jnp.int32)
    # Learned params (torch nn.Linear(in_dim, out_dim, bias=False) -> W stored as [IN_DIM, OUT_DIM] for x @ W)
    W = jax.random.normal(k3, (IN_DIM, OUT_DIM), dtype=jnp.float32) * (1.0 / np.sqrt(IN_DIM))
    # torch nn.Linear(2*head_dim, 1, bias=False) -> attention vector a of shape [2*HEAD_DIM]
    a = jax.random.normal(k4, (2 * HEAD_DIM,), dtype=jnp.float32) * (1.0 / np.sqrt(2 * HEAD_DIM))
    return {"x": x, "edge_index": edge_index, "W": W, "a": a}


def reference(x, edge_index, W, a):
    # Dropout is identity in eval mode; reference is deterministic.
    n = x.shape[0]
    Wx = (x @ W).reshape(n, HEADS, HEAD_DIM)
    src = edge_index[0]
    dst = edge_index[1]
    cat = jnp.concatenate([Wx[src], Wx[dst]], axis=-1)  # [E, HEADS, 2*HEAD_DIM]
    e = jax.nn.leaky_relu(jnp.einsum('ehd,d->eh', cat, a), negative_slope=0.2)  # [E, HEADS]
    attn = jnp.full((n, n, HEADS), -jnp.inf, dtype=e.dtype)
    attn = attn.at[dst, src].set(e)
    alpha = jax.nn.softmax(attn, axis=1)
    alpha = jnp.nan_to_num(alpha, nan=0.0)
    out = jnp.einsum('ijh,jhd->ihd', alpha, Wx)
    return jax.nn.elu(out.reshape(n, OUT_DIM))

if __name__ == "__main__":
    import jax
    _d = setup_inputs()
    print(jax.jit(kernel)(*tuple(_d.values())))

</pallas_src>

<mosaic_0001>
#map = affine_map<(d0, d1) -> (0, 0, 0)>
#map1 = affine_map<(d0, d1) -> (0)>
module attributes {stable_mosaic.version = 14 : i64} {
  func.func @_dedup_body(%arg0: i32, %arg1: i32, %arg2: memref<32x32x128xi32, #tpu.memory_space<hbm>>, %arg3: memref<32x32x128xi32, #tpu.memory_space<hbm>>, %arg4: memref<16777216xi32, #tpu.memory_space<hbm>>, %arg5: memref<128xi32, #tpu.memory_space<vmem>>, %arg6: memref<128xi32, #tpu.memory_space<vmem>>) attributes {dimension_semantics = [#tpu.dimension_semantics<core_parallel>, #tpu.dimension_semantics<subcore_parallel>], iteration_bounds = array<i64: 2, 16>, scalar_prefetch = 0 : i64, scratch_operands = 2 : i64, tpu.core_type = #tpu.core_type<sc_vector_subcore>, window_params = [{transform_indices = #map}, {transform_indices = #map}, {transform_indices = #map1}]} {
    %mul3A = arith.constant 2 : i32
    %mul3A_0 = arith.muli %arg1, %mul3A : i32
    %add3A = arith.addi %mul3A_0, %arg0 : i32
    %scan3A = arith.constant 0 : i32
    %scan3A_1 = arith.constant 0 : i32
    %scan3A_2 = arith.constant 32 : i32
    %scan3A_3 = arith.addi %scan3A_1, %scan3A_2 : i32
    %scan3A_4 = arith.constant 1 : i32
    scf.for %scan3A_6 = %scan3A_1 to %scan3A_3 step %scan3A_4  : i32 {
      "tpu.region"() ({
        %run_scoped3A = tpu.sem_alloc : memref<!tpu.dma_semaphore, #tpu.memory_space<semaphore_mem>>
        %dma_start3A = arith.constant 0 : i32
        %dma_start3A_7 = tpu.memref_slice %arg2[%add3A, %scan3A_6, %dma_start3A] : memref<32x32x128xi32, #tpu.memory_space<hbm>> -> memref<1x1x128xi32, #tpu.memory_space<hbm>>
        %dma_start3A_8 = tpu.memref_squeeze %dma_start3A_7 : memref<1x1x128xi32, #tpu.memory_space<hbm>> -> memref<128xi32, #tpu.memory_space<hbm>>
        %dma_start3A_9 = arith.constant 0 : i32
        %dma_start3A_10 = tpu.memref_slice %arg2[%add3A, %scan3A_6, %dma_start3A_9] : memref<32x32x128xi32, #tpu.memory_space<hbm>> -> memref<1x1x128xi32, #tpu.memory_space<hbm>>
        %dma_start3A_11 = tpu.memref_squeeze %dma_start3A_10 : memref<1x1x128xi32, #tpu.memory_space<hbm>> -> memref<128xi32, #tpu.memory_space<hbm>>
        tpu.enqueue_dma source(%dma_start3A_11 : memref<128xi32, #tpu.memory_space<hbm>>) target(%arg5 : memref<128xi32, #tpu.memory_space<vmem>>) target_semaphore(%run_scoped3A : memref<!tpu.dma_semaphore, #tpu.memory_space<semaphore_mem>>)
        %dma_wait3A = arith.constant 0 : i32
        %dma_wait3A_12 = tpu.memref_slice %arg2[%add3A, %scan3A_6, %dma_wait3A] : memref<32x32x128xi32, #tpu.memory_space<hbm>> -> memref<1x1x128xi32, #tpu.memory_space<hbm>>
        %dma_wait3A_13 = tpu.memref_squeeze %dma_wait3A_12 : memref<1x1x128xi32, #tpu.memory_space<hbm>> -> memref<128xi32, #tpu.memory_space<hbm>>
        %dma_wait3A_14 = arith.constant 0 : i32
        %dma_wait3A_15 = tpu.memref_slice %arg2[%add3A, %scan3A_6, %dma_wait3A_14] : memref<32x32x128xi32, #tpu.memory_space<hbm>> -> memref<1x1x128xi32, #tpu.memory_space<hbm>>
        %dma_wait3A_16 = tpu.memref_squeeze %dma_wait3A_15 : memref<1x1x128xi32, #tpu.memory_space<hbm>> -> memref<128xi32, #tpu.memory_space<hbm>>
        tpu.wait_dma2 semaphore(%run_scoped3A : memref<!tpu.dma_semaphore, #tpu.memory_space<semaphore_mem>>) src(%dma_wait3A_16 : memref<128xi32, #tpu.memory_space<hbm>>) dst(%arg5 : memref<128xi32, #tpu.memory_space<vmem>>)
        tpu.yield
      }) : () -> ()
      "tpu.region"() ({
        %run_scoped3A = tpu.sem_alloc : memref<!tpu.dma_semaphore, #tpu.memory_space<semaphore_mem>>
        %dma_start3A = arith.constant 0 : i32
        %dma_start3A_7 = tpu.memref_slice %arg3[%add3A, %scan3A_6, %dma_start3A] : memref<32x32x128xi32, #tpu.memory_space<hbm>> -> memref<1x1x128xi32, #tpu.memory_space<hbm>>
        %dma_start3A_8 = tpu.memref_squeeze %dma_start3A_7 : memref<1x1x128xi32, #tpu.memory_space<hbm>> -> memref<128xi32, #tpu.memory_space<hbm>>
        %dma_start3A_9 = arith.constant 0 : i32
        %dma_start3A_10 = tpu.memref_slice %arg3[%add3A, %scan3A_6, %dma_start3A_9] : memref<32x32x128xi32, #tpu.memory_space<hbm>> -> memref<1x1x128xi32, #tpu.memory_space<hbm>>
        %dma_start3A_11 = tpu.memref_squeeze %dma_start3A_10 : memref<1x1x128xi32, #tpu.memory_space<hbm>> -> memref<128xi32, #tpu.memory_space<hbm>>
        tpu.enqueue_dma source(%dma_start3A_11 : memref<128xi32, #tpu.memory_space<hbm>>) target(%arg6 : memref<128xi32, #tpu.memory_space<vmem>>) target_semaphore(%run_scoped3A : memref<!tpu.dma_semaphore, #tpu.memory_space<semaphore_mem>>)
        %dma_wait3A = arith.constant 0 : i32
        %dma_wait3A_12 = tpu.memref_slice %arg3[%add3A, %scan3A_6, %dma_wait3A] : memref<32x32x128xi32, #tpu.memory_space<hbm>> -> memref<1x1x128xi32, #tpu.memory_space<hbm>>
        %dma_wait3A_13 = tpu.memref_squeeze %dma_wait3A_12 : memref<1x1x128xi32, #tpu.memory_space<hbm>> -> memref<128xi32, #tpu.memory_space<hbm>>
        %dma_wait3A_14 = arith.constant 0 : i32
        %dma_wait3A_15 = tpu.memref_slice %arg3[%add3A, %scan3A_6, %dma_wait3A_14] : memref<32x32x128xi32, #tpu.memory_space<hbm>> -> memref<1x1x128xi32, #tpu.memory_space<hbm>>
        %dma_wait3A_16 = tpu.memref_squeeze %dma_wait3A_15 : memref<1x1x128xi32, #tpu.memory_space<hbm>> -> memref<128xi32, #tpu.memory_space<hbm>>
        tpu.wait_dma2 semaphore(%run_scoped3A : memref<!tpu.dma_semaphore, #tpu.memory_space<semaphore_mem>>) src(%dma_wait3A_16 : memref<128xi32, #tpu.memory_space<hbm>>) dst(%arg6 : memref<128xi32, #tpu.memory_space<vmem>>)
        tpu.yield
      }) : () -> ()
      "tpu.region"() ({
        %run_scoped3A = tpu.sem_alloc : memref<!tpu.dma_semaphore, #tpu.memory_space<semaphore_mem>>
        %dma_start3A = arith.constant 0 : i32
        %dma_start3A_7 = tpu.memref_slice %arg4[%dma_start3A] : memref<16777216xi32, #tpu.memory_space<hbm>> -> memref<16777216xi32, #tpu.memory_space<hbm>>
        tpu.enqueue_indirect_dma source(%arg6 : memref<128xi32, #tpu.memory_space<vmem>>) target(%dma_start3A_7 : memref<16777216xi32, #tpu.memory_space<hbm>>) offsets(%arg5 : memref<128xi32, #tpu.memory_space<vmem>>) semaphore(%run_scoped3A : memref<!tpu.dma_semaphore, #tpu.memory_space<semaphore_mem>>)
        %dma_wait3A = arith.constant 0 : i32
        %dma_wait3A_8 = tpu.memref_slice %arg4[%dma_wait3A] : memref<16777216xi32, #tpu.memory_space<hbm>> -> memref<16777216xi32, #tpu.memory_space<hbm>>
        tpu.wait_indirect_dma semaphore(%run_scoped3A : memref<!tpu.dma_semaphore, #tpu.memory_space<semaphore_mem>>) src(%arg6 : memref<128xi32, #tpu.memory_space<vmem>>) dst(%dma_wait3A_8 : memref<16777216xi32, #tpu.memory_space<hbm>>)
        tpu.yield
      }) : () -> ()
    }
    %scan3A_5 = arith.constant 32 : i32
    return
  }
}

#map = affine_map<(d0, d1) -> (0, 0, 0)>
#map1 = affine_map<(d0, d1) -> (0)>
#map2 = affine_map<(d0, d1) -> (0, 0)>
module attributes {stable_mosaic.version = 14 : i64} {
  func.func @_main_body(%arg0: i32, %arg1: i32, %arg2: memref<32x32x128xi32, #tpu.memory_space<hbm>>, %arg3: memref<32x32x128xi32, #tpu.memory_space<hbm>>, %arg4: memref<32x32x128xi32, #tpu.memory_space<hbm>>, %arg5: memref<16777216xi32, #tpu.memory_space<hbm>>, %arg6: memref<32768xf32, #tpu.memory_space<hbm>>, %arg7: memref<4096x128xf32, #tpu.memory_space<hbm>>, %arg8: memref<256x128xf32, #tpu.memory_space<hbm>>, %arg9: memref<16384xf32, #tpu.memory_space<hbm>>, %arg10: memref<2x4096x128xf32, #tpu.memory_space<hbm>>, %arg11: memref<32x16384xf32, #tpu.memory_space<hbm>>, %arg12: memref<4096xi32, #tpu.memory_space<vmem>>, %arg13: memref<4096xi32, #tpu.memory_space<vmem>>, %arg14: memref<32x128xi32, #tpu.memory_space<vmem>>, %arg15: memref<128xi32, #tpu.memory_space<vmem>>, %arg16: memref<128xi32, #tpu.memory_space<vmem>>, %arg17: memref<128xi32, #tpu.memory_space<vmem>>, %arg18: memref<32768xf32, #tpu.memory_space<vmem>>, %arg19: memref<128x128xf32, #tpu.memory_space<vmem>>, %arg20: memref<16384xf32, #tpu.memory_space<vmem>>, %arg21: memref<4096x128xf32, #tpu.memory_space<vmem_shared>>, %arg22: memref<!tpu.dma_semaphore, #tpu.memory_space<semaphore_mem>>) attributes {dimension_semantics = [#tpu.dimension_semantics<core_parallel>, #tpu.dimension_semantics<subcore_parallel>], iteration_bounds = array<i64: 2, 16>, scalar_prefetch = 0 : i64, scratch_operands = 11 : i64, tpu.core_type = #tpu.core_type<sc_vector_subcore>, window_params = [{transform_indices = #map}, {transform_indices = #map}, {transform_indices = #map}, {transform_indices = #map1}, {transform_indices = #map1}, {transform_indices = #map2}, {transform_indices = #map2}, {transform_indices = #map1}, {transform_indices = #map}, {transform_indices = #map2}]} {
    %mul3A = arith.constant 2 : i32
    %mul3A_0 = arith.muli %arg1, %mul3A : i32
    %add3A = arith.addi %mul3A_0, %arg0 : i32
    %mul3A_1 = arith.constant 4096 : i32
    %mul3A_2 = arith.muli %add3A, %mul3A_1 : i32
    %iota3A = tpu.iota {dimensions = array<i32: 0>} : vector<16xi32>
    %mul3A_3 = arith.constant 256 : i32
    %mul3A_4 = arith.muli %arg1, %mul3A_3 : i32
    "tpu.region"() ({
      %run_scoped3A = tpu.sem_alloc : memref<!tpu.dma_semaphore, #tpu.memory_space<semaphore_mem>>
      %dma_start3A = arith.constant 0 : i32
      %dma_start3A_167 = tpu.memref_slice %arg21[%mul3A_4, %dma_start3A] : memref<4096x128xf32, #tpu.memory_space<vmem_shared>> -> memref<256x128xf32, #tpu.memory_space<vmem_shared>>
      tpu.enqueue_dma source(%arg8 : memref<256x128xf32, #tpu.memory_space<hbm>>) target(%dma_start3A_167 : memref<256x128xf32, #tpu.memory_space<vmem_shared>>) target_semaphore(%run_scoped3A : memref<!tpu.dma_semaphore, #tpu.memory_space<semaphore_mem>>)
      %dma_wait3A = arith.constant 0 : i32
      %dma_wait3A_168 = tpu.memref_slice %arg21[%mul3A_4, %dma_wait3A] : memref<4096x128xf32, #tpu.memory_space<vmem_shared>> -> memref<256x128xf32, #tpu.memory_space<vmem_shared>>
      tpu.wait_dma2 semaphore(%run_scoped3A : memref<!tpu.dma_semaphore, #tpu.memory_space<semaphore_mem>>) src(%arg8 : memref<256x128xf32, #tpu.memory_space<hbm>>) dst(%dma_wait3A_168 : memref<256x128xf32, #tpu.memory_space<vmem_shared>>)
      tpu.yield
    }) : () -> ()
    "tpu.region"() ({
      %run_scoped3A = tpu.sem_alloc : memref<!tpu.dma_semaphore, #tpu.memory_space<semaphore_mem>>
      tpu.enqueue_dma source(%arg9 : memref<16384xf32, #tpu.memory_space<hbm>>) target(%arg20 : memref<16384xf32, #tpu.memory_space<vmem>>) target_semaphore(%run_scoped3A : memref<!tpu.dma_semaphore, #tpu.memory_space<semaphore_mem>>)
      tpu.wait_dma2 semaphore(%run_scoped3A : memref<!tpu.dma_semaphore, #tpu.memory_space<semaphore_mem>>) src(%arg9 : memref<16384xf32, #tpu.memory_space<hbm>>) dst(%arg20 : memref<16384xf32, #tpu.memory_space<vmem>>)
      tpu.yield
    }) : () -> ()
    "tpu.region"() ({
      %run_scoped3A = tpu.sem_alloc : memref<!tpu.dma_semaphore, #tpu.memory_space<semaphore_mem>>
      %dma_start3A = arith.constant 0 : i32
      %dma_start3A_167 = arith.constant 0 : i32
      %dma_start3A_168 = tpu.memref_slice %arg2[%add3A, %dma_start3A, %dma_start3A_167] : memref<32x32x128xi32, #tpu.memory_space<hbm>> -> memref<1x32x128xi32, #tpu.memory_space<hbm>>
      %dma_start3A_169 = tpu.memref_squeeze %dma_start3A_168 : memref<1x32x128xi32, #tpu.memory_space<hbm>> -> memref<32x128xi32, #tpu.memory_space<hbm>>
      %dma_start3A_170 = arith.constant 0 : i32
      %dma_start3A_171 = arith.constant 0 : i32
      %dma_start3A_172 = tpu.memref_slice %arg2[%add3A, %dma_start3A_170, %dma_start3A_171] : memref<32x32x128xi32, #tpu.memory_space<hbm>> -> memref<1x32x128xi32, #tpu.memory_space<hbm>>
      %dma_start3A_173 = tpu.memref_squeeze %dma_start3A_172 : memref<1x32x128xi32, #tpu.memory_space<hbm>> -> memref<32x128xi32, #tpu.memory_space<hbm>>
      tpu.enqueue_dma source(%dma_start3A_173 : memref<32x128xi32, #tpu.memory_space<hbm>>) target(%arg14 : memref<32x128xi32, #tpu.memory_space<vmem>>) target_semaphore(%run_scoped3A : memref<!tpu.dma_semaphore, #tpu.memory_space<semaphore_mem>>)
      %dma_wait3A = arith.constant 0 : i32
      %dma_wait3A_174 = arith.constant 0 : i32
      %dma_wait3A_175 = tpu.memref_slice %arg2[%add3A, %dma_wait3A, %dma_wait3A_174] : memref<32x32x128xi32, #tpu.memory_space<hbm>> -> memref<1x32x128xi32, #tpu.memory_space<hbm>>
      %dma_wait3A_176 = tpu.memref_squeeze %dma_wait3A_175 : memref<1x32x128xi32, #tpu.memory_space<hbm>> -> memref<32x128xi32, #tpu.memory_space<hbm>>
      %dma_wait3A_177 = arith.constant 0 : i32
      %dma_wait3A_178 = arith.constant 0 : i32
      %dma_wait3A_179 = tpu.memref_slice %arg2[%add3A, %dma_wait3A_177, %dma_wait3A_178] : memref<32x32x128xi32, #tpu.memory_space<hbm>> -> memref<1x32x128xi32, #tpu.memory_space<hbm>>
      %dma_wait3A_180 = tpu.memref_squeeze %dma_wait3A_179 : memref<1x32x128xi32, #tpu.memory_space<hbm>> -> memref<32x128xi32, #tpu.memory_space<hbm>>
      tpu.wait_dma2 semaphore(%run_scoped3A : memref<!tpu.dma_semaphore, #tpu.memory_space<semaphore_mem>>) src(%dma_wait3A_180 : memref<32x128xi32, #tpu.memory_space<hbm>>) dst(%arg14 : memref<32x128xi32, #tpu.memory_space<vmem>>)
      tpu.yield
    }) : () -> ()
    "tpu.region"() ({
      %run_scoped3A = tpu.sem_alloc : memref<!tpu.dma_semaphore, #tpu.memory_space<semaphore_mem>>
      tpu.enqueue_dma source(%arg6 : memref<32768xf32, #tpu.memory_space<hbm>>) target(%arg18 : memref<32768xf32, #tpu.memory_space<vmem>>) target_semaphore(%run_scoped3A : memref<!tpu.dma_semaphore, #tpu.memory_space<semaphore_mem>>)
      tpu.wait_dma2 semaphore(%run_scoped3A : memref<!tpu.dma_semaphore, #tpu.memory_space<semaphore_mem>>) src(%arg6 : memref<32768xf32, #tpu.memory_space<hbm>>) dst(%arg18 : memref<32768xf32, #tpu.memory_space<vmem>>)
      tpu.yield
    }) : () -> ()
    %scan3A = arith.constant 0 : i32
    %scan3A_5 = arith.constant 0 : i32
    %scan3A_6 = arith.constant 32 : i32
    %scan3A_7 = arith.addi %scan3A_5, %scan3A_6 : i32
    %scan3A_8 = arith.constant 1 : i32
    scf.for %scan3A_167 = %scan3A_5 to %scan3A_7 step %scan3A_8  : i32 {
      %mul3A_168 = arith.constant 128 : i32
      %mul3A_169 = arith.muli %scan3A_167, %mul3A_168 : i32
      "tpu.region"() ({
        %run_scoped3A = tpu.sem_alloc : memref<!tpu.dma_semaphore, #tpu.memory_space<semaphore_mem>>
        %dma_start3A = tpu.memref_slice %arg12[%mul3A_169] : memref<4096xi32, #tpu.memory_space<vmem>> -> memref<128xi32, #tpu.memory_space<vmem>>
        %dma_start3A_172 = arith.constant 0 : i32
        %dma_start3A_173 = tpu.memref_slice %arg2[%add3A, %scan3A_167, %dma_start3A_172] : memref<32x32x128xi32, #tpu.memory_space<hbm>> -> memref<1x1x128xi32, #tpu.memory_space<hbm>>
        %dma_start3A_174 = tpu.memref_squeeze %dma_start3A_173 : memref<1x1x128xi32, #tpu.memory_space<hbm>> -> memref<128xi32, #tpu.memory_space<hbm>>
        %dma_start3A_175 = tpu.memref_slice %arg12[%mul3A_169] : memref<4096xi32, #tpu.memory_space<vmem>> -> memref<128xi32, #tpu.memory_space<vmem>>
        %dma_start3A_176 = arith.constant 0 : i32
        %dma_start3A_177 = tpu.memref_slice %arg2[%add3A, %scan3A_167, %dma_start3A_176] : memref<32x32x128xi32, #tpu.memory_space<hbm>> -> memref<1x1x128xi32, #tpu.memory_space<hbm>>
        %dma_start3A_178 = tpu.memref_squeeze %dma_start3A_177 : memref<1x1x128xi32, #tpu.memory_space<hbm>> -> memref<128xi32, #tpu.memory_space<hbm>>
        tpu.enqueue_dma source(%dma_start3A_178 : memref<128xi32, #tpu.memory_space<hbm>>) target(%dma_start3A_175 : memref<128xi32, #tpu.memory_space<vmem>>) target_semaphore(%run_scoped3A : memref<!tpu.dma_semaphore, #tpu.memory_space<semaphore_mem>>)
        %dma_wait3A = tpu.memref_slice %arg12[%mul3A_169] : memref<4096xi32, #tpu.memory_space<vmem>> -> memref<128xi32, #tpu.memory_space<vmem>>
        %dma_wait3A_179 = arith.constant 0 : i32
        %dma_wait3A_180 = tpu.memref_slice %arg2[%add3A, %scan3A_167, %dma_wait3A_179] : memref<32x32x128xi32, #tpu.memory_space<hbm>> -> memref<1x1x128xi32, #tpu.memory_space<hbm>>
        %dma_wait3A_181 = tpu.memref_squeeze %dma_wait3A_180 : memref<1x1x128xi32, #tpu.memory_space<hbm>> -> memref<128xi32, #tpu.memory_space<hbm>>
        %dma_wait3A_182 = tpu.memref_slice %arg12[%mul3A_169] : memref<4096xi32, #tpu.memory_space<vmem>> -> memref<128xi32, #tpu.memory_space<vmem>>
        %dma_wait3A_183 = arith.constant 0 : i32
        %dma_wait3A_184 = tpu.memref_slice %arg2[%add3A, %scan3A_167, %dma_wait3A_183] : memref<32x32x128xi32, #tpu.memory_space<hbm>> -> memref<1x1x128xi32, #tpu.memory_space<hbm>>
        %dma_wait3A_185 = tpu.memref_squeeze %dma_wait3A_184 : memref<1x1x128xi32, #tpu.memory_space<hbm>> -> memref<128xi32, #tpu.memory_space<hbm>>
        tpu.wait_dma2 semaphore(%run_scoped3A : memref<!tpu.dma_semaphore, #tpu.memory_space<semaphore_mem>>) src(%dma_wait3A_185 : memref<128xi32, #tpu.memory_space<hbm>>) dst(%dma_wait3A_182 : memref<128xi32, #tpu.memory_space<vmem>>)
        tpu.yield
      }) : () -> ()
      %mul3A_170 = arith.constant 128 : i32
      %mul3A_171 = arith.muli %scan3A_167, %mul3A_170 : i32
      "tpu.region"() ({
        %run_scoped3A = tpu.sem_alloc : memref<!tpu.dma_semaphore, #tpu.memory_space<semaphore_mem>>
        %dma_start3A = tpu.memref_slice %arg13[%mul3A_171] : memref<4096xi32, #tpu.memory_space<vmem>> -> memref<128xi32, #tpu.memory_space<vmem>>
        %dma_start3A_172 = arith.constant 0 : i32
        %dma_start3A_173 = tpu.memref_slice %arg3[%add3A, %scan3A_167, %dma_start3A_172] : memref<32x32x128xi32, #tpu.memory_space<hbm>> -> memref<1x1x128xi32, #tpu.memory_space<hbm>>
        %dma_start3A_174 = tpu.memref_squeeze %dma_start3A_173 : memref<1x1x128xi32, #tpu.memory_space<hbm>> -> memref<128xi32, #tpu.memory_space<hbm>>
        %dma_start3A_175 = tpu.memref_slice %arg13[%mul3A_171] : memref<4096xi32, #tpu.memory_space<vmem>> -> memref<128xi32, #tpu.memory_space<vmem>>
        %dma_start3A_176 = arith.constant 0 : i32
        %dma_start3A_177 = tpu.memref_slice %arg3[%add3A, %scan3A_167, %dma_start3A_176] : memref<32x32x128xi32, #tpu.memory_space<hbm>> -> memref<1x1x128xi32, #tpu.memory_space<hbm>>
        %dma_start3A_178 = tpu.memref_squeeze %dma_start3A_177 : memref<1x1x128xi32, #tpu.memory_space<hbm>> -> memref<128xi32, #tpu.memory_space<hbm>>
        tpu.enqueue_dma source(%dma_start3A_178 : memref<128xi32, #tpu.memory_space<hbm>>) target(%dma_start3A_175 : memref<128xi32, #tpu.memory_space<vmem>>) target_semaphore(%run_scoped3A : memref<!tpu.dma_semaphore, #tpu.memory_space<semaphore_mem>>)
        %dma_wait3A = tpu.memref_slice %arg13[%mul3A_171] : memref<4096xi32, #tpu.memory_space<vmem>> -> memref<128xi32, #tpu.memory_space<vmem>>
        %dma_wait3A_179 = arith.constant 0 : i32
        %dma_wait3A_180 = tpu.memref_slice %arg3[%add3A, %scan3A_167, %dma_wait3A_179] : memref<32x32x128xi32, #tpu.memory_space<hbm>> -> memref<1x1x128xi32, #tpu.memory_space<hbm>>
        %dma_wait3A_181 = tpu.memref_squeeze %dma_wait3A_180 : memref<1x1x128xi32, #tpu.memory_space<hbm>> -> memref<128xi32, #tpu.memory_space<hbm>>
        %dma_wait3A_182 = tpu.memref_slice %arg13[%mul3A_171] : memref<4096xi32, #tpu.memory_space<vmem>> -> memref<128xi32, #tpu.memory_space<vmem>>
        %dma_wait3A_183 = arith.constant 0 : i32
        %dma_wait3A_184 = tpu.memref_slice %arg3[%add3A, %scan3A_167, %dma_wait3A_183] : memref<32x32x128xi32, #tpu.memory_space<hbm>> -> memref<1x1x128xi32, #tpu.memory_space<hbm>>
        %dma_wait3A_185 = tpu.memref_squeeze %dma_wait3A_184 : memref<1x1x128xi32, #tpu.memory_space<hbm>> -> memref<128xi32, #tpu.memory_space<hbm>>
        tpu.wait_dma2 semaphore(%run_scoped3A : memref<!tpu.dma_semaphore, #tpu.memory_space<semaphore_mem>>) src(%dma_wait3A_185 : memref<128xi32, #tpu.memory_space<hbm>>) dst(%dma_wait3A_182 : memref<128xi32, #tpu.memory_space<vmem>>)
        tpu.yield
      }) : () -> ()
    }
    %scan3A_9 = arith.constant 32 : i32
    %broadcast_in_dim3A = arith.constant -3.000000e+38 : f32
    %broadcast_in_dim3A_10 = vector.broadcast %broadcast_in_dim3A : f32 to vector<16xf32>
    %scan3A_11 = arith.constant 0 : i32
    %scan3A_12 = arith.constant 2048 : i32
    %scan3A_13 = arith.addi %scan3A_11, %scan3A_12 : i32
    %scan3A_14 = arith.constant 1 : i32
    %scan3A_15 = scf.for %scan3A_167 = %scan3A_11 to %scan3A_13 step %scan3A_14 iter_args(%scan3A_168 = %broadcast_in_dim3A_10) -> (vector<16xf32>)  : i32 {
      %mul3A_169 = arith.constant 16 : i32
      %mul3A_170 = arith.muli %scan3A_167, %mul3A_169 : i32
      %get3A = arith.index_cast %mul3A_170 : i32 to index
      %get3A_171 = tpu.vector_load %arg18[%get3A] {strides = array<i32>} : memref<32768xf32, #tpu.memory_space<vmem>>, vector<16xf32>,
      %max3A_172 = arith.maximumf %scan3A_168, %get3A_171 : vector<16xf32>
      scf.yield %max3A_172 : vector<16xf32>
    }
    %scan3A_16 = arith.constant 2048 : i32
    %add3A_17 = arith.constant 8 : i32
    %add3A_18 = vector.broadcast %add3A_17 : i32 to vector<16xi32>
    %add3A_19 = arith.addi %iota3A, %add3A_18 : vector<16xi32>
    %jit3A = arith.constant 16 : i32
    %eq3A = arith.constant 0 : i32
    %eq3A_20 = arith.cmpi eq, %jit3A, %eq3A : i32
    %jit3A_21 = arith.constant 1 : i32
    %select_n3A = arith.select %eq3A_20, %jit3A_21, %jit3A : i32
    %rem3A = vector.broadcast %select_n3A : i32 to vector<16xi32>
    %rem3A_22 = arith.remsi %add3A_19, %rem3A : vector<16xi32>
    %ne3A = arith.constant 0 : i32
    %ne3A_23 = vector.broadcast %ne3A : i32 to vector<16xi32>
    %ne3A_24 = arith.cmpi ne, %rem3A_22, %ne3A_23 : vector<16xi32>
    %lt3A = arith.constant 0 : i32
    %lt3A_25 = vector.broadcast %lt3A : i32 to vector<16xi32>
    %lt3A_26 = arith.cmpi slt, %rem3A_22, %lt3A_25 : vector<16xi32>
    %lt3A_27 = arith.constant 0 : i32
    %lt3A_28 = arith.cmpi slt, %select_n3A, %lt3A_27 : i32
    %ne3A_29 = vector.broadcast %lt3A_28 : i1 to vector<16xi1>
    %ne3A_30 = vector.broadcast %ne3A_29 : vector<16xi1> to vector<16xi1>
    %ne3A_31 = arith.xori %lt3A_26, %ne3A_30 : vector<16xi1>
    %and3A = arith.andi %ne3A_31, %ne3A_24 : vector<16xi1>
    %add3A_32 = vector.broadcast %select_n3A : i32 to vector<16xi32>
    %add3A_33 = arith.addi %rem3A_22, %add3A_32 : vector<16xi32>
    %select_n3A_34 = arith.select %and3A, %add3A_33, %rem3A_22 : vector<16xi1>, vector<16xi32>
    %lt3A_35 = arith.constant 0 : i32
    %lt3A_36 = vector.broadcast %lt3A_35 : i32 to vector<16xi32>
    %lt3A_37 = arith.cmpi slt, %select_n3A_34, %lt3A_36 : vector<16xi32>
    %add3A_38 = arith.constant 16 : i32
    %add3A_39 = vector.broadcast %add3A_38 : i32 to vector<16xi32>
    %add3A_40 = arith.addi %select_n3A_34, %add3A_39 : vector<16xi32>
    %select_n3A_41 = arith.select %lt3A_37, %add3A_40, %select_n3A_34 : vector<16xi1>, vector<16xi32>
    %broadcast_in_dim3A_42 = vector.shape_cast %select_n3A_41 : vector<16xi32> to vector<16x1xi32>
    %gather3A = vector.shape_cast %broadcast_in_dim3A_42 : vector<16x1xi32> to vector<16xi32>
    %gather3A_43 = tpu.dynamic_gather %scan3A_15[%gather3A] in [0] : vector<16xf32>, vector<16xi32> -> vector<16xf32>
    %max3A = arith.maximumf %scan3A_15, %gather3A_43 : vector<16xf32>
    %broadcast_in_dim3A_44 = arith.constant 0 : i32
    %broadcast_in_dim3A_45 = vector.broadcast %broadcast_in_dim3A_44 : i32 to vector<16xi32>
    %lt3A_46 = arith.constant 0 : i32
    %lt3A_47 = vector.broadcast %lt3A_46 : i32 to vector<16xi32>
    %lt3A_48 = arith.cmpi slt, %broadcast_in_dim3A_45, %lt3A_47 : vector<16xi32>
    %add3A_49 = arith.constant 16 : i32
    %add3A_50 = vector.broadcast %add3A_49 : i32 to vector<16xi32>
    %add3A_51 = arith.addi %broadcast_in_dim3A_45, %add3A_50 : vector<16xi32>
    %select_n3A_52 = arith.select %lt3A_48, %add3A_51, %broadcast_in_dim3A_45 : vector<16xi1>, vector<16xi32>
    %broadcast_in_dim3A_53 = vector.shape_cast %select_n3A_52 : vector<16xi32> to vector<16x1xi32>
    %gather3A_54 = vector.shape_cast %broadcast_in_dim3A_53 : vector<16x1xi32> to vector<16xi32>
    %gather3A_55 = tpu.dynamic_gather %max3A[%gather3A_54] in [0] : vector<16xf32>, vector<16xi32> -> vector<16xf32>
    %broadcast_in_dim3A_56 = arith.constant 4 : i32
    %broadcast_in_dim3A_57 = vector.broadcast %broadcast_in_dim3A_56 : i32 to vector<16xi32>
    %lt3A_58 = arith.constant 0 : i32
    %lt3A_59 = vector.broadcast %lt3A_58 : i32 to vector<16xi32>
    %lt3A_60 = arith.cmpi slt, %broadcast_in_dim3A_57, %lt3A_59 : vector<16xi32>
    %add3A_61 = arith.constant 16 : i32
    %add3A_62 = vector.broadcast %add3A_61 : i32 to vector<16xi32>
    %add3A_63 = arith.addi %broadcast_in_dim3A_57, %add3A_62 : vector<16xi32>
    %select_n3A_64 = arith.select %lt3A_60, %add3A_63, %broadcast_in_dim3A_57 : vector<16xi1>, vector<16xi32>
    %broadcast_in_dim3A_65 = vector.shape_cast %select_n3A_64 : vector<16xi32> to vector<16x1xi32>
    %gather3A_66 = vector.shape_cast %broadcast_in_dim3A_65 : vector<16x1xi32> to vector<16xi32>
    %gather3A_67 = tpu.dynamic_gather %max3A[%gather3A_66] in [0] : vector<16xf32>, vector<16xi32> -> vector<16xf32>
    %add3A_68 = arith.addf %gather3A_55, %gather3A_67 : vector<16xf32>
    %mul3A_69 = arith.constant 2.000000e-01 : f32
    %mul3A_70 = vector.broadcast %mul3A_69 : f32 to vector<16xf32>
    %mul3A_71 = arith.mulf %mul3A_70, %add3A_68 : vector<16xf32>
    %max3A_72 = arith.maximumf %add3A_68, %mul3A_71 : vector<16xf32>
    %broadcast_in_dim3A_73 = arith.constant 1 : i32
    %broadcast_in_dim3A_74 = vector.broadcast %broadcast_in_dim3A_73 : i32 to vector<16xi32>
    %lt3A_75 = arith.constant 0 : i32
    %lt3A_76 = vector.broadcast %lt3A_75 : i32 to vector<16xi32>
    %lt3A_77 = arith.cmpi slt, %broadcast_in_dim3A_74, %lt3A_76 : vector<16xi32>
    %add3A_78 = arith.constant 16 : i32
    %add3A_79 = vector.broadcast %add3A_78 : i32 to vector<16xi32>
    %add3A_80 = arith.addi %broadcast_in_dim3A_74, %add3A_79 : vector<16xi32>
    %select_n3A_81 = arith.select %lt3A_77, %add3A_80, %broadcast_in_dim3A_74 : vector<16xi1>, vector<16xi32>
    %broadcast_in_dim3A_82 = vector.shape_cast %select_n3A_81 : vector<16xi32> to vector<16x1xi32>
    %gather3A_83 = vector.shape_cast %broadcast_in_dim3A_82 : vector<16x1xi32> to vector<16xi32>
    %gather3A_84 = tpu.dynamic_gather %max3A[%gather3A_83] in [0] : vector<16xf32>, vector<16xi32> -> vector<16xf32>
    %broadcast_in_dim3A_85 = arith.constant 5 : i32
    %broadcast_in_dim3A_86 = vector.broadcast %broadcast_in_dim3A_85 : i32 to vector<16xi32>
    %lt3A_87 = arith.constant 0 : i32
    %lt3A_88 = vector.broadcast %lt3A_87 : i32 to vector<16xi32>
    %lt3A_89 = arith.cmpi slt, %broadcast_in_dim3A_86, %lt3A_88 : vector<16xi32>
    %add3A_90 = arith.constant 16 : i32
    %add3A_91 = vector.broadcast %add3A_90 : i32 to vector<16xi32>
    %add3A_92 = arith.addi %broadcast_in_dim3A_86, %add3A_91 : vector<16xi32>
    %select_n3A_93 = arith.select %lt3A_89, %add3A_92, %broadcast_in_dim3A_86 : vector<16xi1>, vector<16xi32>
    %broadcast_in_dim3A_94 = vector.shape_cast %select_n3A_93 : vector<16xi32> to vector<16x1xi32>
    %gather3A_95 = vector.shape_cast %broadcast_in_dim3A_94 : vector<16x1xi32> to vector<16xi32>
    %gather3A_96 = tpu.dynamic_gather %max3A[%gather3A_95] in [0] : vector<16xf32>, vector<16xi32> -> vector<16xf32>
    %add3A_97 = arith.addf %gather3A_84, %gather3A_96 : vector<16xf32>
    %mul3A_98 = arith.constant 2.000000e-01 : f32
    %mul3A_99 = vector.broadcast %mul3A_98 : f32 to vector<16xf32>
    %mul3A_100 = arith.mulf %mul3A_99, %add3A_97 : vector<16xf32>
    %max3A_101 = arith.maximumf %add3A_97, %mul3A_100 : vector<16xf32>
    %broadcast_in_dim3A_102 = arith.constant 2 : i32
    %broadcast_in_dim3A_103 = vector.broadcast %broadcast_in_dim3A_102 : i32 to vector<16xi32>
    %lt3A_104 = arith.constant 0 : i32
    %lt3A_105 = vector.broadcast %lt3A_104 : i32 to vector<16xi32>
    %lt3A_106 = arith.cmpi slt, %broadcast_in_dim3A_103, %lt3A_105 : vector<16xi32>
    %add3A_107 = arith.constant 16 : i32
    %add3A_108 = vector.broadcast %add3A_107 : i32 to vector<16xi32>
    %add3A_109 = arith.addi %broadcast_in_dim3A_103, %add3A_108 : vector<16xi32>
    %select_n3A_110 = arith.select %lt3A_106, %add3A_109, %broadcast_in_dim3A_103 : vector<16xi1>, vector<16xi32>
    %broadcast_in_dim3A_111 = vector.shape_cast %select_n3A_110 : vector<16xi32> to vector<16x1xi32>
    %gather3A_112 = vector.shape_cast %broadcast_in_dim3A_111 : vector<16x1xi32> to vector<16xi32>
    %gather3A_113 = tpu.dynamic_gather %max3A[%gather3A_112] in [0] : vector<16xf32>, vector<16xi32> -> vector<16xf32>
    %broadcast_in_dim3A_114 = arith.constant 6 : i32
    %broadcast_in_dim3A_115 = vector.broadcast %broadcast_in_dim3A_114 : i32 to vector<16xi32>
    %lt3A_116 = arith.constant 0 : i32
    %lt3A_117 = vector.broadcast %lt3A_116 : i32 to vector<16xi32>
    %lt3A_118 = arith.cmpi slt, %broadcast_in_dim3A_115, %lt3A_117 : vector<16xi32>
    %add3A_119 = arith.constant 16 : i32
    %add3A_120 = vector.broadcast %add3A_119 : i32 to vector<16xi32>
    %add3A_121 = arith.addi %broadcast_in_dim3A_115, %add3A_120 : vector<16xi32>
    %select_n3A_122 = arith.select %lt3A_118, %add3A_121, %broadcast_in_dim3A_115 : vector<16xi1>, vector<16xi32>
    %broadcast_in_dim3A_123 = vector.shape_cast %select_n3A_122 : vector<16xi32> to vector<16x1xi32>
    %gather3A_124 = vector.shape_cast %broadcast_in_dim3A_123 : vector<16x1xi32> to vector<16xi32>
    %gather3A_125 = tpu.dynamic_gather %max3A[%gather3A_124] in [0] : vector<16xf32>, vector<16xi32> -> vector<16xf32>
    %add3A_126 = arith.addf %gather3A_113, %gather3A_125 : vector<16xf32>
    %mul3A_127 = arith.constant 2.000000e-01 : f32
    %mul3A_128 = vector.broadcast %mul3A_127 : f32 to vector<16xf32>
    %mul3A_129 = arith.mulf %mul3A_128, %add3A_126 : vector<16xf32>
    %max3A_130 = arith.maximumf %add3A_126, %mul3A_129 : vector<16xf32>
    %broadcast_in_dim3A_131 = arith.constant 3 : i32
    %broadcast_in_dim3A_132 = vector.broadcast %broadcast_in_dim3A_131 : i32 to vector<16xi32>
    %lt3A_133 = arith.constant 0 : i32
    %lt3A_134 = vector.broadcast %lt3A_133 : i32 to vector<16xi32>
    %lt3A_135 = arith.cmpi slt, %broadcast_in_dim3A_132, %lt3A_134 : vector<16xi32>
    %add3A_136 = arith.constant 16 : i32
    %add3A_137 = vector.broadcast %add3A_136 : i32 to vector<16xi32>
    %add3A_138 = arith.addi %broadcast_in_dim3A_132, %add3A_137 : vector<16xi32>
    %select_n3A_139 = arith.select %lt3A_135, %add3A_138, %broadcast_in_dim3A_132 : vector<16xi1>, vector<16xi32>
    %broadcast_in_dim3A_140 = vector.shape_cast %select_n3A_139 : vector<16xi32> to vector<16x1xi32>
    %gather3A_141 = vector.shape_cast %broadcast_in_dim3A_140 : vector<16x1xi32> to vector<16xi32>
    %gather3A_142 = tpu.dynamic_gather %max3A[%gather3A_141] in [0] : vector<16xf32>, vector<16xi32> -> vector<16xf32>
    %broadcast_in_dim3A_143 = arith.constant 7 : i32
    %broadcast_in_dim3A_144 = vector.broadcast %broadcast_in_dim3A_143 : i32 to vector<16xi32>
    %lt3A_145 = arith.constant 0 : i32
    %lt3A_146 = vector.broadcast %lt3A_145 : i32 to vector<16xi32>
    %lt3A_147 = arith.cmpi slt, %broadcast_in_dim3A_144, %lt3A_146 : vector<16xi32>
    %add3A_148 = arith.constant 16 : i32
    %add3A_149 = vector.broadcast %add3A_148 : i32 to vector<16xi32>
    %add3A_150 = arith.addi %broadcast_in_dim3A_144, %add3A_149 : vector<16xi32>
    %select_n3A_151 = arith.select %lt3A_147, %add3A_150, %broadcast_in_dim3A_144 : vector<16xi1>, vector<16xi32>
    %broadcast_in_dim3A_152 = vector.shape_cast %select_n3A_151 : vector<16xi32> to vector<16x1xi32>
    %gather3A_153 = vector.shape_cast %broadcast_in_dim3A_152 : vector<16x1xi32> to vector<16xi32>
    %gather3A_154 = tpu.dynamic_gather %max3A[%gather3A_153] in [0] : vector<16xf32>, vector<16xi32> -> vector<16xf32>
    %add3A_155 = arith.addf %gather3A_142, %gather3A_154 : vector<16xf32>
    %mul3A_156 = arith.constant 2.000000e-01 : f32
    %mul3A_157 = vector.broadcast %mul3A_156 : f32 to vector<16xf32>
    %mul3A_158 = arith.mulf %mul3A_157, %add3A_155 : vector<16xf32>
    %max3A_159 = arith.maximumf %add3A_155, %mul3A_158 : vector<16xf32>
    %barrier3A = arith.constant 0 : index
    tpu.barrier barrier_id(%barrier3A)
    %scan3A_160 = arith.constant 0 : i32
    %scan3A_161 = arith.constant 0 : i32
    %scan3A_162 = arith.constant 32 : i32
    %scan3A_163 = arith.addi %scan3A_161, %scan3A_162 : i32
    %scan3A_164 = arith.constant 1 : i32
    scf.for %scan3A_167 = %scan3A_161 to %scan3A_163 step %scan3A_164  : i32 {
      %dma_start3A = arith.constant 0 : i32
      %dma_start3A_168 = tpu.memref_slice %arg3[%add3A, %scan3A_167, %dma_start3A] : memref<32x32x128xi32, #tpu.memory_space<hbm>> -> memref<1x1x128xi32, #tpu.memory_space<hbm>>
      %dma_start3A_169 = tpu.memref_squeeze %dma_start3A_168 : memref<1x1x128xi32, #tpu.memory_space<hbm>> -> memref<128xi32, #tpu.memory_space<hbm>>
      %dma_start3A_170 = arith.constant 0 : i32
      %dma_start3A_171 = tpu.memref_slice %arg3[%add3A, %scan3A_167, %dma_start3A_170] : memref<32x32x128xi32, #tpu.memory_space<hbm>> -> memref<1x1x128xi32, #tpu.memory_space<hbm>>
      %dma_start3A_172 = tpu.memref_squeeze %dma_start3A_171 : memref<1x1x128xi32, #tpu.memory_space<hbm>> -> memref<128xi32, #tpu.memory_space<hbm>>
      tpu.enqueue_dma source(%dma_start3A_172 : memref<128xi32, #tpu.memory_space<hbm>>) target(%arg15 : memref<128xi32, #tpu.memory_space<vmem>>) target_semaphore(%arg22 : memref<!tpu.dma_semaphore, #tpu.memory_space<semaphore_mem>>)
      %dma_start3A_173 = arith.constant 0 : i32
      %dma_start3A_174 = tpu.memref_slice %arg4[%add3A, %scan3A_167, %dma_start3A_173] : memref<32x32x128xi32, #tpu.memory_space<hbm>> -> memref<1x1x128xi32, #tpu.memory_space<hbm>>
      %dma_start3A_175 = tpu.memref_squeeze %dma_start3A_174 : memref<1x1x128xi32, #tpu.memory_space<hbm>> -> memref<128xi32, #tpu.memory_space<hbm>>
      %dma_start3A_176 = arith.constant 0 : i32
      %dma_start3A_177 = tpu.memref_slice %arg4[%add3A, %scan3A_167, %dma_start3A_176] : memref<32x32x128xi32, #tpu.memory_space<hbm>> -> memref<1x1x128xi32, #tpu.memory_space<hbm>>
      %dma_start3A_178 = tpu.memref_squeeze %dma_start3A_177 : memref<1x1x128xi32, #tpu.memory_space<hbm>> -> memref<128xi32, #tpu.memory_space<hbm>>
      tpu.enqueue_dma source(%dma_start3A_178 : memref<128xi32, #tpu.memory_space<hbm>>) target(%arg16 : memref<128xi32, #tpu.memory_space<vmem>>) target_semaphore(%arg22 : memref<!tpu.dma_semaphore, #tpu.memory_space<semaphore_mem>>)
      %dma_start3A_179 = arith.constant 0 : i32
      %dma_start3A_180 = tpu.memref_slice %arg14[%scan3A_167, %dma_start3A_179] : memref<32x128xi32, #tpu.memory_space<vmem>> -> memref<1x128xi32, #tpu.memory_space<vmem>>
      %dma_start3A_181 = tpu.memref_squeeze %dma_start3A_180 : memref<1x128xi32, #tpu.memory_space<vmem>> -> memref<128xi32, #tpu.memory_space<vmem>>
      %dma_start3A_182 = arith.constant 0 : i32
      %dma_start3A_183 = arith.constant 0 : i32
      %dma_start3A_184 = tpu.memref_slice %arg7[%dma_start3A_182, %dma_start3A_183] : memref<4096x128xf32, #tpu.memory_space<hbm>> -> memref<4096x128xf32, #tpu.memory_space<hbm>>
      tpu.enqueue_indirect_dma source(%dma_start3A_184 : memref<4096x128xf32, #tpu.memory_space<hbm>>) target(%arg19 : memref<128x128xf32, #tpu.memory_space<vmem>>) offsets(%dma_start3A_181 : memref<128xi32, #tpu.memory_space<vmem>>) semaphore(%arg22 : memref<!tpu.dma_semaphore, #tpu.memory_space<semaphore_mem>>)
      %dma_wait3A = arith.constant 0 : i32
      %dma_wait3A_185 = tpu.memref_slice %arg3[%add3A, %scan3A_167, %dma_wait3A] : memref<32x32x128xi32, #tpu.memory_space<hbm>> -> memref<1x1x128xi32, #tpu.memory_space<hbm>>
      %dma_wait3A_186 = tpu.memref_squeeze %dma_wait3A_185 : memref<1x1x128xi32, #tpu.memory_space<hbm>> -> memref<128xi32, #tpu.memory_space<hbm>>
      %dma_wait3A_187 = arith.constant 0 : i32
      %dma_wait3A_188 = tpu.memref_slice %arg3[%add3A, %scan3A_167, %dma_wait3A_187] : memref<32x32x128xi32, #tpu.memory_space<hbm>> -> memref<1x1x128xi32, #tpu.memory_space<hbm>>
      %dma_wait3A_189 = tpu.memref_squeeze %dma_wait3A_188 : memref<1x1x128xi32, #tpu.memory_space<hbm>> -> memref<128xi32, #tpu.memory_space<hbm>>
      tpu.wait_dma2 semaphore(%arg22 : memref<!tpu.dma_semaphore, #tpu.memory_space<semaphore_mem>>) src(%dma_wait3A_189 : memref<128xi32, #tpu.memory_space<hbm>>) dst(%arg15 : memref<128xi32, #tpu.memory_space<vmem>>)
      %dma_wait3A_190 = arith.constant 0 : i32
      %dma_wait3A_191 = tpu.memref_slice %arg4[%add3A, %scan3A_167, %dma_wait3A_190] : memref<32x32x128xi32, #tpu.memory_space<hbm>> -> memref<1x1x128xi32, #tpu.memory_space<hbm>>
      %dma_wait3A_192 = tpu.memref_squeeze %dma_wait3A_191 : memref<1x1x128xi32, #tpu.memory_space<hbm>> -> memref<128xi32, #tpu.memory_space<hbm>>
      %dma_wait3A_193 = arith.constant 0 : i32
      %dma_wait3A_194 = tpu.memref_slice %arg4[%add3A, %scan3A_167, %dma_wait3A_193] : memref<32x32x128xi32, #tpu.memory_space<hbm>> -> memref<1x1x128xi32, #tpu.memory_space<hbm>>
      %dma_wait3A_195 = tpu.memref_squeeze %dma_wait3A_194 : memref<1x1x128xi32, #tpu.memory_space<hbm>> -> memref<128xi32, #tpu.memory_space<hbm>>
      tpu.wait_dma2 semaphore(%arg22 : memref<!tpu.dma_semaphore, #tpu.memory_space<semaphore_mem>>) src(%dma_wait3A_195 : memref<128xi32, #tpu.memory_space<hbm>>) dst(%arg16 : memref<128xi32, #tpu.memory_space<vmem>>)
      %dma_start3A_196 = arith.constant 0 : i32
      %dma_start3A_197 = tpu.memref_slice %arg5[%dma_start3A_196] : memref<16777216xi32, #tpu.memory_space<hbm>> -> memref<16777216xi32, #tpu.memory_space<hbm>>
      tpu.enqueue_indirect_dma source(%dma_start3A_197 : memref<16777216xi32, #tpu.memory_space<hbm>>) target(%arg17 : memref<128xi32, #tpu.memory_space<vmem>>) offsets(%arg16 : memref<128xi32, #tpu.memory_space<vmem>>) semaphore(%arg22 : memref<!tpu.dma_semaphore, #tpu.memory_space<semaphore_mem>>)
      %dma_wait3A_198 = arith.constant 0 : i32
      %dma_wait3A_199 = tpu.memref_slice %arg14[%scan3A_167, %dma_wait3A_198] : memref<32x128xi32, #tpu.memory_space<vmem>> -> memref<1x128xi32, #tpu.memory_space<vmem>>
      %dma_wait3A_200 = tpu.memref_squeeze %dma_wait3A_199 : memref<1x128xi32, #tpu.memory_space<vmem>> -> memref<128xi32, #tpu.memory_space<vmem>>
      %dma_wait3A_201 = arith.constant 0 : i32
      %dma_wait3A_202 = arith.constant 0 : i32
      %dma_wait3A_203 = tpu.memref_slice %arg7[%dma_wait3A_201, %dma_wait3A_202] : memref<4096x128xf32, #tpu.memory_space<hbm>> -> memref<4096x128xf32, #tpu.memory_space<hbm>>
      tpu.wait_indirect_dma semaphore(%arg22 : memref<!tpu.dma_semaphore, #tpu.memory_space<semaphore_mem>>) src(%dma_wait3A_203 : memref<4096x128xf32, #tpu.memory_space<hbm>>) dst(%arg19 : memref<128x128xf32, #tpu.memory_space<vmem>>)
      %dma_wait3A_204 = arith.constant 0 : i32
      %dma_wait3A_205 = tpu.memref_slice %arg5[%dma_wait3A_204] : memref<16777216xi32, #tpu.memory_space<hbm>> -> memref<16777216xi32, #tpu.memory_space<hbm>>
      tpu.wait_indirect_dma semaphore(%arg22 : memref<!tpu.dma_semaphore, #tpu.memory_space<semaphore_mem>>) src(%dma_wait3A_205 : memref<16777216xi32, #tpu.memory_space<hbm>>) dst(%arg17 : memref<128xi32, #tpu.memory_space<vmem>>)
      %scan3A_206 = arith.constant 0 : i32
      %scan3A_207 = arith.constant 0 : i32
      %scan3A_208 = arith.constant 8 : i32
      %scan3A_209 = arith.addi %scan3A_207, %scan3A_208 : i32
      %scan3A_210 = arith.constant 1 : i32
      scf.for %scan3A_212 = %scan3A_207 to %scan3A_209 step %scan3A_210  : i32 {
        %mul3A_213 = arith.constant 128 : i32
        %mul3A_214 = arith.muli %scan3A_167, %mul3A_213 : i32
        %mul3A_215 = arith.constant 16 : i32
        %mul3A_216 = arith.muli %scan3A_212, %mul3A_215 : i32
        %add3A_217 = arith.addi %mul3A_214, %mul3A_216 : i32
        %mul3A_218 = arith.constant 16 : i32
        %mul3A_219 = arith.muli %scan3A_212, %mul3A_218 : i32
        %add3A_220 = vector.broadcast %mul3A_219 : i32 to vector<16xi32>
        %add3A_221 = arith.addi %add3A_220, %iota3A : vector<16xi32>
        %get3A = arith.index_cast %add3A_217 : i32 to index
        %get3A_222 = tpu.vector_load %arg12[%get3A] {strides = array<i32>} : memref<4096xi32, #tpu.memory_space<vmem>>, vector<16xi32>,
        %get3A_223 = arith.index_cast %add3A_217 : i32 to index
        %get3A_224 = tpu.vector_load %arg13[%get3A_223] {strides = array<i32>} : memref<4096xi32, #tpu.memory_space<vmem>>, vector<16xi32>,
        %mul3A_225 = arith.constant 16 : i32
        %mul3A_226 = arith.muli %scan3A_212, %mul3A_225 : i32
        %get3A_227 = arith.index_cast %mul3A_226 : i32 to index
        %get3A_228 = tpu.vector_load %arg17[%get3A_227] {strides = array<i32>} : memref<128xi32, #tpu.memory_space<vmem>>, vector<16xi32>,
        %add3A_229 = arith.addi %mul3A_2, %add3A_217 : i32
        %add3A_230 = vector.broadcast %add3A_229 : i32 to vector<16xi32>
        %add3A_231 = arith.addi %add3A_230, %iota3A : vector<16xi32>
        %eq3A_232 = arith.cmpi eq, %get3A_228, %add3A_231 : vector<16xi32>
        %mul3A_233 = arith.constant 8 : i32
        %mul3A_234 = vector.broadcast %mul3A_233 : i32 to vector<16xi32>
        %mul3A_235 = arith.muli %get3A_222, %mul3A_234 : vector<16xi32>
        %add3A_236 = arith.constant 0 : i32
        %add3A_237 = vector.broadcast %add3A_236 : i32 to vector<16xi32>
        %add3A_238 = arith.addi %mul3A_235, %add3A_237 : vector<16xi32>
        %gather3A_239 = tpu.vector_load_idx %arg18[%add3A_238] : memref<32768xf32, #tpu.memory_space<vmem>>[vector<16xi32>], vector<16xf32>,
        %mul3A_240 = arith.constant 8 : i32
        %mul3A_241 = vector.broadcast %mul3A_240 : i32 to vector<16xi32>
        %mul3A_242 = arith.muli %get3A_224, %mul3A_241 : vector<16xi32>
        %add3A_243 = arith.constant 4 : i32
        %add3A_244 = vector.broadcast %add3A_243 : i32 to vector<16xi32>
        %add3A_245 = arith.addi %mul3A_242, %add3A_244 : vector<16xi32>
        %gather3A_246 = tpu.vector_load_idx %arg18[%add3A_245] : memref<32768xf32, #tpu.memory_space<vmem>>[vector<16xi32>], vector<16xf32>,
        %add3A_247 = arith.addf %gather3A_239, %gather3A_246 : vector<16xf32>
        %mul3A_248 = arith.constant 2.000000e-01 : f32
        %mul3A_249 = vector.broadcast %mul3A_248 : f32 to vector<16xf32>
        %mul3A_250 = arith.mulf %mul3A_249, %add3A_247 : vector<16xf32>
        %max3A_251 = arith.maximumf %add3A_247, %mul3A_250 : vector<16xf32>
        %sub3A = arith.subf %max3A_251, %max3A_72 : vector<16xf32>
        %exp3A = math.exp %sub3A : vector<16xf32>
        %jit3A_252 = arith.constant 0.000000e+00 : f32
        %broadcast_in_dim3A_253 = vector.broadcast %jit3A_252 : f32 to vector<16xf32>
        %select_n3A_254 = arith.select %eq3A_232, %exp3A, %broadcast_in_dim3A_253 : vector<16xi1>, vector<16xf32>
        %mul3A_255 = arith.constant 4 : i32
        %mul3A_256 = vector.broadcast %mul3A_255 : i32 to vector<16xi32>
        %mul3A_257 = arith.muli %get3A_224, %mul3A_256 : vector<16xi32>
        %add3A_258 = arith.constant 0 : i32
        %add3A_259 = vector.broadcast %add3A_258 : i32 to vector<16xi32>
        %add3A_260 = arith.addi %mul3A_257, %add3A_259 : vector<16xi32>
        %eq3A_261 = arith.constant 0 : i32
        %eq3A_262 = vector.broadcast %eq3A_261 : i32 to vector<16xi32>
        %eq3A_263 = arith.cmpi eq, %iota3A, %eq3A_262 : vector<16xi32>
        tpu.vector_store_idx %arg20[%add3A_260], %select_n3A_254 masked %eq3A_263 {add = true} : memref<16384xf32, #tpu.memory_space<vmem>>[vector<16xi32>], vector<16xf32>, vector<16xi1>
        %mul3A_264 = arith.constant 4 : i32
        %mul3A_265 = vector.broadcast %mul3A_264 : i32 to vector<16xi32>
        %mul3A_266 = arith.muli %get3A_224, %mul3A_265 : vector<16xi32>
        %add3A_267 = arith.constant 0 : i32
        %add3A_268 = vector.broadcast %add3A_267 : i32 to vector<16xi32>
        %add3A_269 = arith.addi %mul3A_266, %add3A_268 : vector<16xi32>
        %eq3A_270 = arith.constant 1 : i32
        %eq3A_271 = vector.broadcast %eq3A_270 : i32 to vector<16xi32>
        %eq3A_272 = arith.cmpi eq, %iota3A, %eq3A_271 : vector<16xi32>
        tpu.vector_store_idx %arg20[%add3A_269], %select_n3A_254 masked %eq3A_272 {add = true} : memref<16384xf32, #tpu.memory_space<vmem>>[vector<16xi32>], vector<16xf32>, vector<16xi1>
        %mul3A_273 = arith.constant 4 : i32
        %mul3A_274 = vector.broadcast %mul3A_273 : i32 to vector<16xi32>
        %mul3A_275 = arith.muli %get3A_224, %mul3A_274 : vector<16xi32>
        %add3A_276 = arith.constant 0 : i32
        %add3A_277 = vector.broadcast %add3A_276 : i32 to vector<16xi32>
        %add3A_278 = arith.addi %mul3A_275, %add3A_277 : vector<16xi32>
        %eq3A_279 = arith.constant 2 : i32
        %eq3A_280 = vector.broadcast %eq3A_279 : i32 to vector<16xi32>
        %eq3A_281 = arith.cmpi eq, %iota3A, %eq3A_280 : vector<16xi32>
        tpu.vector_store_idx %arg20[%add3A_278], %select_n3A_254 masked %eq3A_281 {add = true} : memref<16384xf32, #tpu.memory_space<vmem>>[vector<16xi32>], vector<16xf32>, vector<16xi1>
        %mul3A_282 = arith.constant 4 : i32
        %mul3A_283 = vector.broadcast %mul3A_282 : i32 to vector<16xi32>
        %mul3A_284 = arith.muli %get3A_224, %mul3A_283 : vector<16xi32>
        %add3A_285 = arith.constant 0 : i32
        %add3A_286 = vector.broadcast %add3A_285 : i32 to vector<16xi32>
        %add3A_287 = arith.addi %mul3A_284, %add3A_286 : vector<16xi32>
        %eq3A_288 = arith.constant 3 : i32
        %eq3A_289 = vector.broadcast %eq3A_288 : i32 to vector<16xi32>
        %eq3A_290 = arith.cmpi eq, %iota3A, %eq3A_289 : vector<16xi32>
        tpu.vector_store_idx %arg20[%add3A_287], %select_n3A_254 masked %eq3A_290 {add = true} : memref<16384xf32, #tpu.memory_space<vmem>>[vector<16xi32>], vector<16xf32>, vector<16xi1>
        %mul3A_291 = arith.constant 4 : i32
        %mul3A_292 = vector.broadcast %mul3A_291 : i32 to vector<16xi32>
        %mul3A_293 = arith.muli %get3A_224, %mul3A_292 : vector<16xi32>
        %add3A_294 = arith.constant 0 : i32
        %add3A_295 = vector.broadcast %add3A_294 : i32 to vector<16xi32>
        %add3A_296 = arith.addi %mul3A_293, %add3A_295 : vector<16xi32>
        %eq3A_297 = arith.constant 4 : i32
        %eq3A_298 = vector.broadcast %eq3A_297 : i32 to vector<16xi32>
        %eq3A_299 = arith.cmpi eq, %iota3A, %eq3A_298 : vector<16xi32>
        tpu.vector_store_idx %arg20[%add3A_296], %select_n3A_254 masked %eq3A_299 {add = true} : memref<16384xf32, #tpu.memory_space<vmem>>[vector<16xi32>], vector<16xf32>, vector<16xi1>
        %mul3A_300 = arith.constant 4 : i32
        %mul3A_301 = vector.broadcast %mul3A_300 : i32 to vector<16xi32>
        %mul3A_302 = arith.muli %get3A_224, %mul3A_301 : vector<16xi32>
        %add3A_303 = arith.constant 0 : i32
        %add3A_304 = vector.broadcast %add3A_303 : i32 to vector<16xi32>
        %add3A_305 = arith.addi %mul3A_302, %add3A_304 : vector<16xi32>
        %eq3A_306 = arith.constant 5 : i32
        %eq3A_307 = vector.broadcast %eq3A_306 : i32 to vector<16xi32>
        %eq3A_308 = arith.cmpi eq, %iota3A, %eq3A_307 : vector<16xi32>
        tpu.vector_store_idx %arg20[%add3A_305], %select_n3A_254 masked %eq3A_308 {add = true} : memref<16384xf32, #tpu.memory_space<vmem>>[vector<16xi32>], vector<16xf32>, vector<16xi1>
        %mul3A_309 = arith.constant 4 : i32
        %mul3A_310 = vector.broadcast %mul3A_309 : i32 to vector<16xi32>
        %mul3A_311 = arith.muli %get3A_224, %mul3A_310 : vector<16xi32>
        %add3A_312 = arith.constant 0 : i32
        %add3A_313 = vector.broadcast %add3A_312 : i32 to vector<16xi32>
        %add3A_314 = arith.addi %mul3A_311, %add3A_313 : vector<16xi32>
        %eq3A_315 = arith.constant 6 : i32
        %eq3A_316 = vector.broadcast %eq3A_315 : i32 to vector<16xi32>
        %eq3A_317 = arith.cmpi eq, %iota3A, %eq3A_316 : vector<16xi32>
        tpu.vector_store_idx %arg20[%add3A_314], %select_n3A_254 masked %eq3A_317 {add = true} : memref<16384xf32, #tpu.memory_space<vmem>>[vector<16xi32>], vector<16xf32>, vector<16xi1>
        %mul3A_318 = arith.constant 4 : i32
        %mul3A_319 = vector.broadcast %mul3A_318 : i32 to vector<16xi32>
        %mul3A_320 = arith.muli %get3A_224, %mul3A_319 : vector<16xi32>
        %add3A_321 = arith.constant 0 : i32
        %add3A_322 = vector.broadcast %add3A_321 : i32 to vector<16xi32>
        %add3A_323 = arith.addi %mul3A_320, %add3A_322 : vector<16xi32>
        %eq3A_324 = arith.constant 7 : i32
        %eq3A_325 = vector.broadcast %eq3A_324 : i32 to vector<16xi32>
        %eq3A_326 = arith.cmpi eq, %iota3A, %eq3A_325 : vector<16xi32>
        tpu.vector_store_idx %arg20[%add3A_323], %select_n3A_254 masked %eq3A_326 {add = true} : memref<16384xf32, #tpu.memory_space<vmem>>[vector<16xi32>], vector<16xf32>, vector<16xi1>
        %mul3A_327 = arith.constant 4 : i32
        %mul3A_328 = vector.broadcast %mul3A_327 : i32 to vector<16xi32>
        %mul3A_329 = arith.muli %get3A_224, %mul3A_328 : vector<16xi32>
        %add3A_330 = arith.constant 0 : i32
        %add3A_331 = vector.broadcast %add3A_330 : i32 to vector<16xi32>
        %add3A_332 = arith.addi %mul3A_329, %add3A_331 : vector<16xi32>
        %eq3A_333 = arith.constant 8 : i32
        %eq3A_334 = vector.broadcast %eq3A_333 : i32 to vector<16xi32>
        %eq3A_335 = arith.cmpi eq, %iota3A, %eq3A_334 : vector<16xi32>
        tpu.vector_store_idx %arg20[%add3A_332], %select_n3A_254 masked %eq3A_335 {add = true} : memref<16384xf32, #tpu.memory_space<vmem>>[vector<16xi32>], vector<16xf32>, vector<16xi1>
        %mul3A_336 = arith.constant 4 : i32
        %mul3A_337 = vector.broadcast %mul3A_336 : i32 to vector<16xi32>
        %mul3A_338 = arith.muli %get3A_224, %mul3A_337 : vector<16xi32>
        %add3A_339 = arith.constant 0 : i32
        %add3A_340 = vector.broadcast %add3A_339 : i32 to vector<16xi32>
        %add3A_341 = arith.addi %mul3A_338, %add3A_340 : vector<16xi32>
        %eq3A_342 = arith.constant 9 : i32
        %eq3A_343 = vector.broadcast %eq3A_342 : i32 to vector<16xi32>
        %eq3A_344 = arith.cmpi eq, %iota3A, %eq3A_343 : vector<16xi32>
        tpu.vector_store_idx %arg20[%add3A_341], %select_n3A_254 masked %eq3A_344 {add = true} : memref<16384xf32, #tpu.memory_space<vmem>>[vector<16xi32>], vector<16xf32>, vector<16xi1>
        %mul3A_345 = arith.constant 4 : i32
        %mul3A_346 = vector.broadcast %mul3A_345 : i32 to vector<16xi32>
        %mul3A_347 = arith.muli %get3A_224, %mul3A_346 : vector<16xi32>
        %add3A_348 = arith.constant 0 : i32
        %add3A_349 = vector.broadcast %add3A_348 : i32 to vector<16xi32>
        %add3A_350 = arith.addi %mul3A_347, %add3A_349 : vector<16xi32>
        %eq3A_351 = arith.constant 10 : i32
        %eq3A_352 = vector.broadcast %eq3A_351 : i32 to vector<16xi32>
        %eq3A_353 = arith.cmpi eq, %iota3A, %eq3A_352 : vector<16xi32>
        tpu.vector_store_idx %arg20[%add3A_350], %select_n3A_254 masked %eq3A_353 {add = true} : memref<16384xf32, #tpu.memory_space<vmem>>[vector<16xi32>], vector<16xf32>, vector<16xi1>
        %mul3A_354 = arith.constant 4 : i32
        %mul3A_355 = vector.broadcast %mul3A_354 : i32 to vector<16xi32>
        %mul3A_356 = arith.muli %get3A_224, %mul3A_355 : vector<16xi32>
        %add3A_357 = arith.constant 0 : i32
        %add3A_358 = vector.broadcast %add3A_357 : i32 to vector<16xi32>
        %add3A_359 = arith.addi %mul3A_356, %add3A_358 : vector<16xi32>
        %eq3A_360 = arith.constant 11 : i32
        %eq3A_361 = vector.broadcast %eq3A_360 : i32 to vector<16xi32>
        %eq3A_362 = arith.cmpi eq, %iota3A, %eq3A_361 : vector<16xi32>
        tpu.vector_store_idx %arg20[%add3A_359], %select_n3A_254 masked %eq3A_362 {add = true} : memref<16384xf32, #tpu.memory_space<vmem>>[vector<16xi32>], vector<16xf32>, vector<16xi1>
        %mul3A_363 = arith.constant 4 : i32
        %mul3A_364 = vector.broadcast %mul3A_363 : i32 to vector<16xi32>
        %mul3A_365 = arith.muli %get3A_224, %mul3A_364 : vector<16xi32>
        %add3A_366 = arith.constant 0 : i32
        %add3A_367 = vector.broadcast %add3A_366 : i32 to vector<16xi32>
        %add3A_368 = arith.addi %mul3A_365, %add3A_367 : vector<16xi32>
        %eq3A_369 = arith.constant 12 : i32
        %eq3A_370 = vector.broadcast %eq3A_369 : i32 to vector<16xi32>
        %eq3A_371 = arith.cmpi eq, %iota3A, %eq3A_370 : vector<16xi32>
        tpu.vector_store_idx %arg20[%add3A_368], %select_n3A_254 masked %eq3A_371 {add = true} : memref<16384xf32, #tpu.memory_space<vmem>>[vector<16xi32>], vector<16xf32>, vector<16xi1>
        %mul3A_372 = arith.constant 4 : i32
        %mul3A_373 = vector.broadcast %mul3A_372 : i32 to vector<16xi32>
        %mul3A_374 = arith.muli %get3A_224, %mul3A_373 : vector<16xi32>
        %add3A_375 = arith.constant 0 : i32
        %add3A_376 = vector.broadcast %add3A_375 : i32 to vector<16xi32>
        %add3A_377 = arith.addi %mul3A_374, %add3A_376 : vector<16xi32>
        %eq3A_378 = arith.constant 13 : i32
        %eq3A_379 = vector.broadcast %eq3A_378 : i32 to vector<16xi32>
        %eq3A_380 = arith.cmpi eq, %iota3A, %eq3A_379 : vector<16xi32>
        tpu.vector_store_idx %arg20[%add3A_377], %select_n3A_254 masked %eq3A_380 {add = true} : memref<16384xf32, #tpu.memory_space<vmem>>[vector<16xi32>], vector<16xf32>, vector<16xi1>
        %mul3A_381 = arith.constant 4 : i32
        %mul3A_382 = vector.broadcast %mul3A_381 : i32 to vector<16xi32>
        %mul3A_383 = arith.muli %get3A_224, %mul3A_382 : vector<16xi32>
        %add3A_384 = arith.constant 0 : i32
        %add3A_385 = vector.broadcast %add3A_384 : i32 to vector<16xi32>
        %add3A_386 = arith.addi %mul3A_383, %add3A_385 : vector<16xi32>
        %eq3A_387 = arith.constant 14 : i32
        %eq3A_388 = vector.broadcast %eq3A_387 : i32 to vector<16xi32>
        %eq3A_389 = arith.cmpi eq, %iota3A, %eq3A_388 : vector<16xi32>
        tpu.vector_store_idx %arg20[%add3A_386], %select_n3A_254 masked %eq3A_389 {add = true} : memref<16384xf32, #tpu.memory_space<vmem>>[vector<16xi32>], vector<16xf32>, vector<16xi1>
        %mul3A_390 = arith.constant 4 : i32
        %mul3A_391 = vector.broadcast %mul3A_390 : i32 to vector<16xi32>
        %mul3A_392 = arith.muli %get3A_224, %mul3A_391 : vector<16xi32>
        %add3A_393 = arith.constant 0 : i32
        %add3A_394 = vector.broadcast %add3A_393 : i32 to vector<16xi32>
        %add3A_395 = arith.addi %mul3A_392, %add3A_394 : vector<16xi32>
        %eq3A_396 = arith.constant 15 : i32
        %eq3A_397 = vector.broadcast %eq3A_396 : i32 to vector<16xi32>
        %eq3A_398 = arith.cmpi eq, %iota3A, %eq3A_397 : vector<16xi32>
        tpu.vector_store_idx %arg20[%add3A_395], %select_n3A_254 masked %eq3A_398 {add = true} : memref<16384xf32, #tpu.memory_space<vmem>>[vector<16xi32>], vector<16xf32>, vector<16xi1>
        %broadcast_in_dim3A_399 = arith.constant 0 : i32
        %broadcast_in_dim3A_400 = vector.broadcast %broadcast_in_dim3A_399 : i32 to vector<16xi32>
        %gather3A_401 = tpu.vector_load_idx %arg19[%add3A_221, %broadcast_in_dim3A_400] : memref<128x128xf32, #tpu.memory_space<vmem>>[vector<16xi32>, vector<16xi32>], vector<16xf32>,
        %mul3A_402 = arith.mulf %gather3A_401, %select_n3A_254 : vector<16xf32>
        tpu.vector_store_idx %arg19[%add3A_221, %broadcast_in_dim3A_400], %mul3A_402 : memref<128x128xf32, #tpu.memory_space<vmem>>[vector<16xi32>, vector<16xi32>], vector<16xf32>,
        %broadcast_in_dim3A_403 = arith.constant 1 : i32
        %broadcast_in_dim3A_404 = vector.broadcast %broadcast_in_dim3A_403 : i32 to vector<16xi32>
        %gather3A_405 = tpu.vector_load_idx %arg19[%add3A_221, %broadcast_in_dim3A_404] : memref<128x128xf32, #tpu.memory_space<vmem>>[vector<16xi32>, vector<16xi32>], vector<16xf32>,
        %mul3A_406 = arith.mulf %gather3A_405, %select_n3A_254 : vector<16xf32>
        tpu.vector_store_idx %arg19[%add3A_221, %broadcast_in_dim3A_404], %mul3A_406 : memref<128x128xf32, #tpu.memory_space<vmem>>[vector<16xi32>, vector<16xi32>], vector<16xf32>,
        %broadcast_in_dim3A_407 = arith.constant 2 : i32
        %broadcast_in_dim3A_408 = vector.broadcast %broadcast_in_dim3A_407 : i32 to vector<16xi32>
        %gather3A_409 = tpu.vector_load_idx %arg19[%add3A_221, %broadcast_in_dim3A_408] : memref<128x128xf32, #tpu.memory_space<vmem>>[vector<16xi32>, vector<16xi32>], vector<16xf32>,
        %mul3A_410 = arith.mulf %gather3A_409, %select_n3A_254 : vector<16xf32>
        tpu.vector_store_idx %arg19[%add3A_221, %broadcast_in_dim3A_408], %mul3A_410 : memref<128x128xf32, #tpu.memory_space<vmem>>[vector<16xi32>, vector<16xi32>], vector<16xf32>,
        %broadcast_in_dim3A_411 = arith.constant 3 : i32
        %broadcast_in_dim3A_412 = vector.broadcast %broadcast_in_dim3A_411 : i32 to vector<16xi32>
        %gather3A_413 = tpu.vector_load_idx %arg19[%add3A_221, %broadcast_in_dim3A_412] : memref<128x128xf32, #tpu.memory_space<vmem>>[vector<16xi32>, vector<16xi32>], vector<16xf32>,
        %mul3A_414 = arith.mulf %gather3A_413, %select_n3A_254 : vector<16xf32>
        tpu.vector_store_idx %arg19[%add3A_221, %broadcast_in_dim3A_412], %mul3A_414 : memref<128x128xf32, #tpu.memory_space<vmem>>[vector<16xi32>, vector<16xi32>], vector<16xf32>,
        %broadcast_in_dim3A_415 = arith.constant 4 : i32
        %broadcast_in_dim3A_416 = vector.broadcast %broadcast_in_dim3A_415 : i32 to vector<16xi32>
        %gather3A_417 = tpu.vector_load_idx %arg19[%add3A_221, %broadcast_in_dim3A_416] : memref<128x128xf32, #tpu.memory_space<vmem>>[vector<16xi32>, vector<16xi32>], vector<16xf32>,
        %mul3A_418 = arith.mulf %gather3A_417, %select_n3A_254 : vector<16xf32>
        tpu.vector_store_idx %arg19[%add3A_221, %broadcast_in_dim3A_416], %mul3A_418 : memref<128x128xf32, #tpu.memory_space<vmem>>[vector<16xi32>, vector<16xi32>], vector<16xf32>,
        %broadcast_in_dim3A_419 = arith.constant 5 : i32
        %broadcast_in_dim3A_420 = vector.broadcast %broadcast_in_dim3A_419 : i32 to vector<16xi32>
        %gather3A_421 = tpu.vector_load_idx %arg19[%add3A_221, %broadcast_in_dim3A_420] : memref<128x128xf32, #tpu.memory_space<vmem>>[vector<16xi32>, vector<16xi32>], vector<16xf32>,
        %mul3A_422 = arith.mulf %gather3A_421, %select_n3A_254 : vector<16xf32>
        tpu.vector_store_idx %arg19[%add3A_221, %broadcast_in_dim3A_420], %mul3A_422 : memref<128x128xf32, #tpu.memory_space<vmem>>[vector<16xi32>, vector<16xi32>], vector<16xf32>,
        %broadcast_in_dim3A_423 = arith.constant 6 : i32
        %broadcast_in_dim3A_424 = vector.broadcast %broadcast_in_dim3A_423 : i32 to vector<16xi32>
        %gather3A_425 = tpu.vector_load_idx %arg19[%add3A_221, %broadcast_in_dim3A_424] : memref<128x128xf32, #tpu.memory_space<vmem>>[vector<16xi32>, vector<16xi32>], vector<16xf32>,
        %mul3A_426 = arith.mulf %gather3A_425, %select_n3A_254 : vector<16xf32>
        tpu.vector_store_idx %arg19[%add3A_221, %broadcast_in_dim3A_424], %mul3A_426 : memref<128x128xf32, #tpu.memory_space<vmem>>[vector<16xi32>, vector<16xi32>], vector<16xf32>,
        %broadcast_in_dim3A_427 = arith.constant 7 : i32
        %broadcast_in_dim3A_428 = vector.broadcast %broadcast_in_dim3A_427 : i32 to vector<16xi32>
        %gather3A_429 = tpu.vector_load_idx %arg19[%add3A_221, %broadcast_in_dim3A_428] : memref<128x128xf32, #tpu.memory_space<vmem>>[vector<16xi32>, vector<16xi32>], vector<16xf32>,
        %mul3A_430 = arith.mulf %gather3A_429, %select_n3A_254 : vector<16xf32>
        tpu.vector_store_idx %arg19[%add3A_221, %broadcast_in_dim3A_428], %mul3A_430 : memref<128x128xf32, #tpu.memory_space<vmem>>[vector<16xi32>, vector<16xi32>], vector<16xf32>,
        %broadcast_in_dim3A_431 = arith.constant 8 : i32
        %broadcast_in_dim3A_432 = vector.broadcast %broadcast_in_dim3A_431 : i32 to vector<16xi32>
        %gather3A_433 = tpu.vector_load_idx %arg19[%add3A_221, %broadcast_in_dim3A_432] : memref<128x128xf32, #tpu.memory_space<vmem>>[vector<16xi32>, vector<16xi32>], vector<16xf32>,
        %mul3A_434 = arith.mulf %gather3A_433, %select_n3A_254 : vector<16xf32>
        tpu.vector_store_idx %arg19[%add3A_221, %broadcast_in_dim3A_432], %mul3A_434 : memref<128x128xf32, #tpu.memory_space<vmem>>[vector<16xi32>, vector<16xi32>], vector<16xf32>,
        %broadcast_in_dim3A_435 = arith.constant 9 : i32
        %broadcast_in_dim3A_436 = vector.broadcast %broadcast_in_dim3A_435 : i32 to vector<16xi32>
        %gather3A_437 = tpu.vector_load_idx %arg19[%add3A_221, %broadcast_in_dim3A_436] : memref<128x128xf32, #tpu.memory_space<vmem>>[vector<16xi32>, vector<16xi32>], vector<16xf32>,
        %mul3A_438 = arith.mulf %gather3A_437, %select_n3A_254 : vector<16xf32>
        tpu.vector_store_idx %arg19[%add3A_221, %broadcast_in_dim3A_436], %mul3A_438 : memref<128x128xf32, #tpu.memory_space<vmem>>[vector<16xi32>, vector<16xi32>], vector<16xf32>,
        %broadcast_in_dim3A_439 = arith.constant 10 : i32
        %broadcast_in_dim3A_440 = vector.broadcast %broadcast_in_dim3A_439 : i32 to vector<16xi32>
        %gather3A_441 = tpu.vector_load_idx %arg19[%add3A_221, %broadcast_in_dim3A_440] : memref<128x128xf32, #tpu.memory_space<vmem>>[vector<16xi32>, vector<16xi32>], vector<16xf32>,
        %mul3A_442 = arith.mulf %gather3A_441, %select_n3A_254 : vector<16xf32>
        tpu.vector_store_idx %arg19[%add3A_221, %broadcast_in_dim3A_440], %mul3A_442 : memref<128x128xf32, #tpu.memory_space<vmem>>[vector<16xi32>, vector<16xi32>], vector<16xf32>,
        %broadcast_in_dim3A_443 = arith.constant 11 : i32
        %broadcast_in_dim3A_444 = vector.broadcast %broadcast_in_dim3A_443 : i32 to vector<16xi32>
        %gather3A_445 = tpu.vector_load_idx %arg19[%add3A_221, %broadcast_in_dim3A_444] : memref<128x128xf32, #tpu.memory_space<vmem>>[vector<16xi32>, vector<16xi32>], vector<16xf32>,
        %mul3A_446 = arith.mulf %gather3A_445, %select_n3A_254 : vector<16xf32>
        tpu.vector_store_idx %arg19[%add3A_221, %broadcast_in_dim3A_444], %mul3A_446 : memref<128x128xf32, #tpu.memory_space<vmem>>[vector<16xi32>, vector<16xi32>], vector<16xf32>,
        %broadcast_in_dim3A_447 = arith.constant 12 : i32
        %broadcast_in_dim3A_448 = vector.broadcast %broadcast_in_dim3A_447 : i32 to vector<16xi32>
        %gather3A_449 = tpu.vector_load_idx %arg19[%add3A_221, %broadcast_in_dim3A_448] : memref<128x128xf32, #tpu.memory_space<vmem>>[vector<16xi32>, vector<16xi32>], vector<16xf32>,
        %mul3A_450 = arith.mulf %gather3A_449, %select_n3A_254 : vector<16xf32>
        tpu.vector_store_idx %arg19[%add3A_221, %broadcast_in_dim3A_448], %mul3A_450 : memref<128x128xf32, #tpu.memory_space<vmem>>[vector<16xi32>, vector<16xi32>], vector<16xf32>,
        %broadcast_in_dim3A_451 = arith.constant 13 : i32
        %broadcast_in_dim3A_452 = vector.broadcast %broadcast_in_dim3A_451 : i32 to vector<16xi32>
        %gather3A_453 = tpu.vector_load_idx %arg19[%add3A_221, %broadcast_in_dim3A_452] : memref<128x128xf32, #tpu.memory_space<vmem>>[vector<16xi32>, vector<16xi32>], vector<16xf32>,
        %mul3A_454 = arith.mulf %gather3A_453, %select_n3A_254 : vector<16xf32>
        tpu.vector_store_idx %arg19[%add3A_221, %broadcast_in_dim3A_452], %mul3A_454 : memref<128x128xf32, #tpu.memory_space<vmem>>[vector<16xi32>, vector<16xi32>], vector<16xf32>,
        %broadcast_in_dim3A_455 = arith.constant 14 : i32
        %broadcast_in_dim3A_456 = vector.broadcast %broadcast_in_dim3A_455 : i32 to vector<16xi32>
        %gather3A_457 = tpu.vector_load_idx %arg19[%add3A_221, %broadcast_in_dim3A_456] : memref<128x128xf32, #tpu.memory_space<vmem>>[vector<16xi32>, vector<16xi32>], vector<16xf32>,
        %mul3A_458 = arith.mulf %gather3A_457, %select_n3A_254 : vector<16xf32>
        tpu.vector_store_idx %arg19[%add3A_221, %broadcast_in_dim3A_456], %mul3A_458 : memref<128x128xf32, #tpu.memory_space<vmem>>[vector<16xi32>, vector<16xi32>], vector<16xf32>,
        %broadcast_in_dim3A_459 = arith.constant 15 : i32
        %broadcast_in_dim3A_460 = vector.broadcast %broadcast_in_dim3A_459 : i32 to vector<16xi32>
        %gather3A_461 = tpu.vector_load_idx %arg19[%add3A_221, %broadcast_in_dim3A_460] : memref<128x128xf32, #tpu.memory_space<vmem>>[vector<16xi32>, vector<16xi32>], vector<16xf32>,
        %mul3A_462 = arith.mulf %gather3A_461, %select_n3A_254 : vector<16xf32>
        tpu.vector_store_idx %arg19[%add3A_221, %broadcast_in_dim3A_460], %mul3A_462 : memref<128x128xf32, #tpu.memory_space<vmem>>[vector<16xi32>, vector<16xi32>], vector<16xf32>,
        %broadcast_in_dim3A_463 = arith.constant 16 : i32
        %broadcast_in_dim3A_464 = vector.broadcast %broadcast_in_dim3A_463 : i32 to vector<16xi32>
        %gather3A_465 = tpu.vector_load_idx %arg19[%add3A_221, %broadcast_in_dim3A_464] : memref<128x128xf32, #tpu.memory_space<vmem>>[vector<16xi32>, vector<16xi32>], vector<16xf32>,
        %mul3A_466 = arith.mulf %gather3A_465, %select_n3A_254 : vector<16xf32>
        tpu.vector_store_idx %arg19[%add3A_221, %broadcast_in_dim3A_464], %mul3A_466 : memref<128x128xf32, #tpu.memory_space<vmem>>[vector<16xi32>, vector<16xi32>], vector<16xf32>,
        %broadcast_in_dim3A_467 = arith.constant 17 : i32
        %broadcast_in_dim3A_468 = vector.broadcast %broadcast_in_dim3A_467 : i32 to vector<16xi32>
        %gather3A_469 = tpu.vector_load_idx %arg19[%add3A_221, %broadcast_in_dim3A_468] : memref<128x128xf32, #tpu.memory_space<vmem>>[vector<16xi32>, vector<16xi32>], vector<16xf32>,
        %mul3A_470 = arith.mulf %gather3A_469, %select_n3A_254 : vector<16xf32>
        tpu.vector_store_idx %arg19[%add3A_221, %broadcast_in_dim3A_468], %mul3A_470 : memref<128x128xf32, #tpu.memory_space<vmem>>[vector<16xi32>, vector<16xi32>], vector<16xf32>,
        %broadcast_in_dim3A_471 = arith.constant 18 : i32
        %broadcast_in_dim3A_472 = vector.broadcast %broadcast_in_dim3A_471 : i32 to vector<16xi32>
        %gather3A_473 = tpu.vector_load_idx %arg19[%add3A_221, %broadcast_in_dim3A_472] : memref<128x128xf32, #tpu.memory_space<vmem>>[vector<16xi32>, vector<16xi32>], vector<16xf32>,
        %mul3A_474 = arith.mulf %gather3A_473, %select_n3A_254 : vector<16xf32>
        tpu.vector_store_idx %arg19[%add3A_221, %broadcast_in_dim3A_472], %mul3A_474 : memref<128x128xf32, #tpu.memory_space<vmem>>[vector<16xi32>, vector<16xi32>], vector<16xf32>,
        %broadcast_in_dim3A_475 = arith.constant 19 : i32
        %broadcast_in_dim3A_476 = vector.broadcast %broadcast_in_dim3A_475 : i32 to vector<16xi32>
        %gather3A_477 = tpu.vector_load_idx %arg19[%add3A_221, %broadcast_in_dim3A_476] : memref<128x128xf32, #tpu.memory_space<vmem>>[vector<16xi32>, vector<16xi32>], vector<16xf32>,
        %mul3A_478 = arith.mulf %gather3A_477, %select_n3A_254 : vector<16xf32>
        tpu.vector_store_idx %arg19[%add3A_221, %broadcast_in_dim3A_476], %mul3A_478 : memref<128x128xf32, #tpu.memory_space<vmem>>[vector<16xi32>, vector<16xi32>], vector<16xf32>,
        %broadcast_in_dim3A_479 = arith.constant 20 : i32
        %broadcast_in_dim3A_480 = vector.broadcast %broadcast_in_dim3A_479 : i32 to vector<16xi32>
        %gather3A_481 = tpu.vector_load_idx %arg19[%add3A_221, %broadcast_in_dim3A_480] : memref<128x128xf32, #tpu.memory_space<vmem>>[vector<16xi32>, vector<16xi32>], vector<16xf32>,
        %mul3A_482 = arith.mulf %gather3A_481, %select_n3A_254 : vector<16xf32>
        tpu.vector_store_idx %arg19[%add3A_221, %broadcast_in_dim3A_480], %mul3A_482 : memref<128x128xf32, #tpu.memory_space<vmem>>[vector<16xi32>, vector<16xi32>], vector<16xf32>,
        %broadcast_in_dim3A_483 = arith.constant 21 : i32
        %broadcast_in_dim3A_484 = vector.broadcast %broadcast_in_dim3A_483 : i32 to vector<16xi32>
        %gather3A_485 = tpu.vector_load_idx %arg19[%add3A_221, %broadcast_in_dim3A_484] : memref<128x128xf32, #tpu.memory_space<vmem>>[vector<16xi32>, vector<16xi32>], vector<16xf32>,
        %mul3A_486 = arith.mulf %gather3A_485, %select_n3A_254 : vector<16xf32>
        tpu.vector_store_idx %arg19[%add3A_221, %broadcast_in_dim3A_484], %mul3A_486 : memref<128x128xf32, #tpu.memory_space<vmem>>[vector<16xi32>, vector<16xi32>], vector<16xf32>,
        %broadcast_in_dim3A_487 = arith.constant 22 : i32
        %broadcast_in_dim3A_488 = vector.broadcast %broadcast_in_dim3A_487 : i32 to vector<16xi32>
        %gather3A_489 = tpu.vector_load_idx %arg19[%add3A_221, %broadcast_in_dim3A_488] : memref<128x128xf32, #tpu.memory_space<vmem>>[vector<16xi32>, vector<16xi32>], vector<16xf32>,
        %mul3A_490 = arith.mulf %gather3A_489, %select_n3A_254 : vector<16xf32>
        tpu.vector_store_idx %arg19[%add3A_221, %broadcast_in_dim3A_488], %mul3A_490 : memref<128x128xf32, #tpu.memory_space<vmem>>[vector<16xi32>, vector<16xi32>], vector<16xf32>,
        %broadcast_in_dim3A_491 = arith.constant 23 : i32
        %broadcast_in_dim3A_492 = vector.broadcast %broadcast_in_dim3A_491 : i32 to vector<16xi32>
        %gather3A_493 = tpu.vector_load_idx %arg19[%add3A_221, %broadcast_in_dim3A_492] : memref<128x128xf32, #tpu.memory_space<vmem>>[vector<16xi32>, vector<16xi32>], vector<16xf32>,
        %mul3A_494 = arith.mulf %gather3A_493, %select_n3A_254 : vector<16xf32>
        tpu.vector_store_idx %arg19[%add3A_221, %broadcast_in_dim3A_492], %mul3A_494 : memref<128x128xf32, #tpu.memory_space<vmem>>[vector<16xi32>, vector<16xi32>], vector<16xf32>,
        %broadcast_in_dim3A_495 = arith.constant 24 : i32
        %broadcast_in_dim3A_496 = vector.broadcast %broadcast_in_dim3A_495 : i32 to vector<16xi32>
        %gather3A_497 = tpu.vector_load_idx %arg19[%add3A_221, %broadcast_in_dim3A_496] : memref<128x128xf32, #tpu.memory_space<vmem>>[vector<16xi32>, vector<16xi32>], vector<16xf32>,
        %mul3A_498 = arith.mulf %gather3A_497, %select_n3A_254 : vector<16xf32>
        tpu.vector_store_idx %arg19[%add3A_221, %broadcast_in_dim3A_496], %mul3A_498 : memref<128x128xf32, #tpu.memory_space<vmem>>[vector<16xi32>, vector<16xi32>], vector<16xf32>,
        %broadcast_in_dim3A_499 = arith.constant 25 : i32
        %broadcast_in_dim3A_500 = vector.broadcast %broadcast_in_dim3A_499 : i32 to vector<16xi32>
        %gather3A_501 = tpu.vector_load_idx %arg19[%add3A_221, %broadcast_in_dim3A_500] : memref<128x128xf32, #tpu.memory_space<vmem>>[vector<16xi32>, vector<16xi32>], vector<16xf32>,
        %mul3A_502 = arith.mulf %gather3A_501, %select_n3A_254 : vector<16xf32>
        tpu.vector_store_idx %arg19[%add3A_221, %broadcast_in_dim3A_500], %mul3A_502 : memref<128x128xf32, #tpu.memory_space<vmem>>[vector<16xi32>, vector<16xi32>], vector<16xf32>,
        %broadcast_in_dim3A_503 = arith.constant 26 : i32
        %broadcast_in_dim3A_504 = vector.broadcast %broadcast_in_dim3A_503 : i32 to vector<16xi32>
        %gather3A_505 = tpu.vector_load_idx %arg19[%add3A_221, %broadcast_in_dim3A_504] : memref<128x128xf32, #tpu.memory_space<vmem>>[vector<16xi32>, vector<16xi32>], vector<16xf32>,
        %mul3A_506 = arith.mulf %gather3A_505, %select_n3A_254 : vector<16xf32>
        tpu.vector_store_idx %arg19[%add3A_221, %broadcast_in_dim3A_504], %mul3A_506 : memref<128x128xf32, #tpu.memory_space<vmem>>[vector<16xi32>, vector<16xi32>], vector<16xf32>,
        %broadcast_in_dim3A_507 = arith.constant 27 : i32
        %broadcast_in_dim3A_508 = vector.broadcast %broadcast_in_dim3A_507 : i32 to vector<16xi32>
        %gather3A_509 = tpu.vector_load_idx %arg19[%add3A_221, %broadcast_in_dim3A_508] : memref<128x128xf32, #tpu.memory_space<vmem>>[vector<16xi32>, vector<16xi32>], vector<16xf32>,
        %mul3A_510 = arith.mulf %gather3A_509, %select_n3A_254 : vector<16xf32>
        tpu.vector_store_idx %arg19[%add3A_221, %broadcast_in_dim3A_508], %mul3A_510 : memref<128x128xf32, #tpu.memory_space<vmem>>[vector<16xi32>, vector<16xi32>], vector<16xf32>,
        %broadcast_in_dim3A_511 = arith.constant 28 : i32
        %broadcast_in_dim3A_512 = vector.broadcast %broadcast_in_dim3A_511 : i32 to vector<16xi32>
        %gather3A_513 = tpu.vector_load_idx %arg19[%add3A_221, %broadcast_in_dim3A_512] : memref<128x128xf32, #tpu.memory_space<vmem>>[vector<16xi32>, vector<16xi32>], vector<16xf32>,
        %mul3A_514 = arith.mulf %gather3A_513, %select_n3A_254 : vector<16xf32>
        tpu.vector_store_idx %arg19[%add3A_221, %broadcast_in_dim3A_512], %mul3A_514 : memref<128x128xf32, #tpu.memory_space<vmem>>[vector<16xi32>, vector<16xi32>], vector<16xf32>,
        %broadcast_in_dim3A_515 = arith.constant 29 : i32
        %broadcast_in_dim3A_516 = vector.broadcast %broadcast_in_dim3A_515 : i32 to vector<16xi32>
        %gather3A_517 = tpu.vector_load_idx %arg19[%add3A_221, %broadcast_in_dim3A_516] : memref<128x128xf32, #tpu.memory_space<vmem>>[vector<16xi32>, vector<16xi32>], vector<16xf32>,
        %mul3A_518 = arith.mulf %gather3A_517, %select_n3A_254 : vector<16xf32>
        tpu.vector_store_idx %arg19[%add3A_221, %broadcast_in_dim3A_516], %mul3A_518 : memref<128x128xf32, #tpu.memory_space<vmem>>[vector<16xi32>, vector<16xi32>], vector<16xf32>,
        %broadcast_in_dim3A_519 = arith.constant 30 : i32
        %broadcast_in_dim3A_520 = vector.broadcast %broadcast_in_dim3A_519 : i32 to vector<16xi32>
        %gather3A_521 = tpu.vector_load_idx %arg19[%add3A_221, %broadcast_in_dim3A_520] : memref<128x128xf32, #tpu.memory_space<vmem>>[vector<16xi32>, vector<16xi32>], vector<16xf32>,
        %mul3A_522 = arith.mulf %gather3A_521, %select_n3A_254 : vector<16xf32>
        tpu.vector_store_idx %arg19[%add3A_221, %broadcast_in_dim3A_520], %mul3A_522 : memref<128x128xf32, #tpu.memory_space<vmem>>[vector<16xi32>, vector<16xi32>], vector<16xf32>,
        %broadcast_in_dim3A_523 = arith.constant 31 : i32
        %broadcast_in_dim3A_524 = vector.broadcast %broadcast_in_dim3A_523 : i32 to vector<16xi32>
        %gather3A_525 = tpu.vector_load_idx %arg19[%add3A_221, %broadcast_in_dim3A_524] : memref<128x128xf32, #tpu.memory_space<vmem>>[vector<16xi32>, vector<16xi32>], vector<16xf32>,
        %mul3A_526 = arith.mulf %gather3A_525, %select_n3A_254 : vector<16xf32>
        tpu.vector_store_idx %arg19[%add3A_221, %broadcast_in_dim3A_524], %mul3A_526 : memref<128x128xf32, #tpu.memory_space<vmem>>[vector<16xi32>, vector<16xi32>], vector<16xf32>,
        %mul3A_527 = arith.constant 8 : i32
        %mul3A_528 = vector.broadcast %mul3A_527 : i32 to vector<16xi32>
        %mul3A_529 = arith.muli %get3A_222, %mul3A_528 : vector<16xi32>
        %add3A_530 = arith.constant 1 : i32
        %add3A_531 = vector.broadcast %add3A_530 : i32 to vector<16xi32>
        %add3A_532 = arith.addi %mul3A_529, %add3A_531 : vector<16xi32>
        %gather3A_533 = tpu.vector_load_idx %arg18[%add3A_532] : memref<32768xf32, #tpu.memory_space<vmem>>[vector<16xi32>], vector<16xf32>,
        %mul3A_534 = arith.constant 8 : i32
        %mul3A_535 = vector.broadcast %mul3A_534 : i32 to vector<16xi32>
        %mul3A_536 = arith.muli %get3A_224, %mul3A_535 : vector<16xi32>
        %add3A_537 = arith.constant 5 : i32
        %add3A_538 = vector.broadcast %add3A_537 : i32 to vector<16xi32>
        %add3A_539 = arith.addi %mul3A_536, %add3A_538 : vector<16xi32>
        %gather3A_540 = tpu.vector_load_idx %arg18[%add3A_539] : memref<32768xf32, #tpu.memory_space<vmem>>[vector<16xi32>], vector<16xf32>,
        %add3A_541 = arith.addf %gather3A_533, %gather3A_540 : vector<16xf32>
        %mul3A_542 = arith.constant 2.000000e-01 : f32
        %mul3A_543 = vector.broadcast %mul3A_542 : f32 to vector<16xf32>
        %mul3A_544 = arith.mulf %mul3A_543, %add3A_541 : vector<16xf32>
        %max3A_545 = arith.maximumf %add3A_541, %mul3A_544 : vector<16xf32>
        %sub3A_546 = arith.subf %max3A_545, %max3A_101 : vector<16xf32>
        %exp3A_547 = math.exp %sub3A_546 : vector<16xf32>
        %jit3A_548 = arith.constant 0.000000e+00 : f32
        %broadcast_in_dim3A_549 = vector.broadcast %jit3A_548 : f32 to vector<16xf32>
        %select_n3A_550 = arith.select %eq3A_232, %exp3A_547, %broadcast_in_dim3A_549 : vector<16xi1>, vector<16xf32>
        %mul3A_551 = arith.constant 4 : i32
        %mul3A_552 = vector.broadcast %mul3A_551 : i32 to vector<16xi32>
        %mul3A_553 = arith.muli %get3A_224, %mul3A_552 : vector<16xi32>
        %add3A_554 = arith.constant 1 : i32
        %add3A_555 = vector.broadcast %add3A_554 : i32 to vector<16xi32>
        %add3A_556 = arith.addi %mul3A_553, %add3A_555 : vector<16xi32>
        %eq3A_557 = arith.constant 0 : i32
        %eq3A_558 = vector.broadcast %eq3A_557 : i32 to vector<16xi32>
        %eq3A_559 = arith.cmpi eq, %iota3A, %eq3A_558 : vector<16xi32>
        tpu.vector_store_idx %arg20[%add3A_556], %select_n3A_550 masked %eq3A_559 {add = true} : memref<16384xf32, #tpu.memory_space<vmem>>[vector<16xi32>], vector<16xf32>, vector<16xi1>
        %mul3A_560 = arith.constant 4 : i32
        %mul3A_561 = vector.broadcast %mul3A_560 : i32 to vector<16xi32>
        %mul3A_562 = arith.muli %get3A_224, %mul3A_561 : vector<16xi32>
        %add3A_563 = arith.constant 1 : i32
        %add3A_564 = vector.broadcast %add3A_563 : i32 to vector<16xi32>
        %add3A_565 = arith.addi %mul3A_562, %add3A_564 : vector<16xi32>
        %eq3A_566 = arith.constant 1 : i32
        %eq3A_567 = vector.broadcast %eq3A_566 : i32 to vector<16xi32>
        %eq3A_568 = arith.cmpi eq, %iota3A, %eq3A_567 : vector<16xi32>
        tpu.vector_store_idx %arg20[%add3A_565], %select_n3A_550 masked %eq3A_568 {add = true} : memref<16384xf32, #tpu.memory_space<vmem>>[vector<16xi32>], vector<16xf32>, vector<16xi1>
        %mul3A_569 = arith.constant 4 : i32
        %mul3A_570 = vector.broadcast %mul3A_569 : i32 to vector<16xi32>
        %mul3A_571 = arith.muli %get3A_224, %mul3A_570 : vector<16xi32>
        %add3A_572 = arith.constant 1 : i32
        %add3A_573 = vector.broadcast %add3A_572 : i32 to vector<16xi32>
        %add3A_574 = arith.addi %mul3A_571, %add3A_573 : vector<16xi32>
        %eq3A_575 = arith.constant 2 : i32
        %eq3A_576 = vector.broadcast %eq3A_575 : i32 to vector<16xi32>
        %eq3A_577 = arith.cmpi eq, %iota3A, %eq3A_576 : vector<16xi32>
        tpu.vector_store_idx %arg20[%add3A_574], %select_n3A_550 masked %eq3A_577 {add = true} : memref<16384xf32, #tpu.memory_space<vmem>>[vector<16xi32>], vector<16xf32>, vector<16xi1>
        %mul3A_578 = arith.constant 4 : i32
        %mul3A_579 = vector.broadcast %mul3A_578 : i32 to vector<16xi32>
        %mul3A_580 = arith.muli %get3A_224, %mul3A_579 : vector<16xi32>
        %add3A_581 = arith.constant 1 : i32
        %add3A_582 = vector.broadcast %add3A_581 : i32 to vector<16xi32>
        %add3A_583 = arith.addi %mul3A_580, %add3A_582 : vector<16xi32>
        %eq3A_584 = arith.constant 3 : i32
        %eq3A_585 = vector.broadcast %eq3A_584 : i32 to vector<16xi32>
        %eq3A_586 = arith.cmpi eq, %iota3A, %eq3A_585 : vector<16xi32>
        tpu.vector_store_idx %arg20[%add3A_583], %select_n3A_550 masked %eq3A_586 {add = true} : memref<16384xf32, #tpu.memory_space<vmem>>[vector<16xi32>], vector<16xf32>, vector<16xi1>
        %mul3A_587 = arith.constant 4 : i32
        %mul3A_588 = vector.broadcast %mul3A_587 : i32 to vector<16xi32>
        %mul3A_589 = arith.muli %get3A_224, %mul3A_588 : vector<16xi32>
        %add3A_590 = arith.constant 1 : i32
        %add3A_591 = vector.broadcast %add3A_590 : i32 to vector<16xi32>
        %add3A_592 = arith.addi %mul3A_589, %add3A_591 : vector<16xi32>
        %eq3A_593 = arith.constant 4 : i32
        %eq3A_594 = vector.broadcast %eq3A_593 : i32 to vector<16xi32>
        %eq3A_595 = arith.cmpi eq, %iota3A, %eq3A_594 : vector<16xi32>
        tpu.vector_store_idx %arg20[%add3A_592], %select_n3A_550 masked %eq3A_595 {add = true} : memref<16384xf32, #tpu.memory_space<vmem>>[vector<16xi32>], vector<16xf32>, vector<16xi1>
        %mul3A_596 = arith.constant 4 : i32
        %mul3A_597 = vector.broadcast %mul3A_596 : i32 to vector<16xi32>
        %mul3A_598 = arith.muli %get3A_224, %mul3A_597 : vector<16xi32>
        %add3A_599 = arith.constant 1 : i32
        %add3A_600 = vector.broadcast %add3A_599 : i32 to vector<16xi32>
        %add3A_601 = arith.addi %mul3A_598, %add3A_600 : vector<16xi32>
        %eq3A_602 = arith.constant 5 : i32
        %eq3A_603 = vector.broadcast %eq3A_602 : i32 to vector<16xi32>
        %eq3A_604 = arith.cmpi eq, %iota3A, %eq3A_603 : vector<16xi32>
        tpu.vector_store_idx %arg20[%add3A_601], %select_n3A_550 masked %eq3A_604 {add = true} : memref<16384xf32, #tpu.memory_space<vmem>>[vector<16xi32>], vector<16xf32>, vector<16xi1>
        %mul3A_605 = arith.constant 4 : i32
        %mul3A_606 = vector.broadcast %mul3A_605 : i32 to vector<16xi32>
        %mul3A_607 = arith.muli %get3A_224, %mul3A_606 : vector<16xi32>
        %add3A_608 = arith.constant 1 : i32
        %add3A_609 = vector.broadcast %add3A_608 : i32 to vector<16xi32>
        %add3A_610 = arith.addi %mul3A_607, %add3A_609 : vector<16xi32>
        %eq3A_611 = arith.constant 6 : i32
        %eq3A_612 = vector.broadcast %eq3A_611 : i32 to vector<16xi32>
        %eq3A_613 = arith.cmpi eq, %iota3A, %eq3A_612 : vector<16xi32>
        tpu.vector_store_idx %arg20[%add3A_610], %select_n3A_550 masked %eq3A_613 {add = true} : memref<16384xf32, #tpu.memory_space<vmem>>[vector<16xi32>], vector<16xf32>, vector<16xi1>
        %mul3A_614 = arith.constant 4 : i32
        %mul3A_615 = vector.broadcast %mul3A_614 : i32 to vector<16xi32>
        %mul3A_616 = arith.muli %get3A_224, %mul3A_615 : vector<16xi32>
        %add3A_617 = arith.constant 1 : i32
        %add3A_618 = vector.broadcast %add3A_617 : i32 to vector<16xi32>
        %add3A_619 = arith.addi %mul3A_616, %add3A_618 : vector<16xi32>
        %eq3A_620 = arith.constant 7 : i32
        %eq3A_621 = vector.broadcast %eq3A_620 : i32 to vector<16xi32>
        %eq3A_622 = arith.cmpi eq, %iota3A, %eq3A_621 : vector<16xi32>
        tpu.vector_store_idx %arg20[%add3A_619], %select_n3A_550 masked %eq3A_622 {add = true} : memref<16384xf32, #tpu.memory_space<vmem>>[vector<16xi32>], vector<16xf32>, vector<16xi1>
        %mul3A_623 = arith.constant 4 : i32
        %mul3A_624 = vector.broadcast %mul3A_623 : i32 to vector<16xi32>
        %mul3A_625 = arith.muli %get3A_224, %mul3A_624 : vector<16xi32>
        %add3A_626 = arith.constant 1 : i32
        %add3A_627 = vector.broadcast %add3A_626 : i32 to vector<16xi32>
        %add3A_628 = arith.addi %mul3A_625, %add3A_627 : vector<16xi32>
        %eq3A_629 = arith.constant 8 : i32
        %eq3A_630 = vector.broadcast %eq3A_629 : i32 to vector<16xi32>
        %eq3A_631 = arith.cmpi eq, %iota3A, %eq3A_630 : vector<16xi32>
        tpu.vector_store_idx %arg20[%add3A_628], %select_n3A_550 masked %eq3A_631 {add = true} : memref<16384xf32, #tpu.memory_space<vmem>>[vector<16xi32>], vector<16xf32>, vector<16xi1>
        %mul3A_632 = arith.constant 4 : i32
        %mul3A_633 = vector.broadcast %mul3A_632 : i32 to vector<16xi32>
        %mul3A_634 = arith.muli %get3A_224, %mul3A_633 : vector<16xi32>
        %add3A_635 = arith.constant 1 : i32
        %add3A_636 = vector.broadcast %add3A_635 : i32 to vector<16xi32>
        %add3A_637 = arith.addi %mul3A_634, %add3A_636 : vector<16xi32>
        %eq3A_638 = arith.constant 9 : i32
        %eq3A_639 = vector.broadcast %eq3A_638 : i32 to vector<16xi32>
        %eq3A_640 = arith.cmpi eq, %iota3A, %eq3A_639 : vector<16xi32>
        tpu.vector_store_idx %arg20[%add3A_637], %select_n3A_550 masked %eq3A_640 {add = true} : memref<16384xf32, #tpu.memory_space<vmem>>[vector<16xi32>], vector<16xf32>, vector<16xi1>
        %mul3A_641 = arith.constant 4 : i32
        %mul3A_642 = vector.broadcast %mul3A_641 : i32 to vector<16xi32>
        %mul3A_643 = arith.muli %get3A_224, %mul3A_642 : vector<16xi32>
        %add3A_644 = arith.constant 1 : i32
        %add3A_645 = vector.broadcast %add3A_644 : i32 to vector<16xi32>
        %add3A_646 = arith.addi %mul3A_643, %add3A_645 : vector<16xi32>
        %eq3A_647 = arith.constant 10 : i32
        %eq3A_648 = vector.broadcast %eq3A_647 : i32 to vector<16xi32>
        %eq3A_649 = arith.cmpi eq, %iota3A, %eq3A_648 : vector<16xi32>
        tpu.vector_store_idx %arg20[%add3A_646], %select_n3A_550 masked %eq3A_649 {add = true} : memref<16384xf32, #tpu.memory_space<vmem>>[vector<16xi32>], vector<16xf32>, vector<16xi1>
        %mul3A_650 = arith.constant 4 : i32
        %mul3A_651 = vector.broadcast %mul3A_650 : i32 to vector<16xi32>
        %mul3A_652 = arith.muli %get3A_224, %mul3A_651 : vector<16xi32>
        %add3A_653 = arith.constant 1 : i32
        %add3A_654 = vector.broadcast %add3A_653 : i32 to vector<16xi32>
        %add3A_655 = arith.addi %mul3A_652, %add3A_654 : vector<16xi32>
        %eq3A_656 = arith.constant 11 : i32
        %eq3A_657 = vector.broadcast %eq3A_656 : i32 to vector<16xi32>
        %eq3A_658 = arith.cmpi eq, %iota3A, %eq3A_657 : vector<16xi32>
        tpu.vector_store_idx %arg20[%add3A_655], %select_n3A_550 masked %eq3A_658 {add = true} : memref<16384xf32, #tpu.memory_space<vmem>>[vector<16xi32>], vector<16xf32>, vector<16xi1>
        %mul3A_659 = arith.constant 4 : i32
        %mul3A_660 = vector.broadcast %mul3A_659 : i32 to vector<16xi32>
        %mul3A_661 = arith.muli %get3A_224, %mul3A_660 : vector<16xi32>
        %add3A_662 = arith.constant 1 : i32
        %add3A_663 = vector.broadcast %add3A_662 : i32 to vector<16xi32>
        %add3A_664 = arith.addi %mul3A_661, %add3A_663 : vector<16xi32>
        %eq3A_665 = arith.constant 12 : i32
        %eq3A_666 = vector.broadcast %eq3A_665 : i32 to vector<16xi32>
        %eq3A_667 = arith.cmpi eq, %iota3A, %eq3A_666 : vector<16xi32>
        tpu.vector_store_idx %arg20[%add3A_664], %select_n3A_550 masked %eq3A_667 {add = true} : memref<16384xf32, #tpu.memory_space<vmem>>[vector<16xi32>], vector<16xf32>, vector<16xi1>
        %mul3A_668 = arith.constant 4 : i32
        %mul3A_669 = vector.broadcast %mul3A_668 : i32 to vector<16xi32>
        %mul3A_670 = arith.muli %get3A_224, %mul3A_669 : vector<16xi32>
        %add3A_671 = arith.constant 1 : i32
        %add3A_672 = vector.broadcast %add3A_671 : i32 to vector<16xi32>
        %add3A_673 = arith.addi %mul3A_670, %add3A_672 : vector<16xi32>
        %eq3A_674 = arith.constant 13 : i32
        %eq3A_675 = vector.broadcast %eq3A_674 : i32 to vector<16xi32>
        %eq3A_676 = arith.cmpi eq, %iota3A, %eq3A_675 : vector<16xi32>
        tpu.vector_store_idx %arg20[%add3A_673], %select_n3A_550 masked %eq3A_676 {add = true} : memref<16384xf32, #tpu.memory_space<vmem>>[vector<16xi32>], vector<16xf32>, vector<16xi1>
        %mul3A_677 = arith.constant 4 : i32
        %mul3A_678 = vector.broadcast %mul3A_677 : i32 to vector<16xi32>
        %mul3A_679 = arith.muli %get3A_224, %mul3A_678 : vector<16xi32>
        %add3A_680 = arith.constant 1 : i32
        %add3A_681 = vector.broadcast %add3A_680 : i32 to vector<16xi32>
        %add3A_682 = arith.addi %mul3A_679, %add3A_681 : vector<16xi32>
        %eq3A_683 = arith.constant 14 : i32
        %eq3A_684 = vector.broadcast %eq3A_683 : i32 to vector<16xi32>
        %eq3A_685 = arith.cmpi eq, %iota3A, %eq3A_684 : vector<16xi32>
        tpu.vector_store_idx %arg20[%add3A_682], %select_n3A_550 masked %eq3A_685 {add = true} : memref<16384xf32, #tpu.memory_space<vmem>>[vector<16xi32>], vector<16xf32>, vector<16xi1>
        %mul3A_686 = arith.constant 4 : i32
        %mul3A_687 = vector.broadcast %mul3A_686 : i32 to vector<16xi32>
        %mul3A_688 = arith.muli %get3A_224, %mul3A_687 : vector<16xi32>
        %add3A_689 = arith.constant 1 : i32
        %add3A_690 = vector.broadcast %add3A_689 : i32 to vector<16xi32>
        %add3A_691 = arith.addi %mul3A_688, %add3A_690 : vector<16xi32>
        %eq3A_692 = arith.constant 15 : i32
        %eq3A_693 = vector.broadcast %eq3A_692 : i32 to vector<16xi32>
        %eq3A_694 = arith.cmpi eq, %iota3A, %eq3A_693 : vector<16xi32>
        tpu.vector_store_idx %arg20[%add3A_691], %select_n3A_550 masked %eq3A_694 {add = true} : memref<16384xf32, #tpu.memory_space<vmem>>[vector<16xi32>], vector<16xf32>, vector<16xi1>
        %broadcast_in_dim3A_695 = arith.constant 32 : i32
        %broadcast_in_dim3A_696 = vector.broadcast %broadcast_in_dim3A_695 : i32 to vector<16xi32>
        %gather3A_697 = tpu.vector_load_idx %arg19[%add3A_221, %broadcast_in_dim3A_696] : memref<128x128xf32, #tpu.memory_space<vmem>>[vector<16xi32>, vector<16xi32>], vector<16xf32>,
        %mul3A_698 = arith.mulf %gather3A_697, %select_n3A_550 : vector<16xf32>
        tpu.vector_store_idx %arg19[%add3A_221, %broadcast_in_dim3A_696], %mul3A_698 : memref<128x128xf32, #tpu.memory_space<vmem>>[vector<16xi32>, vector<16xi32>], vector<16xf32>,
        %broadcast_in_dim3A_699 = arith.constant 33 : i32
        %broadcast_in_dim3A_700 = vector.broadcast %broadcast_in_dim3A_699 : i32 to vector<16xi32>
        %gather3A_701 = tpu.vector_load_idx %arg19[%add3A_221, %broadcast_in_dim3A_700] : memref<128x128xf32, #tpu.memory_space<vmem>>[vector<16xi32>, vector<16xi32>], vector<16xf32>,
        %mul3A_702 = arith.mulf %gather3A_701, %select_n3A_550 : vector<16xf32>
        tpu.vector_store_idx %arg19[%add3A_221, %broadcast_in_dim3A_700], %mul3A_702 : memref<128x128xf32, #tpu.memory_space<vmem>>[vector<16xi32>, vector<16xi32>], vector<16xf32>,
        %broadcast_in_dim3A_703 = arith.constant 34 : i32
        %broadcast_in_dim3A_704 = vector.broadcast %broadcast_in_dim3A_703 : i32 to vector<16xi32>
        %gather3A_705 = tpu.vector_load_idx %arg19[%add3A_221, %broadcast_in_dim3A_704] : memref<128x128xf32, #tpu.memory_space<vmem>>[vector<16xi32>, vector<16xi32>], vector<16xf32>,
        %mul3A_706 = arith.mulf %gather3A_705, %select_n3A_550 : vector<16xf32>
        tpu.vector_store_idx %arg19[%add3A_221, %broadcast_in_dim3A_704], %mul3A_706 : memref<128x128xf32, #tpu.memory_space<vmem>>[vector<16xi32>, vector<16xi32>], vector<16xf32>,
        %broadcast_in_dim3A_707 = arith.constant 35 : i32
        %broadcast_in_dim3A_708 = vector.broadcast %broadcast_in_dim3A_707 : i32 to vector<16xi32>
        %gather3A_709 = tpu.vector_load_idx %arg19[%add3A_221, %broadcast_in_dim3A_708] : memref<128x128xf32, #tpu.memory_space<vmem>>[vector<16xi32>, vector<16xi32>], vector<16xf32>,
        %mul3A_710 = arith.mulf %gather3A_709, %select_n3A_550 : vector<16xf32>
        tpu.vector_store_idx %arg19[%add3A_221, %broadcast_in_dim3A_708], %mul3A_710 : memref<128x128xf32, #tpu.memory_space<vmem>>[vector<16xi32>, vector<16xi32>], vector<16xf32>,
        %broadcast_in_dim3A_711 = arith.constant 36 : i32
        %broadcast_in_dim3A_712 = vector.broadcast %broadcast_in_dim3A_711 : i32 to vector<16xi32>
        %gather3A_713 = tpu.vector_load_idx %arg19[%add3A_221, %broadcast_in_dim3A_712] : memref<128x128xf32, #tpu.memory_space<vmem>>[vector<16xi32>, vector<16xi32>], vector<16xf32>,
        %mul3A_714 = arith.mulf %gather3A_713, %select_n3A_550 : vector<16xf32>
        tpu.vector_store_idx %arg19[%add3A_221, %broadcast_in_dim3A_712], %mul3A_714 : memref<128x128xf32, #tpu.memory_space<vmem>>[vector<16xi32>, vector<16xi32>], vector<16xf32>,
        %broadcast_in_dim3A_715 = arith.constant 37 : i32
        %broadcast_in_dim3A_716 = vector.broadcast %broadcast_in_dim3A_715 : i32 to vector<16xi32>
        %gather3A_717 = tpu.vector_load_idx %arg19[%add3A_221, %broadcast_in_dim3A_716] : memref<128x128xf32, #tpu.memory_space<vmem>>[vector<16xi32>, vector<16xi32>], vector<16xf32>,
        %mul3A_718 = arith.mulf %gather3A_717, %select_n3A_550 : vector<16xf32>
        tpu.vector_store_idx %arg19[%add3A_221, %broadcast_in_dim3A_716], %mul3A_718 : memref<128x128xf32, #tpu.memory_space<vmem>>[vector<16xi32>, vector<16xi32>], vector<16xf32>,
        %broadcast_in_dim3A_719 = arith.constant 38 : i32
        %broadcast_in_dim3A_720 = vector.broadcast %broadcast_in_dim3A_719 : i32 to vector<16xi32>
        %gather3A_721 = tpu.vector_load_idx %arg19[%add3A_221, %broadcast_in_dim3A_720] : memref<128x128xf32, #tpu.memory_space<vmem>>[vector<16xi32>, vector<16xi32>], vector<16xf32>,
        %mul3A_722 = arith.mulf %gather3A_721, %select_n3A_550 : vector<16xf32>
        tpu.vector_store_idx %arg19[%add3A_221, %broadcast_in_dim3A_720], %mul3A_722 : memref<128x128xf32, #tpu.memory_space<vmem>>[vector<16xi32>, vector<16xi32>], vector<16xf32>,
        %broadcast_in_dim3A_723 = arith.constant 39 : i32
        %broadcast_in_dim3A_724 = vector.broadcast %broadcast_in_dim3A_723 : i32 to vector<16xi32>
        %gather3A_725 = tpu.vector_load_idx %arg19[%add3A_221, %broadcast_in_dim3A_724] : memref<128x128xf32, #tpu.memory_space<vmem>>[vector<16xi32>, vector<16xi32>], vector<16xf32>,
        %mul3A_726 = arith.mulf %gather3A_725, %select_n3A_550 : vector<16xf32>
        tpu.vector_store_idx %arg19[%add3A_221, %broadcast_in_dim3A_724], %mul3A_726 : memref<128x128xf32, #tpu.memory_space<vmem>>[vector<16xi32>, vector<16xi32>], vector<16xf32>,
        %broadcast_in_dim3A_727 = arith.constant 40 : i32
        %broadcast_in_dim3A_728 = vector.broadcast %broadcast_in_dim3A_727 : i32 to vector<16xi32>
        %gather3A_729 = tpu.vector_load_idx %arg19[%add3A_221, %broadcast_in_dim3A_728] : memref<128x128xf32, #tpu.memory_space<vmem>>[vector<16xi32>, vector<16xi32>], vector<16xf32>,
        %mul3A_730 = arith.mulf %gather3A_729, %select_n3A_550 : vector<16xf32>
        tpu.vector_store_idx %arg19[%add3A_221, %broadcast_in_dim3A_728], %mul3A_730 : memref<128x128xf32, #tpu.memory_space<vmem>>[vector<16xi32>, vector<16xi32>], vector<16xf32>,
        %broadcast_in_dim3A_731 = arith.constant 41 : i32
        %broadcast_in_dim3A_732 = vector.broadcast %broadcast_in_dim3A_731 : i32 to vector<16xi32>
        %gather3A_733 = tpu.vector_load_idx %arg19[%add3A_221, %broadcast_in_dim3A_732] : memref<128x128xf32, #tpu.memory_space<vmem>>[vector<16xi32>, vector<16xi32>], vector<16xf32>,
        %mul3A_734 = arith.mulf %gather3A_733, %select_n3A_550 : vector<16xf32>
        tpu.vector_store_idx %arg19[%add3A_221, %broadcast_in_dim3A_732], %mul3A_734 : memref<128x128xf32, #tpu.memory_space<vmem>>[vector<16xi32>, vector<16xi32>], vector<16xf32>,
        %broadcast_in_dim3A_735 = arith.constant 42 : i32
        %broadcast_in_dim3A_736 = vector.broadcast %broadcast_in_dim3A_735 : i32 to vector<16xi32>
        %gather3A_737 = tpu.vector_load_idx %arg19[%add3A_221, %broadcast_in_dim3A_736] : memref<128x128xf32, #tpu.memory_space<vmem>>[vector<16xi32>, vector<16xi32>], vector<16xf32>,
        %mul3A_738 = arith.mulf %gather3A_737, %select_n3A_550 : vector<16xf32>
        tpu.vector_store_idx %arg19[%add3A_221, %broadcast_in_dim3A_736], %mul3A_738 : memref<128x128xf32, #tpu.memory_space<vmem>>[vector<16xi32>, vector<16xi32>], vector<16xf32>,
        %broadcast_in_dim3A_739 = arith.constant 43 : i32
        %broadcast_in_dim3A_740 = vector.broadcast %broadcast_in_dim3A_739 : i32 to vector<16xi32>
        %gather3A_741 = tpu.vector_load_idx %arg19[%add3A_221, %broadcast_in_dim3A_740] : memref<128x128xf32, #tpu.memory_space<vmem>>[vector<16xi32>, vector<16xi32>], vector<16xf32>,
        %mul3A_742 = arith.mulf %gather3A_741, %select_n3A_550 : vector<16xf32>
        tpu.vector_store_idx %arg19[%add3A_221, %broadcast_in_dim3A_740], %mul3A_742 : memref<128x128xf32, #tpu.memory_space<vmem>>[vector<16xi32>, vector<16xi32>], vector<16xf32>,
        %broadcast_in_dim3A_743 = arith.constant 44 : i32
        %broadcast_in_dim3A_744 = vector.broadcast %broadcast_in_dim3A_743 : i32 to vector<16xi32>
        %gather3A_745 = tpu.vector_load_idx %arg19[%add3A_221, %broadcast_in_dim3A_744] : memref<128x128xf32, #tpu.memory_space<vmem>>[vector<16xi32>, vector<16xi32>], vector<16xf32>,
        %mul3A_746 = arith.mulf %gather3A_745, %select_n3A_550 : vector<16xf32>
        tpu.vector_store_idx %arg19[%add3A_221, %broadcast_in_dim3A_744], %mul3A_746 : memref<128x128xf32, #tpu.memory_space<vmem>>[vector<16xi32>, vector<16xi32>], vector<16xf32>,
        %broadcast_in_dim3A_747 = arith.constant 45 : i32
        %broadcast_in_dim3A_748 = vector.broadcast %broadcast_in_dim3A_747 : i32 to vector<16xi32>
        %gather3A_749 = tpu.vector_load_idx %arg19[%add3A_221, %broadcast_in_dim3A_748] : memref<128x128xf32, #tpu.memory_space<vmem>>[vector<16xi32>, vector<16xi32>], vector<16xf32>,
        %mul3A_750 = arith.mulf %gather3A_749, %select_n3A_550 : vector<16xf32>
        tpu.vector_store_idx %arg19[%add3A_221, %broadcast_in_dim3A_748], %mul3A_750 : memref<128x128xf32, #tpu.memory_space<vmem>>[vector<16xi32>, vector<16xi32>], vector<16xf32>,
        %broadcast_in_dim3A_751 = arith.constant 46 : i32
        %broadcast_in_dim3A_752 = vector.broadcast %broadcast_in_dim3A_751 : i32 to vector<16xi32>
        %gather3A_753 = tpu.vector_load_idx %arg19[%add3A_221, %broadcast_in_dim3A_752] : memref<128x128xf32, #tpu.memory_space<vmem>>[vector<16xi32>, vector<16xi32>], vector<16xf32>,
        %mul3A_754 = arith.mulf %gather3A_753, %select_n3A_550 : vector<16xf32>
        tpu.vector_store_idx %arg19[%add3A_221, %broadcast_in_dim3A_752], %mul3A_754 : memref<128x128xf32, #tpu.memory_space<vmem>>[vector<16xi32>, vector<16xi32>], vector<16xf32>,
        %broadcast_in_dim3A_755 = arith.constant 47 : i32
        %broadcast_in_dim3A_756 = vector.broadcast %broadcast_in_dim3A_755 : i32 to vector<16xi32>
        %gather3A_757 = tpu.vector_load_idx %arg19[%add3A_221, %broadcast_in_dim3A_756] : memref<128x128xf32, #tpu.memory_space<vmem>>[vector<16xi32>, vector<16xi32>], vector<16xf32>,
        %mul3A_758 = arith.mulf %gather3A_757, %select_n3A_550 : vector<16xf32>
        tpu.vector_store_idx %arg19[%add3A_221, %broadcast_in_dim3A_756], %mul3A_758 : memref<128x128xf32, #tpu.memory_space<vmem>>[vector<16xi32>, vector<16xi32>], vector<16xf32>,
        %broadcast_in_dim3A_759 = arith.constant 48 : i32
        %broadcast_in_dim3A_760 = vector.broadcast %broadcast_in_dim3A_759 : i32 to vector<16xi32>
        %gather3A_761 = tpu.vector_load_idx %arg19[%add3A_221, %broadcast_in_dim3A_760] : memref<128x128xf32, #tpu.memory_space<vmem>>[vector<16xi32>, vector<16xi32>], vector<16xf32>,
        %mul3A_762 = arith.mulf %gather3A_761, %select_n3A_550 : vector<16xf32>
        tpu.vector_store_idx %arg19[%add3A_221, %broadcast_in_dim3A_760], %mul3A_762 : memref<128x128xf32, #tpu.memory_space<vmem>>[vector<16xi32>, vector<16xi32>], vector<16xf32>,
        %broadcast_in_dim3A_763 = arith.constant 49 : i32
        %broadcast_in_dim3A_764 = vector.broadcast %broadcast_in_dim3A_763 : i32 to vector<16xi32>
        %gather3A_765 = tpu.vector_load_idx %arg19[%add3A_221, %broadcast_in_dim3A_764] : memref<128x128xf32, #tpu.memory_space<vmem>>[vector<16xi32>, vector<16xi32>], vector<16xf32>,
        %mul3A_766 = arith.mulf %gather3A_765, %select_n3A_550 : vector<16xf32>
        tpu.vector_store_idx %arg19[%add3A_221, %broadcast_in_dim3A_764], %mul3A_766 : memref<128x128xf32, #tpu.memory_space<vmem>>[vector<16xi32>, vector<16xi32>], vector<16xf32>,
        %broadcast_in_dim3A_767 = arith.constant 50 : i32
        %broadcast_in_dim3A_768 = vector.broadcast %broadcast_in_dim3A_767 : i32 to vector<16xi32>
        %gather3A_769 = tpu.vector_load_idx %arg19[%add3A_221, %broadcast_in_dim3A_768] : memref<128x128xf32, #tpu.memory_space<vmem>>[vector<16xi32>, vector<16xi32>], vector<16xf32>,
        %mul3A_770 = arith.mulf %gather3A_769, %select_n3A_550 : vector<16xf32>
        tpu.vector_store_idx %arg19[%add3A_221, %broadcast_in_dim3A_768], %mul3A_770 : memref<128x128xf32, #tpu.memory_space<vmem>>[vector<16xi32>, vector<16xi32>], vector<16xf32>,
        %broadcast_in_dim3A_771 = arith.constant 51 : i32
        %broadcast_in_dim3A_772 = vector.broadcast %broadcast_in_dim3A_771 : i32 to vector<16xi32>
        %gather3A_773 = tpu.vector_load_idx %arg19[%add3A_221, %broadcast_in_dim3A_772] : memref<128x128xf32, #tpu.memory_space<vmem>>[vector<16xi32>, vector<16xi32>], vector<16xf32>,
        %mul3A_774 = arith.mulf %gather3A_773, %select_n3A_550 : vector<16xf32>
        tpu.vector_store_idx %arg19[%add3A_221, %broadcast_in_dim3A_772], %mul3A_774 : memref<128x128xf32, #tpu.memory_space<vmem>>[vector<16xi32>, vector<16xi32>], vector<16xf32>,
        %broadcast_in_dim3A_775 = arith.constant 52 : i32
        %broadcast_in_dim3A_776 = vector.broadcast %broadcast_in_dim3A_775 : i32 to vector<16xi32>
        %gather3A_777 = tpu.vector_load_idx %arg19[%add3A_221, %broadcast_in_dim3A_776] : memref<128x128xf32, #tpu.memory_space<vmem>>[vector<16xi32>, vector<16xi32>], vector<16xf32>,
        %mul3A_778 = arith.mulf %gather3A_777, %select_n3A_550 : vector<16xf32>
        tpu.vector_store_idx %arg19[%add3A_221, %broadcast_in_dim3A_776], %mul3A_778 : memref<128x128xf32, #tpu.memory_space<vmem>>[vector<16xi32>, vector<16xi32>], vector<16xf32>,
        %broadcast_in_dim3A_779 = arith.constant 53 : i32
        %broadcast_in_dim3A_780 = vector.broadcast %broadcast_in_dim3A_779 : i32 to vector<16xi32>
        %gather3A_781 = tpu.vector_load_idx %arg19[%add3A_221, %broadcast_in_dim3A_780] : memref<128x128xf32, #tpu.memory_space<vmem>>[vector<16xi32>, vector<16xi32>], vector<16xf32>,
        %mul3A_782 = arith.mulf %gather3A_781, %select_n3A_550 : vector<16xf32>
        tpu.vector_store_idx %arg19[%add3A_221, %broadcast_in_dim3A_780], %mul3A_782 : memref<128x128xf32, #tpu.memory_space<vmem>>[vector<16xi32>, vector<16xi32>], vector<16xf32>,
        %broadcast_in_dim3A_783 = arith.constant 54 : i32
        %broadcast_in_dim3A_784 = vector.broadcast %broadcast_in_dim3A_783 : i32 to vector<16xi32>
        %gather3A_785 = tpu.vector_load_idx %arg19[%add3A_221, %broadcast_in_dim3A_784] : memref<128x128xf32, #tpu.memory_space<vmem>>[vector<16xi32>, vector<16xi32>], vector<16xf32>,
        %mul3A_786 = arith.mulf %gather3A_785, %select_n3A_550 : vector<16xf32>
        tpu.vector_store_idx %arg19[%add3A_221, %broadcast_in_dim3A_784], %mul3A_786 : memref<128x128xf32, #tpu.memory_space<vmem>>[vector<16xi32>, vector<16xi32>], vector<16xf32>,
        %broadcast_in_dim3A_787 = arith.constant 55 : i32
        %broadcast_in_dim3A_788 = vector.broadcast %broadcast_in_dim3A_787 : i32 to vector<16xi32>
        %gather3A_789 = tpu.vector_load_idx %arg19[%add3A_221, %broadcast_in_dim3A_788] : memref<128x128xf32, #tpu.memory_space<vmem>>[vector<16xi32>, vector<16xi32>], vector<16xf32>,
        %mul3A_790 = arith.mulf %gather3A_789, %select_n3A_550 : vector<16xf32>
        tpu.vector_store_idx %arg19[%add3A_221, %broadcast_in_dim3A_788], %mul3A_790 : memref<128x128xf32, #tpu.memory_space<vmem>>[vector<16xi32>, vector<16xi32>], vector<16xf32>,
        %broadcast_in_dim3A_791 = arith.constant 56 : i32
        %broadcast_in_dim3A_792 = vector.broadcast %broadcast_in_dim3A_791 : i32 to vector<16xi32>
        %gather3A_793 = tpu.vector_load_idx %arg19[%add3A_221, %broadcast_in_dim3A_792] : memref<128x128xf32, #tpu.memory_space<vmem>>[vector<16xi32>, vector<16xi32>], vector<16xf32>,
        %mul3A_794 = arith.mulf %gather3A_793, %select_n3A_550 : vector<16xf32>
        tpu.vector_store_idx %arg19[%add3A_221, %broadcast_in_dim3A_792], %mul3A_794 : memref<128x128xf32, #tpu.memory_space<vmem>>[vector<16xi32>, vector<16xi32>], vector<16xf32>,
        %broadcast_in_dim3A_795 = arith.constant 57 : i32
        %broadcast_in_dim3A_796 = vector.broadcast %broadcast_in_dim3A_795 : i32 to vector<16xi32>
        %gather3A_797 = tpu.vector_load_idx %arg19[%add3A_221, %broadcast_in_dim3A_796] : memref<128x128xf32, #tpu.memory_space<vmem>>[vector<16xi32>, vector<16xi32>], vector<16xf32>,
        %mul3A_798 = arith.mulf %gather3A_797, %select_n3A_550 : vector<16xf32>
        tpu.vector_store_idx %arg19[%add3A_221, %broadcast_in_dim3A_796], %mul3A_798 : memref<128x128xf32, #tpu.memory_space<vmem>>[vector<16xi32>, vector<16xi32>], vector<16xf32>,
        %broadcast_in_dim3A_799 = arith.constant 58 : i32
        %broadcast_in_dim3A_800 = vector.broadcast %broadcast_in_dim3A_799 : i32 to vector<16xi32>
        %gather3A_801 = tpu.vector_load_idx %arg19[%add3A_221, %broadcast_in_dim3A_800] : memref<128x128xf32, #tpu.memory_space<vmem>>[vector<16xi32>, vector<16xi32>], vector<16xf32>,
        %mul3A_802 = arith.mulf %gather3A_801, %select_n3A_550 : vector<16xf32>
        tpu.vector_store_idx %arg19[%add3A_221, %broadcast_in_dim3A_800], %mul3A_802 : memref<128x128xf32, #tpu.memory_space<vmem>>[vector<16xi32>, vector<16xi32>], vector<16xf32>,
        %broadcast_in_dim3A_803 = arith.constant 59 : i32
        %broadcast_in_dim3A_804 = vector.broadcast %broadcast_in_dim3A_803 : i32 to vector<16xi32>
        %gather3A_805 = tpu.vector_load_idx %arg19[%add3A_221, %broadcast_in_dim3A_804] : memref<128x128xf32, #tpu.memory_space<vmem>>[vector<16xi32>, vector<16xi32>], vector<16xf32>,
        %mul3A_806 = arith.mulf %gather3A_805, %select_n3A_550 : vector<16xf32>
        tpu.vector_store_idx %arg19[%add3A_221, %broadcast_in_dim3A_804], %mul3A_806 : memref<128x128xf32, #tpu.memory_space<vmem>>[vector<16xi32>, vector<16xi32>], vector<16xf32>,
        %broadcast_in_dim3A_807 = arith.constant 60 : i32
        %broadcast_in_dim3A_808 = vector.broadcast %broadcast_in_dim3A_807 : i32 to vector<16xi32>
        %gather3A_809 = tpu.vector_load_idx %arg19[%add3A_221, %broadcast_in_dim3A_808] : memref<128x128xf32, #tpu.memory_space<vmem>>[vector<16xi32>, vector<16xi32>], vector<16xf32>,
        %mul3A_810 = arith.mulf %gather3A_809, %select_n3A_550 : vector<16xf32>
        tpu.vector_store_idx %arg19[%add3A_221, %broadcast_in_dim3A_808], %mul3A_810 : memref<128x128xf32, #tpu.memory_space<vmem>>[vector<16xi32>, vector<16xi32>], vector<16xf32>,
        %broadcast_in_dim3A_811 = arith.constant 61 : i32
        %broadcast_in_dim3A_812 = vector.broadcast %broadcast_in_dim3A_811 : i32 to vector<16xi32>
        %gather3A_813 = tpu.vector_load_idx %arg19[%add3A_221, %broadcast_in_dim3A_812] : memref<128x128xf32, #tpu.memory_space<vmem>>[vector<16xi32>, vector<16xi32>], vector<16xf32>,
        %mul3A_814 = arith.mulf %gather3A_813, %select_n3A_550 : vector<16xf32>
        tpu.vector_store_idx %arg19[%add3A_221, %broadcast_in_dim3A_812], %mul3A_814 : memref<128x128xf32, #tpu.memory_space<vmem>>[vector<16xi32>, vector<16xi32>], vector<16xf32>,
        %broadcast_in_dim3A_815 = arith.constant 62 : i32
        %broadcast_in_dim3A_816 = vector.broadcast %broadcast_in_dim3A_815 : i32 to vector<16xi32>
        %gather3A_817 = tpu.vector_load_idx %arg19[%add3A_221, %broadcast_in_dim3A_816] : memref<128x128xf32, #tpu.memory_space<vmem>>[vector<16xi32>, vector<16xi32>], vector<16xf32>,
        %mul3A_818 = arith.mulf %gather3A_817, %select_n3A_550 : vector<16xf32>
        tpu.vector_store_idx %arg19[%add3A_221, %broadcast_in_dim3A_816], %mul3A_818 : memref<128x128xf32, #tpu.memory_space<vmem>>[vector<16xi32>, vector<16xi32>], vector<16xf32>,
        %broadcast_in_dim3A_819 = arith.constant 63 : i32
        %broadcast_in_dim3A_820 = vector.broadcast %broadcast_in_dim3A_819 : i32 to vector<16xi32>
        %gather3A_821 = tpu.vector_load_idx %arg19[%add3A_221, %broadcast_in_dim3A_820] : memref<128x128xf32, #tpu.memory_space<vmem>>[vector<16xi32>, vector<16xi32>], vector<16xf32>,
        %mul3A_822 = arith.mulf %gather3A_821, %select_n3A_550 : vector<16xf32>
        tpu.vector_store_idx %arg19[%add3A_221, %broadcast_in_dim3A_820], %mul3A_822 : memref<128x128xf32, #tpu.memory_space<vmem>>[vector<16xi32>, vector<16xi32>], vector<16xf32>,
        %mul3A_823 = arith.constant 8 : i32
        %mul3A_824 = vector.broadcast %mul3A_823 : i32 to vector<16xi32>
        %mul3A_825 = arith.muli %get3A_222, %mul3A_824 : vector<16xi32>
        %add3A_826 = arith.constant 2 : i32
        %add3A_827 = vector.broadcast %add3A_826 : i32 to vector<16xi32>
        %add3A_828 = arith.addi %mul3A_825, %add3A_827 : vector<16xi32>
        %gather3A_829 = tpu.vector_load_idx %arg18[%add3A_828] : memref<32768xf32, #tpu.memory_space<vmem>>[vector<16xi32>], vector<16xf32>,
        %mul3A_830 = arith.constant 8 : i32
        %mul3A_831 = vector.broadcast %mul3A_830 : i32 to vector<16xi32>
        %mul3A_832 = arith.muli %get3A_224, %mul3A_831 : vector<16xi32>
        %add3A_833 = arith.constant 6 : i32
        %add3A_834 = vector.broadcast %add3A_833 : i32 to vector<16xi32>
        %add3A_835 = arith.addi %mul3A_832, %add3A_834 : vector<16xi32>
        %gather3A_836 = tpu.vector_load_idx %arg18[%add3A_835] : memref<32768xf32, #tpu.memory_space<vmem>>[vector<16xi32>], vector<16xf32>,
        %add3A_837 = arith.addf %gather3A_829, %gather3A_836 : vector<16xf32>
        %mul3A_838 = arith.constant 2.000000e-01 : f32
        %mul3A_839 = vector.broadcast %mul3A_838 : f32 to vector<16xf32>
        %mul3A_840 = arith.mulf %mul3A_839, %add3A_837 : vector<16xf32>
        %max3A_841 = arith.maximumf %add3A_837, %mul3A_840 : vector<16xf32>
        %sub3A_842 = arith.subf %max3A_841, %max3A_130 : vector<16xf32>
        %exp3A_843 = math.exp %sub3A_842 : vector<16xf32>
        %jit3A_844 = arith.constant 0.000000e+00 : f32
        %broadcast_in_dim3A_845 = vector.broadcast %jit3A_844 : f32 to vector<16xf32>
        %select_n3A_846 = arith.select %eq3A_232, %exp3A_843, %broadcast_in_dim3A_845 : vector<16xi1>, vector<16xf32>
        %mul3A_847 = arith.constant 4 : i32
        %mul3A_848 = vector.broadcast %mul3A_847 : i32 to vector<16xi32>
        %mul3A_849 = arith.muli %get3A_224, %mul3A_848 : vector<16xi32>
        %add3A_850 = arith.constant 2 : i32
        %add3A_851 = vector.broadcast %add3A_850 : i32 to vector<16xi32>
        %add3A_852 = arith.addi %mul3A_849, %add3A_851 : vector<16xi32>
        %eq3A_853 = arith.constant 0 : i32
        %eq3A_854 = vector.broadcast %eq3A_853 : i32 to vector<16xi32>
        %eq3A_855 = arith.cmpi eq, %iota3A, %eq3A_854 : vector<16xi32>
        tpu.vector_store_idx %arg20[%add3A_852], %select_n3A_846 masked %eq3A_855 {add = true} : memref<16384xf32, #tpu.memory_space<vmem>>[vector<16xi32>], vector<16xf32>, vector<16xi1>
        %mul3A_856 = arith.constant 4 : i32
        %mul3A_857 = vector.broadcast %mul3A_856 : i32 to vector<16xi32>
        %mul3A_858 = arith.muli %get3A_224, %mul3A_857 : vector<16xi32>
        %add3A_859 = arith.constant 2 : i32
        %add3A_860 = vector.broadcast %add3A_859 : i32 to vector<16xi32>
        %add3A_861 = arith.addi %mul3A_858, %add3A_860 : vector<16xi32>
        %eq3A_862 = arith.constant 1 : i32
        %eq3A_863 = vector.broadcast %eq3A_862 : i32 to vector<16xi32>
        %eq3A_864 = arith.cmpi eq, %iota3A, %eq3A_863 : vector<16xi32>
        tpu.vector_store_idx %arg20[%add3A_861], %select_n3A_846 masked %eq3A_864 {add = true} : memref<16384xf32, #tpu.memory_space<vmem>>[vector<16xi32>], vector<16xf32>, vector<16xi1>
        %mul3A_865 = arith.constant 4 : i32
        %mul3A_866 = vector.broadcast %mul3A_865 : i32 to vector<16xi32>
        %mul3A_867 = arith.muli %get3A_224, %mul3A_866 : vector<16xi32>
        %add3A_868 = arith.constant 2 : i32
        %add3A_869 = vector.broadcast %add3A_868 : i32 to vector<16xi32>
        %add3A_870 = arith.addi %mul3A_867, %add3A_869 : vector<16xi32>
        %eq3A_871 = arith.constant 2 : i32
        %eq3A_872 = vector.broadcast %eq3A_871 : i32 to vector<16xi32>
        %eq3A_873 = arith.cmpi eq, %iota3A, %eq3A_872 : vector<16xi32>
        tpu.vector_store_idx %arg20[%add3A_870], %select_n3A_846 masked %eq3A_873 {add = true} : memref<16384xf32, #tpu.memory_space<vmem>>[vector<16xi32>], vector<16xf32>, vector<16xi1>
        %mul3A_874 = arith.constant 4 : i32
        %mul3A_875 = vector.broadcast %mul3A_874 : i32 to vector<16xi32>
        %mul3A_876 = arith.muli %get3A_224, %mul3A_875 : vector<16xi32>
        %add3A_877 = arith.constant 2 : i32
        %add3A_878 = vector.broadcast %add3A_877 : i32 to vector<16xi32>
        %add3A_879 = arith.addi %mul3A_876, %add3A_878 : vector<16xi32>
        %eq3A_880 = arith.constant 3 : i32
        %eq3A_881 = vector.broadcast %eq3A_880 : i32 to vector<16xi32>
        %eq3A_882 = arith.cmpi eq, %iota3A, %eq3A_881 : vector<16xi32>
        tpu.vector_store_idx %arg20[%add3A_879], %select_n3A_846 masked %eq3A_882 {add = true} : memref<16384xf32, #tpu.memory_space<vmem>>[vector<16xi32>], vector<16xf32>, vector<16xi1>
        %mul3A_883 = arith.constant 4 : i32
        %mul3A_884 = vector.broadcast %mul3A_883 : i32 to vector<16xi32>
        %mul3A_885 = arith.muli %get3A_224, %mul3A_884 : vector<16xi32>
        %add3A_886 = arith.constant 2 : i32
        %add3A_887 = vector.broadcast %add3A_886 : i32 to vector<16xi32>
        %add3A_888 = arith.addi %mul3A_885, %add3A_887 : vector<16xi32>
        %eq3A_889 = arith.constant 4 : i32
        %eq3A_890 = vector.broadcast %eq3A_889 : i32 to vector<16xi32>
        %eq3A_891 = arith.cmpi eq, %iota3A, %eq3A_890 : vector<16xi32>
        tpu.vector_store_idx %arg20[%add3A_888], %select_n3A_846 masked %eq3A_891 {add = true} : memref<16384xf32, #tpu.memory_space<vmem>>[vector<16xi32>], vector<16xf32>, vector<16xi1>
        %mul3A_892 = arith.constant 4 : i32
        %mul3A_893 = vector.broadcast %mul3A_892 : i32 to vector<16xi32>
        %mul3A_894 = arith.muli %get3A_224, %mul3A_893 : vector<16xi32>
        %add3A_895 = arith.constant 2 : i32
        %add3A_896 = vector.broadcast %add3A_895 : i32 to vector<16xi32>
        %add3A_897 = arith.addi %mul3A_894, %add3A_896 : vector<16xi32>
        %eq3A_898 = arith.constant 5 : i32
        %eq3A_899 = vector.broadcast %eq3A_898 : i32 to vector<16xi32>
        %eq3A_900 = arith.cmpi eq, %iota3A, %eq3A_899 : vector<16xi32>
        tpu.vector_store_idx %arg20[%add3A_897], %select_n3A_846 masked %eq3A_900 {add = true} : memref<16384xf32, #tpu.memory_space<vmem>>[vector<16xi32>], vector<16xf32>, vector<16xi1>
        %mul3A_901 = arith.constant 4 : i32
        %mul3A_902 = vector.broadcast %mul3A_901 : i32 to vector<16xi32>
        %mul3A_903 = arith.muli %get3A_224, %mul3A_902 : vector<16xi32>
        %add3A_904 = arith.constant 2 : i32
        %add3A_905 = vector.broadcast %add3A_904 : i32 to vector<16xi32>
        %add3A_906 = arith.addi %mul3A_903, %add3A_905 : vector<16xi32>
        %eq3A_907 = arith.constant 6 : i32
        %eq3A_908 = vector.broadcast %eq3A_907 : i32 to vector<16xi32>
        %eq3A_909 = arith.cmpi eq, %iota3A, %eq3A_908 : vector<16xi32>
        tpu.vector_store_idx %arg20[%add3A_906], %select_n3A_846 masked %eq3A_909 {add = true} : memref<16384xf32, #tpu.memory_space<vmem>>[vector<16xi32>], vector<16xf32>, vector<16xi1>
        %mul3A_910 = arith.constant 4 : i32
        %mul3A_911 = vector.broadcast %mul3A_910 : i32 to vector<16xi32>
        %mul3A_912 = arith.muli %get3A_224, %mul3A_911 : vector<16xi32>
        %add3A_913 = arith.constant 2 : i32
        %add3A_914 = vector.broadcast %add3A_913 : i32 to vector<16xi32>
        %add3A_915 = arith.addi %mul3A_912, %add3A_914 : vector<16xi32>
        %eq3A_916 = arith.constant 7 : i32
        %eq3A_917 = vector.broadcast %eq3A_916 : i32 to vector<16xi32>
        %eq3A_918 = arith.cmpi eq, %iota3A, %eq3A_917 : vector<16xi32>
        tpu.vector_store_idx %arg20[%add3A_915], %select_n3A_846 masked %eq3A_918 {add = true} : memref<16384xf32, #tpu.memory_space<vmem>>[vector<16xi32>], vector<16xf32>, vector<16xi1>
        %mul3A_919 = arith.constant 4 : i32
        %mul3A_920 = vector.broadcast %mul3A_919 : i32 to vector<16xi32>
        %mul3A_921 = arith.muli %get3A_224, %mul3A_920 : vector<16xi32>
        %add3A_922 = arith.constant 2 : i32
        %add3A_923 = vector.broadcast %add3A_922 : i32 to vector<16xi32>
        %add3A_924 = arith.addi %mul3A_921, %add3A_923 : vector<16xi32>
        %eq3A_925 = arith.constant 8 : i32
        %eq3A_926 = vector.broadcast %eq3A_925 : i32 to vector<16xi32>
        %eq3A_927 = arith.cmpi eq, %iota3A, %eq3A_926 : vector<16xi32>
        tpu.vector_store_idx %arg20[%add3A_924], %select_n3A_846 masked %eq3A_927 {add = true} : memref<16384xf32, #tpu.memory_space<vmem>>[vector<16xi32>], vector<16xf32>, vector<16xi1>
        %mul3A_928 = arith.constant 4 : i32
        %mul3A_929 = vector.broadcast %mul3A_928 : i32 to vector<16xi32>
        %mul3A_930 = arith.muli %get3A_224, %mul3A_929 : vector<16xi32>
        %add3A_931 = arith.constant 2 : i32
        %add3A_932 = vector.broadcast %add3A_931 : i32 to vector<16xi32>
        %add3A_933 = arith.addi %mul3A_930, %add3A_932 : vector<16xi32>
        %eq3A_934 = arith.constant 9 : i32
        %eq3A_935 = vector.broadcast %eq3A_934 : i32 to vector<16xi32>
        %eq3A_936 = arith.cmpi eq, %iota3A, %eq3A_935 : vector<16xi32>
        tpu.vector_store_idx %arg20[%add3A_933], %select_n3A_846 masked %eq3A_936 {add = true} : memref<16384xf32, #tpu.memory_space<vmem>>[vector<16xi32>], vector<16xf32>, vector<16xi1>
        %mul3A_937 = arith.constant 4 : i32
        %mul3A_938 = vector.broadcast %mul3A_937 : i32 to vector<16xi32>
        %mul3A_939 = arith.muli %get3A_224, %mul3A_938 : vector<16xi32>
        %add3A_940 = arith.constant 2 : i32
        %add3A_941 = vector.broadcast %add3A_940 : i32 to vector<16xi32>
        %add3A_942 = arith.addi %mul3A_939, %add3A_941 : vector<16xi32>
        %eq3A_943 = arith.constant 10 : i32
        %eq3A_944 = vector.broadcast %eq3A_943 : i32 to vector<16xi32>
        %eq3A_945 = arith.cmpi eq, %iota3A, %eq3A_944 : vector<16xi32>
        tpu.vector_store_idx %arg20[%add3A_942], %select_n3A_846 masked %eq3A_945 {add = true} : memref<16384xf32, #tpu.memory_space<vmem>>[vector<16xi32>], vector<16xf32>, vector<16xi1>
        %mul3A_946 = arith.constant 4 : i32
        %mul3A_947 = vector.broadcast %mul3A_946 : i32 to vector<16xi32>
        %mul3A_948 = arith.muli %get3A_224, %mul3A_947 : vector<16xi32>
        %add3A_949 = arith.constant 2 : i32
        %add3A_950 = vector.broadcast %add3A_949 : i32 to vector<16xi32>
        %add3A_951 = arith.addi %mul3A_948, %add3A_950 : vector<16xi32>
        %eq3A_952 = arith.constant 11 : i32
        %eq3A_953 = vector.broadcast %eq3A_952 : i32 to vector<16xi32>
        %eq3A_954 = arith.cmpi eq, %iota3A, %eq3A_953 : vector<16xi32>
        tpu.vector_store_idx %arg20[%add3A_951], %select_n3A_846 masked %eq3A_954 {add = true} : memref<16384xf32, #tpu.memory_space<vmem>>[vector<16xi32>], vector<16xf32>, vector<16xi1>
        %mul3A_955 = arith.constant 4 : i32
        %mul3A_956 = vector.broadcast %mul3A_955 : i32 to vector<16xi32>
        %mul3A_957 = arith.muli %get3A_224, %mul3A_956 : vector<16xi32>
        %add3A_958 = arith.constant 2 : i32
        %add3A_959 = vector.broadcast %add3A_958 : i32 to vector<16xi32>
        %add3A_960 = arith.addi %mul3A_957, %add3A_959 : vector<16xi32>
        %eq3A_961 = arith.constant 12 : i32
        %eq3A_962 = vector.broadcast %eq3A_961 : i32 to vector<16xi32>
        %eq3A_963 = arith.cmpi eq, %iota3A, %eq3A_962 : vector<16xi32>
        tpu.vector_store_idx %arg20[%add3A_960], %select_n3A_846 masked %eq3A_963 {add = true} : memref<16384xf32, #tpu.memory_space<vmem>>[vector<16xi32>], vector<16xf32>, vector<16xi1>
        %mul3A_964 = arith.constant 4 : i32
        %mul3A_965 = vector.broadcast %mul3A_964 : i32 to vector<16xi32>
        %mul3A_966 = arith.muli %get3A_224, %mul3A_965 : vector<16xi32>
        %add3A_967 = arith.constant 2 : i32
        %add3A_968 = vector.broadcast %add3A_967 : i32 to vector<16xi32>
        %add3A_969 = arith.addi %mul3A_966, %add3A_968 : vector<16xi32>
        %eq3A_970 = arith.constant 13 : i32
        %eq3A_971 = vector.broadcast %eq3A_970 : i32 to vector<16xi32>
        %eq3A_972 = arith.cmpi eq, %iota3A, %eq3A_971 : vector<16xi32>
        tpu.vector_store_idx %arg20[%add3A_969], %select_n3A_846 masked %eq3A_972 {add = true} : memref<16384xf32, #tpu.memory_space<vmem>>[vector<16xi32>], vector<16xf32>, vector<16xi1>
        %mul3A_973 = arith.constant 4 : i32
        %mul3A_974 = vector.broadcast %mul3A_973 : i32 to vector<16xi32>
        %mul3A_975 = arith.muli %get3A_224, %mul3A_974 : vector<16xi32>
        %add3A_976 = arith.constant 2 : i32
        %add3A_977 = vector.broadcast %add3A_976 : i32 to vector<16xi32>
        %add3A_978 = arith.addi %mul3A_975, %add3A_977 : vector<16xi32>
        %eq3A_979 = arith.constant 14 : i32
        %eq3A_980 = vector.broadcast %eq3A_979 : i32 to vector<16xi32>
        %eq3A_981 = arith.cmpi eq, %iota3A, %eq3A_980 : vector<16xi32>
        tpu.vector_store_idx %arg20[%add3A_978], %select_n3A_846 masked %eq3A_981 {add = true} : memref<16384xf32, #tpu.memory_space<vmem>>[vector<16xi32>], vector<16xf32>, vector<16xi1>
        %mul3A_982 = arith.constant 4 : i32
        %mul3A_983 = vector.broadcast %mul3A_982 : i32 to vector<16xi32>
        %mul3A_984 = arith.muli %get3A_224, %mul3A_983 : vector<16xi32>
        %add3A_985 = arith.constant 2 : i32
        %add3A_986 = vector.broadcast %add3A_985 : i32 to vector<16xi32>
        %add3A_987 = arith.addi %mul3A_984, %add3A_986 : vector<16xi32>
        %eq3A_988 = arith.constant 15 : i32
        %eq3A_989 = vector.broadcast %eq3A_988 : i32 to vector<16xi32>
        %eq3A_990 = arith.cmpi eq, %iota3A, %eq3A_989 : vector<16xi32>
        tpu.vector_store_idx %arg20[%add3A_987], %select_n3A_846 masked %eq3A_990 {add = true} : memref<16384xf32, #tpu.memory_space<vmem>>[vector<16xi32>], vector<16xf32>, vector<16xi1>
        %broadcast_in_dim3A_991 = arith.constant 64 : i32
        %broadcast_in_dim3A_992 = vector.broadcast %broadcast_in_dim3A_991 : i32 to vector<16xi32>
        %gather3A_993 = tpu.vector_load_idx %arg19[%add3A_221, %broadcast_in_dim3A_992] : memref<128x128xf32, #tpu.memory_space<vmem>>[vector<16xi32>, vector<16xi32>], vector<16xf32>,
        %mul3A_994 = arith.mulf %gather3A_993, %select_n3A_846 : vector<16xf32>
        tpu.vector_store_idx %arg19[%add3A_221, %broadcast_in_dim3A_992], %mul3A_994 : memref<128x128xf32, #tpu.memory_space<vmem>>[vector<16xi32>, vector<16xi32>], vector<16xf32>,
        %broadcast_in_dim3A_995 = arith.constant 65 : i32
        %broadcast_in_dim3A_996 = vector.broadcast %broadcast_in_dim3A_995 : i32 to vector<16xi32>
        %gather3A_997 = tpu.vector_load_idx %arg19[%add3A_221, %broadcast_in_dim3A_996] : memref<128x128xf32, #tpu.memory_space<vmem>>[vector<16xi32>, vector<16xi32>], vector<16xf32>,
        %mul3A_998 = arith.mulf %gather3A_997, %select_n3A_846 : vector<16xf32>
        tpu.vector_store_idx %arg19[%add3A_221, %broadcast_in_dim3A_996], %mul3A_998 : memref<128x128xf32, #tpu.memory_space<vmem>>[vector<16xi32>, vector<16xi32>], vector<16xf32>,
        %broadcast_in_dim3A_999 = arith.constant 66 : i32
        %broadcast_in_dim3A_1000 = vector.broadcast %broadcast_in_dim3A_999 : i32 to vector<16xi32>
        %gather3A_1001 = tpu.vector_load_idx %arg19[%add3A_221, %broadcast_in_dim3A_1000] : memref<128x128xf32, #tpu.memory_space<vmem>>[vector<16xi32>, vector<16xi32>], vector<16xf32>,
        %mul3A_1002 = arith.mulf %gather3A_1001, %select_n3A_846 : vector<16xf32>
        tpu.vector_store_idx %arg19[%add3A_221, %broadcast_in_dim3A_1000], %mul3A_1002 : memref<128x128xf32, #tpu.memory_space<vmem>>[vector<16xi32>, vector<16xi32>], vector<16xf32>,
        %broadcast_in_dim3A_1003 = arith.constant 67 : i32
        %broadcast_in_dim3A_1004 = vector.broadcast %broadcast_in_dim3A_1003 : i32 to vector<16xi32>
        %gather3A_1005 = tpu.vector_load_idx %arg19[%add3A_221, %broadcast_in_dim3A_1004] : memref<128x128xf32, #tpu.memory_space<vmem>>[vector<16xi32>, vector<16xi32>], vector<16xf32>,
        %mul3A_1006 = arith.mulf %gather3A_1005, %select_n3A_846 : vector<16xf32>
        tpu.vector_store_idx %arg19[%add3A_221, %broadcast_in_dim3A_1004], %mul3A_1006 : memref<128x128xf32, #tpu.memory_space<vmem>>[vector<16xi32>, vector<16xi32>], vector<16xf32>,
        %broadcast_in_dim3A_1007 = arith.constant 68 : i32
        %broadcast_in_dim3A_1008 = vector.broadcast %broadcast_in_dim3A_1007 : i32 to vector<16xi32>
        %gather3A_1009 = tpu.vector_load_idx %arg19[%add3A_221, %broadcast_in_dim3A_1008] : memref<128x128xf32, #tpu.memory_space<vmem>>[vector<16xi32>, vector<16xi32>], vector<16xf32>,
        %mul3A_1010 = arith.mulf %gather3A_1009, %select_n3A_846 : vector<16xf32>
        tpu.vector_store_idx %arg19[%add3A_221, %broadcast_in_dim3A_1008], %mul3A_1010 : memref<128x128xf32, #tpu.memory_space<vmem>>[vector<16xi32>, vector<16xi32>], vector<16xf32>,
        %broadcast_in_dim3A_1011 = arith.constant 69 : i32
        %broadcast_in_dim3A_1012 = vector.broadcast %broadcast_in_dim3A_1011 : i32 to vector<16xi32>
        %gather3A_1013 = tpu.vector_load_idx %arg19[%add3A_221, %broadcast_in_dim3A_1012] : memref<128x128xf32, #tpu.memory_space<vmem>>[vector<16xi32>, vector<16xi32>], vector<16xf32>,
        %mul3A_1014 = arith.mulf %gather3A_1013, %select_n3A_846 : vector<16xf32>
        tpu.vector_store_idx %arg19[%add3A_221, %broadcast_in_dim3A_1012], %mul3A_1014 : memref<128x128xf32, #tpu.memory_space<vmem>>[vector<16xi32>, vector<16xi32>], vector<16xf32>,
        %broadcast_in_dim3A_1015 = arith.constant 70 : i32
        %broadcast_in_dim3A_1016 = vector.broadcast %broadcast_in_dim3A_1015 : i32 to vector<16xi32>
        %gather3A_1017 = tpu.vector_load_idx %arg19[%add3A_221, %broadcast_in_dim3A_1016] : memref<128x128xf32, #tpu.memory_space<vmem>>[vector<16xi32>, vector<16xi32>], vector<16xf32>,
        %mul3A_1018 = arith.mulf %gather3A_1017, %select_n3A_846 : vector<16xf32>
        tpu.vector_store_idx %arg19[%add3A_221, %broadcast_in_dim3A_1016], %mul3A_1018 : memref<128x128xf32, #tpu.memory_space<vmem>>[vector<16xi32>, vector<16xi32>], vector<16xf32>,
        %broadcast_in_dim3A_1019 = arith.constant 71 : i32
        %broadcast_in_dim3A_1020 = vector.broadcast %broadcast_in_dim3A_1019 : i32 to vector<16xi32>
        %gather3A_1021 = tpu.vector_load_idx %arg19[%add3A_221, %broadcast_in_dim3A_1020] : memref<128x128xf32, #tpu.memory_space<vmem>>[vector<16xi32>, vector<16xi32>], vector<16xf32>,
        %mul3A_1022 = arith.mulf %gather3A_1021, %select_n3A_846 : vector<16xf32>
        tpu.vector_store_idx %arg19[%add3A_221, %broadcast_in_dim3A_1020], %mul3A_1022 : memref<128x128xf32, #tpu.memory_space<vmem>>[vector<16xi32>, vector<16xi32>], vector<16xf32>,
        %broadcast_in_dim3A_1023 = arith.constant 72 : i32
        %broadcast_in_dim3A_1024 = vector.broadcast %broadcast_in_dim3A_1023 : i32 to vector<16xi32>
        %gather3A_1025 = tpu.vector_load_idx %arg19[%add3A_221, %broadcast_in_dim3A_1024] : memref<128x128xf32, #tpu.memory_space<vmem>>[vector<16xi32>, vector<16xi32>], vector<16xf32>,
        %mul3A_1026 = arith.mulf %gather3A_1025, %select_n3A_846 : vector<16xf32>
        tpu.vector_store_idx %arg19[%add3A_221, %broadcast_in_dim3A_1024], %mul3A_1026 : memref<128x128xf32, #tpu.memory_space<vmem>>[vector<16xi32>, vector<16xi32>], vector<16xf32>,
        %broadcast_in_dim3A_1027 = arith.constant 73 : i32
        %broadcast_in_dim3A_1028 = vector.broadcast %broadcast_in_dim3A_1027 : i32 to vector<16xi32>
        %gather3A_1029 = tpu.vector_load_idx %arg19[%add3A_221, %broadcast_in_dim3A_1028] : memref<128x128xf32, #tpu.memory_space<vmem>>[vector<16xi32>, vector<16xi32>], vector<16xf32>,
        %mul3A_1030 = arith.mulf %gather3A_1029, %select_n3A_846 : vector<16xf32>
        tpu.vector_store_idx %arg19[%add3A_221, %broadcast_in_dim3A_1028], %mul3A_1030 : memref<128x128xf32, #tpu.memory_space<vmem>>[vector<16xi32>, vector<16xi32>], vector<16xf32>,
        %broadcast_in_dim3A_1031 = arith.constant 74 : i32
        %broadcast_in_dim3A_1032 = vector.broadcast %broadcast_in_dim3A_1031 : i32 to vector<16xi32>
        %gather3A_1033 = tpu.vector_load_idx %arg19[%add3A_221, %broadcast_in_dim3A_1032] : memref<128x128xf32, #tpu.memory_space<vmem>>[vector<16xi32>, vector<16xi32>], vector<16xf32>,
        %mul3A_1034 = arith.mulf %gather3A_1033, %select_n3A_846 : vector<16xf32>
        tpu.vector_store_idx %arg19[%add3A_221, %broadcast_in_dim3A_1032], %mul3A_1034 : memref<128x128xf32, #tpu.memory_space<vmem>>[vector<16xi32>, vector<16xi32>], vector<16xf32>,
        %broadcast_in_dim3A_1035 = arith.constant 75 : i32
        %broadcast_in_dim3A_1036 = vector.broadcast %broadcast_in_dim3A_1035 : i32 to vector<16xi32>
        %gather3A_1037 = tpu.vector_load_idx %arg19[%add3A_221, %broadcast_in_dim3A_1036] : memref<128x128xf32, #tpu.memory_space<vmem>>[vector<16xi32>, vector<16xi32>], vector<16xf32>,
        %mul3A_1038 = arith.mulf %gather3A_1037, %select_n3A_846 : vector<16xf32>
        tpu.vector_store_idx %arg19[%add3A_221, %broadcast_in_dim3A_1036], %mul3A_1038 : memref<128x128xf32, #tpu.memory_space<vmem>>[vector<16xi32>, vector<16xi32>], vector<16xf32>,
        %broadcast_in_dim3A_1039 = arith.constant 76 : i32
        %broadcast_in_dim3A_1040 = vector.broadcast %broadcast_in_dim3A_1039 : i32 to vector<16xi32>
        %gather3A_1041 = tpu.vector_load_idx %arg19[%add3A_221, %broadcast_in_dim3A_1040] : memref<128x128xf32, #tpu.memory_space<vmem>>[vector<16xi32>, vector<16xi32>], vector<16xf32>,
        %mul3A_1042 = arith.mulf %gather3A_1041, %select_n3A_846 : vector<16xf32>
        tpu.vector_store_idx %arg19[%add3A_221, %broadcast_in_dim3A_1040], %mul3A_1042 : memref<128x128xf32, #tpu.memory_space<vmem>>[vector<16xi32>, vector<16xi32>], vector<16xf32>,
        %broadcast_in_dim3A_1043 = arith.constant 77 : i32
        %broadcast_in_dim3A_1044 = vector.broadcast %broadcast_in_dim3A_1043 : i32 to vector<16xi32>
        %gather3A_1045 = tpu.vector_load_idx %arg19[%add3A_221, %broadcast_in_dim3A_1044] : memref<128x128xf32, #tpu.memory_space<vmem>>[vector<16xi32>, vector<16xi32>], vector<16xf32>,
        %mul3A_1046 = arith.mulf %gather3A_1045, %select_n3A_846 : vector<16xf32>
        tpu.vector_store_idx %arg19[%add3A_221, %broadcast_in_dim3A_1044], %mul3A_1046 : memref<128x128xf32, #tpu.memory_space<vmem>>[vector<16xi32>, vector<16xi32>], vector<16xf32>,
        %broadcast_in_dim3A_1047 = arith.constant 78 : i32
        %broadcast_in_dim3A_1048 = vector.broadcast %broadcast_in_dim3A_1047 : i32 to vector<16xi32>
        %gather3A_1049 = tpu.vector_load_idx %arg19[%add3A_221, %broadcast_in_dim3A_1048] : memref<128x128xf32, #tpu.memory_space<vmem>>[vector<16xi32>, vector<16xi32>], vector<16xf32>,
        %mul3A_1050 = arith.mulf %gather3A_1049, %select_n3A_846 : vector<16xf32>
        tpu.vector_store_idx %arg19[%add3A_221, %broadcast_in_dim3A_1048], %mul3A_1050 : memref<128x128xf32, #tpu.memory_space<vmem>>[vector<16xi32>, vector<16xi32>], vector<16xf32>,
        %broadcast_in_dim3A_1051 = arith.constant 79 : i32
        %broadcast_in_dim3A_1052 = vector.broadcast %broadcast_in_dim3A_1051 : i32 to vector<16xi32>
        %gather3A_1053 = tpu.vector_load_idx %arg19[%add3A_221, %broadcast_in_dim3A_1052] : memref<128x128xf32, #tpu.memory_space<vmem>>[vector<16xi32>, vector<16xi32>], vector<16xf32>,
        %mul3A_1054 = arith.mulf %gather3A_1053, %select_n3A_846 : vector<16xf32>
        tpu.vector_store_idx %arg19[%add3A_221, %broadcast_in_dim3A_1052], %mul3A_1054 : memref<128x128xf32, #tpu.memory_space<vmem>>[vector<16xi32>, vector<16xi32>], vector<16xf32>,
        %broadcast_in_dim3A_1055 = arith.constant 80 : i32
        %broadcast_in_dim3A_1056 = vector.broadcast %broadcast_in_dim3A_1055 : i32 to vector<16xi32>
        %gather3A_1057 = tpu.vector_load_idx %arg19[%add3A_221, %broadcast_in_dim3A_1056] : memref<128x128xf32, #tpu.memory_space<vmem>>[vector<16xi32>, vector<16xi32>], vector<16xf32>,
        %mul3A_1058 = arith.mulf %gather3A_1057, %select_n3A_846 : vector<16xf32>
        tpu.vector_store_idx %arg19[%add3A_221, %broadcast_in_dim3A_1056], %mul3A_1058 : memref<128x128xf32, #tpu.memory_space<vmem>>[vector<16xi32>, vector<16xi32>], vector<16xf32>,
        %broadcast_in_dim3A_1059 = arith.constant 81 : i32
        %broadcast_in_dim3A_1060 = vector.broadcast %broadcast_in_dim3A_1059 : i32 to vector<16xi32>
        %gather3A_1061 = tpu.vector_load_idx %arg19[%add3A_221, %broadcast_in_dim3A_1060] : memref<128x128xf32, #tpu.memory_space<vmem>>[vector<16xi32>, vector<16xi32>], vector<16xf32>,
        %mul3A_1062 = arith.mulf %gather3A_1061, %select_n3A_846 : vector<16xf32>
        tpu.vector_store_idx %arg19[%add3A_221, %broadcast_in_dim3A_1060], %mul3A_1062 : memref<128x128xf32, #tpu.memory_space<vmem>>[vector<16xi32>, vector<16xi32>], vector<16xf32>,
        %broadcast_in_dim3A_1063 = arith.constant 82 : i32
        %broadcast_in_dim3A_1064 = vector.broadcast %broadcast_in_dim3A_1063 : i32 to vector<16xi32>
        %gather3A_1065 = tpu.vector_load_idx %arg19[%add3A_221, %broadcast_in_dim3A_1064] : memref<128x128xf32, #tpu.memory_space<vmem>>[vector<16xi32>, vector<16xi32>], vector<16xf32>,
        %mul3A_1066 = arith.mulf %gather3A_1065, %select_n3A_846 : vector<16xf32>
        tpu.vector_store_idx %arg19[%add3A_221, %broadcast_in_dim3A_1064], %mul3A_1066 : memref<128x128xf32, #tpu.memory_space<vmem>>[vector<16xi32>, vector<16xi32>], vector<16xf32>,
        %broadcast_in_dim3A_1067 = arith.constant 83 : i32
        %broadcast_in_dim3A_1068 = vector.broadcast %broadcast_in_dim3A_1067 : i32 to vector<16xi32>
        %gather3A_1069 = tpu.vector_load_idx %arg19[%add3A_221, %broadcast_in_dim3A_1068] : memref<128x128xf32, #tpu.memory_space<vmem>>[vector<16xi32>, vector<16xi32>], vector<16xf32>,
        %mul3A_1070 = arith.mulf %gather3A_1069, %select_n3A_846 : vector<16xf32>
        tpu.vector_store_idx %arg19[%add3A_221, %broadcast_in_dim3A_1068], %mul3A_1070 : memref<128x128xf32, #tpu.memory_space<vmem>>[vector<16xi32>, vector<16xi32>], vector<16xf32>,
        %broadcast_in_dim3A_1071 = arith.constant 84 : i32
        %broadcast_in_dim3A_1072 = vector.broadcast %broadcast_in_dim3A_1071 : i32 to vector<16xi32>
        %gather3A_1073 = tpu.vector_load_idx %arg19[%add3A_221, %broadcast_in_dim3A_1072] : memref<128x128xf32, #tpu.memory_space<vmem>>[vector<16xi32>, vector<16xi32>], vector<16xf32>,
        %mul3A_1074 = arith.mulf %gather3A_1073, %select_n3A_846 : vector<16xf32>
        tpu.vector_store_idx %arg19[%add3A_221, %broadcast_in_dim3A_1072], %mul3A_1074 : memref<128x128xf32, #tpu.memory_space<vmem>>[vector<16xi32>, vector<16xi32>], vector<16xf32>,
        %broadcast_in_dim3A_1075 = arith.constant 85 : i32
        %broadcast_in_dim3A_1076 = vector.broadcast %broadcast_in_dim3A_1075 : i32 to vector<16xi32>
        %gather3A_1077 = tpu.vector_load_idx %arg19[%add3A_221, %broadcast_in_dim3A_1076] : memref<128x128xf32, #tpu.memory_space<vmem>>[vector<16xi32>, vector<16xi32>], vector<16xf32>,
        %mul3A_1078 = arith.mulf %gather3A_1077, %select_n3A_846 : vector<16xf32>
        tpu.vector_store_idx %arg19[%add3A_221, %broadcast_in_dim3A_1076], %mul3A_1078 : memref<128x128xf32, #tpu.memory_space<vmem>>[vector<16xi32>, vector<16xi32>], vector<16xf32>,
        %broadcast_in_dim3A_1079 = arith.constant 86 : i32
        %broadcast_in_dim3A_1080 = vector.broadcast %broadcast_in_dim3A_1079 : i32 to vector<16xi32>
        %gather3A_1081 = tpu.vector_load_idx %arg19[%add3A_221, %broadcast_in_dim3A_1080] : memref<128x128xf32, #tpu.memory_space<vmem>>[vector<16xi32>, vector<16xi32>], vector<16xf32>,
        %mul3A_1082 = arith.mulf %gather3A_1081, %select_n3A_846 : vector<16xf32>
        tpu.vector_store_idx %arg19[%add3A_221, %broadcast_in_dim3A_1080], %mul3A_1082 : memref<128x128xf32, #tpu.memory_space<vmem>>[vector<16xi32>, vector<16xi32>], vector<16xf32>,
        %broadcast_in_dim3A_1083 = arith.constant 87 : i32
        %broadcast_in_dim3A_1084 = vector.broadcast %broadcast_in_dim3A_1083 : i32 to vector<16xi32>
        %gather3A_1085 = tpu.vector_load_idx %arg19[%add3A_221, %broadcast_in_dim3A_1084] : memref<128x128xf32, #tpu.memory_space<vmem>>[vector<16xi32>, vector<16xi32>], vector<16xf32>,
        %mul3A_1086 = arith.mulf %gather3A_1085, %select_n3A_846 : vector<16xf32>
        tpu.vector_store_idx %arg19[%add3A_221, %broadcast_in_dim3A_1084], %mul3A_1086 : memref<128x128xf32, #tpu.memory_space<vmem>>[vector<16xi32>, vector<16xi32>], vector<16xf32>,
        %broadcast_in_dim3A_1087 = arith.constant 88 : i32
        %broadcast_in_dim3A_1088 = vector.broadcast %broadcast_in_dim3A_1087 : i32 to vector<16xi32>
        %gather3A_1089 = tpu.vector_load_idx %arg19[%add3A_221, %broadcast_in_dim3A_1088] : memref<128x128xf32, #tpu.memory_space<vmem>>[vector<16xi32>, vector<16xi32>], vector<16xf32>,
        %mul3A_1090 = arith.mulf %gather3A_1089, %select_n3A_846 : vector<16xf32>
        tpu.vector_store_idx %arg19[%add3A_221, %broadcast_in_dim3A_1088], %mul3A_1090 : memref<128x128xf32, #tpu.memory_space<vmem>>[vector<16xi32>, vector<16xi32>], vector<16xf32>,
        %broadcast_in_dim3A_1091 = arith.constant 89 : i32
        %broadcast_in_dim3A_1092 = vector.broadcast %broadcast_in_dim3A_1091 : i32 to vector<16xi32>
        %gather3A_1093 = tpu.vector_load_idx %arg19[%add3A_221, %broadcast_in_dim3A_1092] : memref<128x128xf32, #tpu.memory_space<vmem>>[vector<16xi32>, vector<16xi32>], vector<16xf32>,
        %mul3A_1094 = arith.mulf %gather3A_1093, %select_n3A_846 : vector<16xf32>
        tpu.vector_store_idx %arg19[%add3A_221, %broadcast_in_dim3A_1092], %mul3A_1094 : memref<128x128xf32, #tpu.memory_space<vmem>>[vector<16xi32>, vector<16xi32>], vector<16xf32>,
        %broadcast_in_dim3A_1095 = arith.constant 90 : i32
        %broadcast_in_dim3A_1096 = vector.broadcast %broadcast_in_dim3A_1095 : i32 to vector<16xi32>
        %gather3A_1097 = tpu.vector_load_idx %arg19[%add3A_221, %broadcast_in_dim3A_1096] : memref<128x128xf32, #tpu.memory_space<vmem>>[vector<16xi32>, vector<16xi32>], vector<16xf32>,
        %mul3A_1098 = arith.mulf %gather3A_1097, %select_n3A_846 : vector<16xf32>
        tpu.vector_store_idx %arg19[%add3A_221, %broadcast_in_dim3A_1096], %mul3A_1098 : memref<128x128xf32, #tpu.memory_space<vmem>>[vector<16xi32>, vector<16xi32>], vector<16xf32>,
        %broadcast_in_dim3A_1099 = arith.constant 91 : i32
        %broadcast_in_dim3A_1100 = vector.broadcast %broadcast_in_dim3A_1099 : i32 to vector<16xi32>
        %gather3A_1101 = tpu.vector_load_idx %arg19[%add3A_221, %broadcast_in_dim3A_1100] : memref<128x128xf32, #tpu.memory_space<vmem>>[vector<16xi32>, vector<16xi32>], vector<16xf32>,
        %mul3A_1102 = arith.mulf %gather3A_1101, %select_n3A_846 : vector<16xf32>
        tpu.vector_store_idx %arg19[%add3A_221, %broadcast_in_dim3A_1100], %mul3A_1102 : memref<128x128xf32, #tpu.memory_space<vmem>>[vector<16xi32>, vector<16xi32>], vector<16xf32>,
        %broadcast_in_dim3A_1103 = arith.constant 92 : i32
        %broadcast_in_dim3A_1104 = vector.broadcast %broadcast_in_dim3A_1103 : i32 to vector<16xi32>
        %gather3A_1105 = tpu.vector_load_idx %arg19[%add3A_221, %broadcast_in_dim3A_1104] : memref<128x128xf32, #tpu.memory_space<vmem>>[vector<16xi32>, vector<16xi32>], vector<16xf32>,
        %mul3A_1106 = arith.mulf %gather3A_1105, %select_n3A_846 : vector<16xf32>
        tpu.vector_store_idx %arg19[%add3A_221, %broadcast_in_dim3A_1104], %mul3A_1106 : memref<128x128xf32, #tpu.memory_space<vmem>>[vector<16xi32>, vector<16xi32>], vector<16xf32>,
        %broadcast_in_dim3A_1107 = arith.constant 93 : i32
        %broadcast_in_dim3A_1108 = vector.broadcast %broadcast_in_dim3A_1107 : i32 to vector<16xi32>
        %gather3A_1109 = tpu.vector_load_idx %arg19[%add3A_221, %broadcast_in_dim3A_1108] : memref<128x128xf32, #tpu.memory_space<vmem>>[vector<16xi32>, vector<16xi32>], vector<16xf32>,
        %mul3A_1110 = arith.mulf %gather3A_1109, %select_n3A_846 : vector<16xf32>
        tpu.vector_store_idx %arg19[%add3A_221, %broadcast_in_dim3A_1108], %mul3A_1110 : memref<128x128xf32, #tpu.memory_space<vmem>>[vector<16xi32>, vector<16xi32>], vector<16xf32>,
        %broadcast_in_dim3A_1111 = arith.constant 94 : i32
        %broadcast_in_dim3A_1112 = vector.broadcast %broadcast_in_dim3A_1111 : i32 to vector<16xi32>
        %gather3A_1113 = tpu.vector_load_idx %arg19[%add3A_221, %broadcast_in_dim3A_1112] : memref<128x128xf32, #tpu.memory_space<vmem>>[vector<16xi32>, vector<16xi32>], vector<16xf32>,
        %mul3A_1114 = arith.mulf %gather3A_1113, %select_n3A_846 : vector<16xf32>
        tpu.vector_store_idx %arg19[%add3A_221, %broadcast_in_dim3A_1112], %mul3A_1114 : memref<128x128xf32, #tpu.memory_space<vmem>>[vector<16xi32>, vector<16xi32>], vector<16xf32>,
        %broadcast_in_dim3A_1115 = arith.constant 95 : i32
        %broadcast_in_dim3A_1116 = vector.broadcast %broadcast_in_dim3A_1115 : i32 to vector<16xi32>
        %gather3A_1117 = tpu.vector_load_idx %arg19[%add3A_221, %broadcast_in_dim3A_1116] : memref<128x128xf32, #tpu.memory_space<vmem>>[vector<16xi32>, vector<16xi32>], vector<16xf32>,
        %mul3A_1118 = arith.mulf %gather3A_1117, %select_n3A_846 : vector<16xf32>
        tpu.vector_store_idx %arg19[%add3A_221, %broadcast_in_dim3A_1116], %mul3A_1118 : memref<128x128xf32, #tpu.memory_space<vmem>>[vector<16xi32>, vector<16xi32>], vector<16xf32>,
        %mul3A_1119 = arith.constant 8 : i32
        %mul3A_1120 = vector.broadcast %mul3A_1119 : i32 to vector<16xi32>
        %mul3A_1121 = arith.muli %get3A_222, %mul3A_1120 : vector<16xi32>
        %add3A_1122 = arith.constant 3 : i32
        %add3A_1123 = vector.broadcast %add3A_1122 : i32 to vector<16xi32>
        %add3A_1124 = arith.addi %mul3A_1121, %add3A_1123 : vector<16xi32>
        %gather3A_1125 = tpu.vector_load_idx %arg18[%add3A_1124] : memref<32768xf32, #tpu.memory_space<vmem>>[vector<16xi32>], vector<16xf32>,
        %mul3A_1126 = arith.constant 8 : i32
        %mul3A_1127 = vector.broadcast %mul3A_1126 : i32 to vector<16xi32>
        %mul3A_1128 = arith.muli %get3A_224, %mul3A_1127 : vector<16xi32>
        %add3A_1129 = arith.constant 7 : i32
        %add3A_1130 = vector.broadcast %add3A_1129 : i32 to vector<16xi32>
        %add3A_1131 = arith.addi %mul3A_1128, %add3A_1130 : vector<16xi32>
        %gather3A_1132 = tpu.vector_load_idx %arg18[%add3A_1131] : memref<32768xf32, #tpu.memory_space<vmem>>[vector<16xi32>], vector<16xf32>,
        %add3A_1133 = arith.addf %gather3A_1125, %gather3A_1132 : vector<16xf32>
        %mul3A_1134 = arith.constant 2.000000e-01 : f32
        %mul3A_1135 = vector.broadcast %mul3A_1134 : f32 to vector<16xf32>
        %mul3A_1136 = arith.mulf %mul3A_1135, %add3A_1133 : vector<16xf32>
        %max3A_1137 = arith.maximumf %add3A_1133, %mul3A_1136 : vector<16xf32>
        %sub3A_1138 = arith.subf %max3A_1137, %max3A_159 : vector<16xf32>
        %exp3A_1139 = math.exp %sub3A_1138 : vector<16xf32>
        %jit3A_1140 = arith.constant 0.000000e+00 : f32
        %broadcast_in_dim3A_1141 = vector.broadcast %jit3A_1140 : f32 to vector<16xf32>
        %select_n3A_1142 = arith.select %eq3A_232, %exp3A_1139, %broadcast_in_dim3A_1141 : vector<16xi1>, vector<16xf32>
        %mul3A_1143 = arith.constant 4 : i32
        %mul3A_1144 = vector.broadcast %mul3A_1143 : i32 to vector<16xi32>
        %mul3A_1145 = arith.muli %get3A_224, %mul3A_1144 : vector<16xi32>
        %add3A_1146 = arith.constant 3 : i32
        %add3A_1147 = vector.broadcast %add3A_1146 : i32 to vector<16xi32>
        %add3A_1148 = arith.addi %mul3A_1145, %add3A_1147 : vector<16xi32>
        %eq3A_1149 = arith.constant 0 : i32
        %eq3A_1150 = vector.broadcast %eq3A_1149 : i32 to vector<16xi32>
        %eq3A_1151 = arith.cmpi eq, %iota3A, %eq3A_1150 : vector<16xi32>
        tpu.vector_store_idx %arg20[%add3A_1148], %select_n3A_1142 masked %eq3A_1151 {add = true} : memref<16384xf32, #tpu.memory_space<vmem>>[vector<16xi32>], vector<16xf32>, vector<16xi1>
        %mul3A_1152 = arith.constant 4 : i32
        %mul3A_1153 = vector.broadcast %mul3A_1152 : i32 to vector<16xi32>
        %mul3A_1154 = arith.muli %get3A_224, %mul3A_1153 : vector<16xi32>
        %add3A_1155 = arith.constant 3 : i32
        %add3A_1156 = vector.broadcast %add3A_1155 : i32 to vector<16xi32>
        %add3A_1157 = arith.addi %mul3A_1154, %add3A_1156 : vector<16xi32>
        %eq3A_1158 = arith.constant 1 : i32
        %eq3A_1159 = vector.broadcast %eq3A_1158 : i32 to vector<16xi32>
        %eq3A_1160 = arith.cmpi eq, %iota3A, %eq3A_1159 : vector<16xi32>
        tpu.vector_store_idx %arg20[%add3A_1157], %select_n3A_1142 masked %eq3A_1160 {add = true} : memref<16384xf32, #tpu.memory_space<vmem>>[vector<16xi32>], vector<16xf32>, vector<16xi1>
        %mul3A_1161 = arith.constant 4 : i32
        %mul3A_1162 = vector.broadcast %mul3A_1161 : i32 to vector<16xi32>
        %mul3A_1163 = arith.muli %get3A_224, %mul3A_1162 : vector<16xi32>
        %add3A_1164 = arith.constant 3 : i32
        %add3A_1165 = vector.broadcast %add3A_1164 : i32 to vector<16xi32>
        %add3A_1166 = arith.addi %mul3A_1163, %add3A_1165 : vector<16xi32>
        %eq3A_1167 = arith.constant 2 : i32
        %eq3A_1168 = vector.broadcast %eq3A_1167 : i32 to vector<16xi32>
        %eq3A_1169 = arith.cmpi eq, %iota3A, %eq3A_1168 : vector<16xi32>
        tpu.vector_store_idx %arg20[%add3A_1166], %select_n3A_1142 masked %eq3A_1169 {add = true} : memref<16384xf32, #tpu.memory_space<vmem>>[vector<16xi32>], vector<16xf32>, vector<16xi1>
        %mul3A_1170 = arith.constant 4 : i32
        %mul3A_1171 = vector.broadcast %mul3A_1170 : i32 to vector<16xi32>
        %mul3A_1172 = arith.muli %get3A_224, %mul3A_1171 : vector<16xi32>
        %add3A_1173 = arith.constant 3 : i32
        %add3A_1174 = vector.broadcast %add3A_1173 : i32 to vector<16xi32>
        %add3A_1175 = arith.addi %mul3A_1172, %add3A_1174 : vector<16xi32>
        %eq3A_1176 = arith.constant 3 : i32
        %eq3A_1177 = vector.broadcast %eq3A_1176 : i32 to vector<16xi32>
        %eq3A_1178 = arith.cmpi eq, %iota3A, %eq3A_1177 : vector<16xi32>
        tpu.vector_store_idx %arg20[%add3A_1175], %select_n3A_1142 masked %eq3A_1178 {add = true} : memref<16384xf32, #tpu.memory_space<vmem>>[vector<16xi32>], vector<16xf32>, vector<16xi1>
        %mul3A_1179 = arith.constant 4 : i32
        %mul3A_1180 = vector.broadcast %mul3A_1179 : i32 to vector<16xi32>
        %mul3A_1181 = arith.muli %get3A_224, %mul3A_1180 : vector<16xi32>
        %add3A_1182 = arith.constant 3 : i32
        %add3A_1183 = vector.broadcast %add3A_1182 : i32 to vector<16xi32>
        %add3A_1184 = arith.addi %mul3A_1181, %add3A_1183 : vector<16xi32>
        %eq3A_1185 = arith.constant 4 : i32
        %eq3A_1186 = vector.broadcast %eq3A_1185 : i32 to vector<16xi32>
        %eq3A_1187 = arith.cmpi eq, %iota3A, %eq3A_1186 : vector<16xi32>
        tpu.vector_store_idx %arg20[%add3A_1184], %select_n3A_1142 masked %eq3A_1187 {add = true} : memref<16384xf32, #tpu.memory_space<vmem>>[vector<16xi32>], vector<16xf32>, vector<16xi1>
        %mul3A_1188 = arith.constant 4 : i32
        %mul3A_1189 = vector.broadcast %mul3A_1188 : i32 to vector<16xi32>
        %mul3A_1190 = arith.muli %get3A_224, %mul3A_1189 : vector<16xi32>
        %add3A_1191 = arith.constant 3 : i32
        %add3A_1192 = vector.broadcast %add3A_1191 : i32 to vector<16xi32>
        %add3A_1193 = arith.addi %mul3A_1190, %add3A_1192 : vector<16xi32>
        %eq3A_1194 = arith.constant 5 : i32
        %eq3A_1195 = vector.broadcast %eq3A_1194 : i32 to vector<16xi32>
        %eq3A_1196 = arith.cmpi eq, %iota3A, %eq3A_1195 : vector<16xi32>
        tpu.vector_store_idx %arg20[%add3A_1193], %select_n3A_1142 masked %eq3A_1196 {add = true} : memref<16384xf32, #tpu.memory_space<vmem>>[vector<16xi32>], vector<16xf32>, vector<16xi1>
        %mul3A_1197 = arith.constant 4 : i32
        %mul3A_1198 = vector.broadcast %mul3A_1197 : i32 to vector<16xi32>
        %mul3A_1199 = arith.muli %get3A_224, %mul3A_1198 : vector<16xi32>
        %add3A_1200 = arith.constant 3 : i32
        %add3A_1201 = vector.broadcast %add3A_1200 : i32 to vector<16xi32>
        %add3A_1202 = arith.addi %mul3A_1199, %add3A_1201 : vector<16xi32>
        %eq3A_1203 = arith.constant 6 : i32
        %eq3A_1204 = vector.broadcast %eq3A_1203 : i32 to vector<16xi32>
        %eq3A_1205 = arith.cmpi eq, %iota3A, %eq3A_1204 : vector<16xi32>
        tpu.vector_store_idx %arg20[%add3A_1202], %select_n3A_1142 masked %eq3A_1205 {add = true} : memref<16384xf32, #tpu.memory_space<vmem>>[vector<16xi32>], vector<16xf32>, vector<16xi1>
        %mul3A_1206 = arith.constant 4 : i32
        %mul3A_1207 = vector.broadcast %mul3A_1206 : i32 to vector<16xi32>
        %mul3A_1208 = arith.muli %get3A_224, %mul3A_1207 : vector<16xi32>
        %add3A_1209 = arith.constant 3 : i32
        %add3A_1210 = vector.broadcast %add3A_1209 : i32 to vector<16xi32>
        %add3A_1211 = arith.addi %mul3A_1208, %add3A_1210 : vector<16xi32>
        %eq3A_1212 = arith.constant 7 : i32
        %eq3A_1213 = vector.broadcast %eq3A_1212 : i32 to vector<16xi32>
        %eq3A_1214 = arith.cmpi eq, %iota3A, %eq3A_1213 : vector<16xi32>
        tpu.vector_store_idx %arg20[%add3A_1211], %select_n3A_1142 masked %eq3A_1214 {add = true} : memref<16384xf32, #tpu.memory_space<vmem>>[vector<16xi32>], vector<16xf32>, vector<16xi1>
        %mul3A_1215 = arith.constant 4 : i32
        %mul3A_1216 = vector.broadcast %mul3A_1215 : i32 to vector<16xi32>
        %mul3A_1217 = arith.muli %get3A_224, %mul3A_1216 : vector<16xi32>
        %add3A_1218 = arith.constant 3 : i32
        %add3A_1219 = vector.broadcast %add3A_1218 : i32 to vector<16xi32>
        %add3A_1220 = arith.addi %mul3A_1217, %add3A_1219 : vector<16xi32>
        %eq3A_1221 = arith.constant 8 : i32
        %eq3A_1222 = vector.broadcast %eq3A_1221 : i32 to vector<16xi32>
        %eq3A_1223 = arith.cmpi eq, %iota3A, %eq3A_1222 : vector<16xi32>
        tpu.vector_store_idx %arg20[%add3A_1220], %select_n3A_1142 masked %eq3A_1223 {add = true} : memref<16384xf32, #tpu.memory_space<vmem>>[vector<16xi32>], vector<16xf32>, vector<16xi1>
        %mul3A_1224 = arith.constant 4 : i32
        %mul3A_1225 = vector.broadcast %mul3A_1224 : i32 to vector<16xi32>
        %mul3A_1226 = arith.muli %get3A_224, %mul3A_1225 : vector<16xi32>
        %add3A_1227 = arith.constant 3 : i32
        %add3A_1228 = vector.broadcast %add3A_1227 : i32 to vector<16xi32>
        %add3A_1229 = arith.addi %mul3A_1226, %add3A_1228 : vector<16xi32>
        %eq3A_1230 = arith.constant 9 : i32
        %eq3A_1231 = vector.broadcast %eq3A_1230 : i32 to vector<16xi32>
        %eq3A_1232 = arith.cmpi eq, %iota3A, %eq3A_1231 : vector<16xi32>
        tpu.vector_store_idx %arg20[%add3A_1229], %select_n3A_1142 masked %eq3A_1232 {add = true} : memref<16384xf32, #tpu.memory_space<vmem>>[vector<16xi32>], vector<16xf32>, vector<16xi1>
        %mul3A_1233 = arith.constant 4 : i32
        %mul3A_1234 = vector.broadcast %mul3A_1233 : i32 to vector<16xi32>
        %mul3A_1235 = arith.muli %get3A_224, %mul3A_1234 : vector<16xi32>
        %add3A_1236 = arith.constant 3 : i32
        %add3A_1237 = vector.broadcast %add3A_1236 : i32 to vector<16xi32>
        %add3A_1238 = arith.addi %mul3A_1235, %add3A_1237 : vector<16xi32>
        %eq3A_1239 = arith.constant 10 : i32
        %eq3A_1240 = vector.broadcast %eq3A_1239 : i32 to vector<16xi32>
        %eq3A_1241 = arith.cmpi eq, %iota3A, %eq3A_1240 : vector<16xi32>
        tpu.vector_store_idx %arg20[%add3A_1238], %select_n3A_1142 masked %eq3A_1241 {add = true} : memref<16384xf32, #tpu.memory_space<vmem>>[vector<16xi32>], vector<16xf32>, vector<16xi1>
        %mul3A_1242 = arith.constant 4 : i32
        %mul3A_1243 = vector.broadcast %mul3A_1242 : i32 to vector<16xi32>
        %mul3A_1244 = arith.muli %get3A_224, %mul3A_1243 : vector<16xi32>
        %add3A_1245 = arith.constant 3 : i32
        %add3A_1246 = vector.broadcast %add3A_1245 : i32 to vector<16xi32>
        %add3A_1247 = arith.addi %mul3A_1244, %add3A_1246 : vector<16xi32>
        %eq3A_1248 = arith.constant 11 : i32
        %eq3A_1249 = vector.broadcast %eq3A_1248 : i32 to vector<16xi32>
        %eq3A_1250 = arith.cmpi eq, %iota3A, %eq3A_1249 : vector<16xi32>
        tpu.vector_store_idx %arg20[%add3A_1247], %select_n3A_1142 masked %eq3A_1250 {add = true} : memref<16384xf32, #tpu.memory_space<vmem>>[vector<16xi32>], vector<16xf32>, vector<16xi1>
        %mul3A_1251 = arith.constant 4 : i32
        %mul3A_1252 = vector.broadcast %mul3A_1251 : i32 to vector<16xi32>
        %mul3A_1253 = arith.muli %get3A_224, %mul3A_1252 : vector<16xi32>
        %add3A_1254 = arith.constant 3 : i32
        %add3A_1255 = vector.broadcast %add3A_1254 : i32 to vector<16xi32>
        %add3A_1256 = arith.addi %mul3A_1253, %add3A_1255 : vector<16xi32>
        %eq3A_1257 = arith.constant 12 : i32
        %eq3A_1258 = vector.broadcast %eq3A_1257 : i32 to vector<16xi32>
        %eq3A_1259 = arith.cmpi eq, %iota3A, %eq3A_1258 : vector<16xi32>
        tpu.vector_store_idx %arg20[%add3A_1256], %select_n3A_1142 masked %eq3A_1259 {add = true} : memref<16384xf32, #tpu.memory_space<vmem>>[vector<16xi32>], vector<16xf32>, vector<16xi1>
        %mul3A_1260 = arith.constant 4 : i32
        %mul3A_1261 = vector.broadcast %mul3A_1260 : i32 to vector<16xi32>
        %mul3A_1262 = arith.muli %get3A_224, %mul3A_1261 : vector<16xi32>
        %add3A_1263 = arith.constant 3 : i32
        %add3A_1264 = vector.broadcast %add3A_1263 : i32 to vector<16xi32>
        %add3A_1265 = arith.addi %mul3A_1262, %add3A_1264 : vector<16xi32>
        %eq3A_1266 = arith.constant 13 : i32
        %eq3A_1267 = vector.broadcast %eq3A_1266 : i32 to vector<16xi32>
        %eq3A_1268 = arith.cmpi eq, %iota3A, %eq3A_1267 : vector<16xi32>
        tpu.vector_store_idx %arg20[%add3A_1265], %select_n3A_1142 masked %eq3A_1268 {add = true} : memref<16384xf32, #tpu.memory_space<vmem>>[vector<16xi32>], vector<16xf32>, vector<16xi1>
        %mul3A_1269 = arith.constant 4 : i32
        %mul3A_1270 = vector.broadcast %mul3A_1269 : i32 to vector<16xi32>
        %mul3A_1271 = arith.muli %get3A_224, %mul3A_1270 : vector<16xi32>
        %add3A_1272 = arith.constant 3 : i32
        %add3A_1273 = vector.broadcast %add3A_1272 : i32 to vector<16xi32>
        %add3A_1274 = arith.addi %mul3A_1271, %add3A_1273 : vector<16xi32>
        %eq3A_1275 = arith.constant 14 : i32
        %eq3A_1276 = vector.broadcast %eq3A_1275 : i32 to vector<16xi32>
        %eq3A_1277 = arith.cmpi eq, %iota3A, %eq3A_1276 : vector<16xi32>
        tpu.vector_store_idx %arg20[%add3A_1274], %select_n3A_1142 masked %eq3A_1277 {add = true} : memref<16384xf32, #tpu.memory_space<vmem>>[vector<16xi32>], vector<16xf32>, vector<16xi1>
        %mul3A_1278 = arith.constant 4 : i32
        %mul3A_1279 = vector.broadcast %mul3A_1278 : i32 to vector<16xi32>
        %mul3A_1280 = arith.muli %get3A_224, %mul3A_1279 : vector<16xi32>
        %add3A_1281 = arith.constant 3 : i32
        %add3A_1282 = vector.broadcast %add3A_1281 : i32 to vector<16xi32>
        %add3A_1283 = arith.addi %mul3A_1280, %add3A_1282 : vector<16xi32>
        %eq3A_1284 = arith.constant 15 : i32
        %eq3A_1285 = vector.broadcast %eq3A_1284 : i32 to vector<16xi32>
        %eq3A_1286 = arith.cmpi eq, %iota3A, %eq3A_1285 : vector<16xi32>
        tpu.vector_store_idx %arg20[%add3A_1283], %select_n3A_1142 masked %eq3A_1286 {add = true} : memref<16384xf32, #tpu.memory_space<vmem>>[vector<16xi32>], vector<16xf32>, vector<16xi1>
        %broadcast_in_dim3A_1287 = arith.constant 96 : i32
        %broadcast_in_dim3A_1288 = vector.broadcast %broadcast_in_dim3A_1287 : i32 to vector<16xi32>
        %gather3A_1289 = tpu.vector_load_idx %arg19[%add3A_221, %broadcast_in_dim3A_1288] : memref<128x128xf32, #tpu.memory_space<vmem>>[vector<16xi32>, vector<16xi32>], vector<16xf32>,
        %mul3A_1290 = arith.mulf %gather3A_1289, %select_n3A_1142 : vector<16xf32>
        tpu.vector_store_idx %arg19[%add3A_221, %broadcast_in_dim3A_1288], %mul3A_1290 : memref<128x128xf32, #tpu.memory_space<vmem>>[vector<16xi32>, vector<16xi32>], vector<16xf32>,
        %broadcast_in_dim3A_1291 = arith.constant 97 : i32
        %broadcast_in_dim3A_1292 = vector.broadcast %broadcast_in_dim3A_1291 : i32 to vector<16xi32>
        %gather3A_1293 = tpu.vector_load_idx %arg19[%add3A_221, %broadcast_in_dim3A_1292] : memref<128x128xf32, #tpu.memory_space<vmem>>[vector<16xi32>, vector<16xi32>], vector<16xf32>,
        %mul3A_1294 = arith.mulf %gather3A_1293, %select_n3A_1142 : vector<16xf32>
        tpu.vector_store_idx %arg19[%add3A_221, %broadcast_in_dim3A_1292], %mul3A_1294 : memref<128x128xf32, #tpu.memory_space<vmem>>[vector<16xi32>, vector<16xi32>], vector<16xf32>,
        %broadcast_in_dim3A_1295 = arith.constant 98 : i32
        %broadcast_in_dim3A_1296 = vector.broadcast %broadcast_in_dim3A_1295 : i32 to vector<16xi32>
        %gather3A_1297 = tpu.vector_load_idx %arg19[%add3A_221, %broadcast_in_dim3A_1296] : memref<128x128xf32, #tpu.memory_space<vmem>>[vector<16xi32>, vector<16xi32>], vector<16xf32>,
        %mul3A_1298 = arith.mulf %gather3A_1297, %select_n3A_1142 : vector<16xf32>
        tpu.vector_store_idx %arg19[%add3A_221, %broadcast_in_dim3A_1296], %mul3A_1298 : memref<128x128xf32, #tpu.memory_space<vmem>>[vector<16xi32>, vector<16xi32>], vector<16xf32>,
        %broadcast_in_dim3A_1299 = arith.constant 99 : i32
        %broadcast_in_dim3A_1300 = vector.broadcast %broadcast_in_dim3A_1299 : i32 to vector<16xi32>
        %gather3A_1301 = tpu.vector_load_idx %arg19[%add3A_221, %broadcast_in_dim3A_1300] : memref<128x128xf32, #tpu.memory_space<vmem>>[vector<16xi32>, vector<16xi32>], vector<16xf32>,
        %mul3A_1302 = arith.mulf %gather3A_1301, %select_n3A_1142 : vector<16xf32>
        tpu.vector_store_idx %arg19[%add3A_221, %broadcast_in_dim3A_1300], %mul3A_1302 : memref<128x128xf32, #tpu.memory_space<vmem>>[vector<16xi32>, vector<16xi32>], vector<16xf32>,
        %broadcast_in_dim3A_1303 = arith.constant 100 : i32
        %broadcast_in_dim3A_1304 = vector.broadcast %broadcast_in_dim3A_1303 : i32 to vector<16xi32>
        %gather3A_1305 = tpu.vector_load_idx %arg19[%add3A_221, %broadcast_in_dim3A_1304] : memref<128x128xf32, #tpu.memory_space<vmem>>[vector<16xi32>, vector<16xi32>], vector<16xf32>,
        %mul3A_1306 = arith.mulf %gather3A_1305, %select_n3A_1142 : vector<16xf32>
        tpu.vector_store_idx %arg19[%add3A_221, %broadcast_in_dim3A_1304], %mul3A_1306 : memref<128x128xf32, #tpu.memory_space<vmem>>[vector<16xi32>, vector<16xi32>], vector<16xf32>,
        %broadcast_in_dim3A_1307 = arith.constant 101 : i32
        %broadcast_in_dim3A_1308 = vector.broadcast %broadcast_in_dim3A_1307 : i32 to vector<16xi32>
        %gather3A_1309 = tpu.vector_load_idx %arg19[%add3A_221, %broadcast_in_dim3A_1308] : memref<128x128xf32, #tpu.memory_space<vmem>>[vector<16xi32>, vector<16xi32>], vector<16xf32>,
        %mul3A_1310 = arith.mulf %gather3A_1309, %select_n3A_1142 : vector<16xf32>
        tpu.vector_store_idx %arg19[%add3A_221, %broadcast_in_dim3A_1308], %mul3A_1310 : memref<128x128xf32, #tpu.memory_space<vmem>>[vector<16xi32>, vector<16xi32>], vector<16xf32>,
        %broadcast_in_dim3A_1311 = arith.constant 102 : i32
        %broadcast_in_dim3A_1312 = vector.broadcast %broadcast_in_dim3A_1311 : i32 to vector<16xi32>
        %gather3A_1313 = tpu.vector_load_idx %arg19[%add3A_221, %broadcast_in_dim3A_1312] : memref<128x128xf32, #tpu.memory_space<vmem>>[vector<16xi32>, vector<16xi32>], vector<16xf32>,
        %mul3A_1314 = arith.mulf %gather3A_1313, %select_n3A_1142 : vector<16xf32>
        tpu.vector_store_idx %arg19[%add3A_221, %broadcast_in_dim3A_1312], %mul3A_1314 : memref<128x128xf32, #tpu.memory_space<vmem>>[vector<16xi32>, vector<16xi32>], vector<16xf32>,
        %broadcast_in_dim3A_1315 = arith.constant 103 : i32
        %broadcast_in_dim3A_1316 = vector.broadcast %broadcast_in_dim3A_1315 : i32 to vector<16xi32>
        %gather3A_1317 = tpu.vector_load_idx %arg19[%add3A_221, %broadcast_in_dim3A_1316] : memref<128x128xf32, #tpu.memory_space<vmem>>[vector<16xi32>, vector<16xi32>], vector<16xf32>,
        %mul3A_1318 = arith.mulf %gather3A_1317, %select_n3A_1142 : vector<16xf32>
        tpu.vector_store_idx %arg19[%add3A_221, %broadcast_in_dim3A_1316], %mul3A_1318 : memref<128x128xf32, #tpu.memory_space<vmem>>[vector<16xi32>, vector<16xi32>], vector<16xf32>,
        %broadcast_in_dim3A_1319 = arith.constant 104 : i32
        %broadcast_in_dim3A_1320 = vector.broadcast %broadcast_in_dim3A_1319 : i32 to vector<16xi32>
        %gather3A_1321 = tpu.vector_load_idx %arg19[%add3A_221, %broadcast_in_dim3A_1320] : memref<128x128xf32, #tpu.memory_space<vmem>>[vector<16xi32>, vector<16xi32>], vector<16xf32>,
        %mul3A_1322 = arith.mulf %gather3A_1321, %select_n3A_1142 : vector<16xf32>
        tpu.vector_store_idx %arg19[%add3A_221, %broadcast_in_dim3A_1320], %mul3A_1322 : memref<128x128xf32, #tpu.memory_space<vmem>>[vector<16xi32>, vector<16xi32>], vector<16xf32>,
        %broadcast_in_dim3A_1323 = arith.constant 105 : i32
        %broadcast_in_dim3A_1324 = vector.broadcast %broadcast_in_dim3A_1323 : i32 to vector<16xi32>
        %gather3A_1325 = tpu.vector_load_idx %arg19[%add3A_221, %broadcast_in_dim3A_1324] : memref<128x128xf32, #tpu.memory_space<vmem>>[vector<16xi32>, vector<16xi32>], vector<16xf32>,
        %mul3A_1326 = arith.mulf %gather3A_1325, %select_n3A_1142 : vector<16xf32>
        tpu.vector_store_idx %arg19[%add3A_221, %broadcast_in_dim3A_1324], %mul3A_1326 : memref<128x128xf32, #tpu.memory_space<vmem>>[vector<16xi32>, vector<16xi32>], vector<16xf32>,
        %broadcast_in_dim3A_1327 = arith.constant 106 : i32
        %broadcast_in_dim3A_1328 = vector.broadcast %broadcast_in_dim3A_1327 : i32 to vector<16xi32>
        %gather3A_1329 = tpu.vector_load_idx %arg19[%add3A_221, %broadcast_in_dim3A_1328] : memref<128x128xf32, #tpu.memory_space<vmem>>[vector<16xi32>, vector<16xi32>], vector<16xf32>,
        %mul3A_1330 = arith.mulf %gather3A_1329, %select_n3A_1142 : vector<16xf32>
        tpu.vector_store_idx %arg19[%add3A_221, %broadcast_in_dim3A_1328], %mul3A_1330 : memref<128x128xf32, #tpu.memory_space<vmem>>[vector<16xi32>, vector<16xi32>], vector<16xf32>,
        %broadcast_in_dim3A_1331 = arith.constant 107 : i32
        %broadcast_in_dim3A_1332 = vector.broadcast %broadcast_in_dim3A_1331 : i32 to vector<16xi32>
        %gather3A_1333 = tpu.vector_load_idx %arg19[%add3A_221, %broadcast_in_dim3A_1332] : memref<128x128xf32, #tpu.memory_space<vmem>>[vector<16xi32>, vector<16xi32>], vector<16xf32>,
        %mul3A_1334 = arith.mulf %gather3A_1333, %select_n3A_1142 : vector<16xf32>
        tpu.vector_store_idx %arg19[%add3A_221, %broadcast_in_dim3A_1332], %mul3A_1334 : memref<128x128xf32, #tpu.memory_space<vmem>>[vector<16xi32>, vector<16xi32>], vector<16xf32>,
        %broadcast_in_dim3A_1335 = arith.constant 108 : i32
        %broadcast_in_dim3A_1336 = vector.broadcast %broadcast_in_dim3A_1335 : i32 to vector<16xi32>
        %gather3A_1337 = tpu.vector_load_idx %arg19[%add3A_221, %broadcast_in_dim3A_1336] : memref<128x128xf32, #tpu.memory_space<vmem>>[vector<16xi32>, vector<16xi32>], vector<16xf32>,
        %mul3A_1338 = arith.mulf %gather3A_1337, %select_n3A_1142 : vector<16xf32>
        tpu.vector_store_idx %arg19[%add3A_221, %broadcast_in_dim3A_1336], %mul3A_1338 : memref<128x128xf32, #tpu.memory_space<vmem>>[vector<16xi32>, vector<16xi32>], vector<16xf32>,
        %broadcast_in_dim3A_1339 = arith.constant 109 : i32
        %broadcast_in_dim3A_1340 = vector.broadcast %broadcast_in_dim3A_1339 : i32 to vector<16xi32>
        %gather3A_1341 = tpu.vector_load_idx %arg19[%add3A_221, %broadcast_in_dim3A_1340] : memref<128x128xf32, #tpu.memory_space<vmem>>[vector<16xi32>, vector<16xi32>], vector<16xf32>,
        %mul3A_1342 = arith.mulf %gather3A_1341, %select_n3A_1142 : vector<16xf32>
        tpu.vector_store_idx %arg19[%add3A_221, %broadcast_in_dim3A_1340], %mul3A_1342 : memref<128x128xf32, #tpu.memory_space<vmem>>[vector<16xi32>, vector<16xi32>], vector<16xf32>,
        %broadcast_in_dim3A_1343 = arith.constant 110 : i32
        %broadcast_in_dim3A_1344 = vector.broadcast %broadcast_in_dim3A_1343 : i32 to vector<16xi32>
        %gather3A_1345 = tpu.vector_load_idx %arg19[%add3A_221, %broadcast_in_dim3A_1344] : memref<128x128xf32, #tpu.memory_space<vmem>>[vector<16xi32>, vector<16xi32>], vector<16xf32>,
        %mul3A_1346 = arith.mulf %gather3A_1345, %select_n3A_1142 : vector<16xf32>
        tpu.vector_store_idx %arg19[%add3A_221, %broadcast_in_dim3A_1344], %mul3A_1346 : memref<128x128xf32, #tpu.memory_space<vmem>>[vector<16xi32>, vector<16xi32>], vector<16xf32>,
        %broadcast_in_dim3A_1347 = arith.constant 111 : i32
        %broadcast_in_dim3A_1348 = vector.broadcast %broadcast_in_dim3A_1347 : i32 to vector<16xi32>
        %gather3A_1349 = tpu.vector_load_idx %arg19[%add3A_221, %broadcast_in_dim3A_1348] : memref<128x128xf32, #tpu.memory_space<vmem>>[vector<16xi32>, vector<16xi32>], vector<16xf32>,
        %mul3A_1350 = arith.mulf %gather3A_1349, %select_n3A_1142 : vector<16xf32>
        tpu.vector_store_idx %arg19[%add3A_221, %broadcast_in_dim3A_1348], %mul3A_1350 : memref<128x128xf32, #tpu.memory_space<vmem>>[vector<16xi32>, vector<16xi32>], vector<16xf32>,
        %broadcast_in_dim3A_1351 = arith.constant 112 : i32
        %broadcast_in_dim3A_1352 = vector.broadcast %broadcast_in_dim3A_1351 : i32 to vector<16xi32>
        %gather3A_1353 = tpu.vector_load_idx %arg19[%add3A_221, %broadcast_in_dim3A_1352] : memref<128x128xf32, #tpu.memory_space<vmem>>[vector<16xi32>, vector<16xi32>], vector<16xf32>,
        %mul3A_1354 = arith.mulf %gather3A_1353, %select_n3A_1142 : vector<16xf32>
        tpu.vector_store_idx %arg19[%add3A_221, %broadcast_in_dim3A_1352], %mul3A_1354 : memref<128x128xf32, #tpu.memory_space<vmem>>[vector<16xi32>, vector<16xi32>], vector<16xf32>,
        %broadcast_in_dim3A_1355 = arith.constant 113 : i32
        %broadcast_in_dim3A_1356 = vector.broadcast %broadcast_in_dim3A_1355 : i32 to vector<16xi32>
        %gather3A_1357 = tpu.vector_load_idx %arg19[%add3A_221, %broadcast_in_dim3A_1356] : memref<128x128xf32, #tpu.memory_space<vmem>>[vector<16xi32>, vector<16xi32>], vector<16xf32>,
        %mul3A_1358 = arith.mulf %gather3A_1357, %select_n3A_1142 : vector<16xf32>
        tpu.vector_store_idx %arg19[%add3A_221, %broadcast_in_dim3A_1356], %mul3A_1358 : memref<128x128xf32, #tpu.memory_space<vmem>>[vector<16xi32>, vector<16xi32>], vector<16xf32>,
        %broadcast_in_dim3A_1359 = arith.constant 114 : i32
        %broadcast_in_dim3A_1360 = vector.broadcast %broadcast_in_dim3A_1359 : i32 to vector<16xi32>
        %gather3A_1361 = tpu.vector_load_idx %arg19[%add3A_221, %broadcast_in_dim3A_1360] : memref<128x128xf32, #tpu.memory_space<vmem>>[vector<16xi32>, vector<16xi32>], vector<16xf32>,
        %mul3A_1362 = arith.mulf %gather3A_1361, %select_n3A_1142 : vector<16xf32>
        tpu.vector_store_idx %arg19[%add3A_221, %broadcast_in_dim3A_1360], %mul3A_1362 : memref<128x128xf32, #tpu.memory_space<vmem>>[vector<16xi32>, vector<16xi32>], vector<16xf32>,
        %broadcast_in_dim3A_1363 = arith.constant 115 : i32
        %broadcast_in_dim3A_1364 = vector.broadcast %broadcast_in_dim3A_1363 : i32 to vector<16xi32>
        %gather3A_1365 = tpu.vector_load_idx %arg19[%add3A_221, %broadcast_in_dim3A_1364] : memref<128x128xf32, #tpu.memory_space<vmem>>[vector<16xi32>, vector<16xi32>], vector<16xf32>,
        %mul3A_1366 = arith.mulf %gather3A_1365, %select_n3A_1142 : vector<16xf32>
        tpu.vector_store_idx %arg19[%add3A_221, %broadcast_in_dim3A_1364], %mul3A_1366 : memref<128x128xf32, #tpu.memory_space<vmem>>[vector<16xi32>, vector<16xi32>], vector<16xf32>,
        %broadcast_in_dim3A_1367 = arith.constant 116 : i32
        %broadcast_in_dim3A_1368 = vector.broadcast %broadcast_in_dim3A_1367 : i32 to vector<16xi32>
        %gather3A_1369 = tpu.vector_load_idx %arg19[%add3A_221, %broadcast_in_dim3A_1368] : memref<128x128xf32, #tpu.memory_space<vmem>>[vector<16xi32>, vector<16xi32>], vector<16xf32>,
        %mul3A_1370 = arith.mulf %gather3A_1369, %select_n3A_1142 : vector<16xf32>
        tpu.vector_store_idx %arg19[%add3A_221, %broadcast_in_dim3A_1368], %mul3A_1370 : memref<128x128xf32, #tpu.memory_space<vmem>>[vector<16xi32>, vector<16xi32>], vector<16xf32>,
        %broadcast_in_dim3A_1371 = arith.constant 117 : i32
        %broadcast_in_dim3A_1372 = vector.broadcast %broadcast_in_dim3A_1371 : i32 to vector<16xi32>
        %gather3A_1373 = tpu.vector_load_idx %arg19[%add3A_221, %broadcast_in_dim3A_1372] : memref<128x128xf32, #tpu.memory_space<vmem>>[vector<16xi32>, vector<16xi32>], vector<16xf32>,
        %mul3A_1374 = arith.mulf %gather3A_1373, %select_n3A_1142 : vector<16xf32>
        tpu.vector_store_idx %arg19[%add3A_221, %broadcast_in_dim3A_1372], %mul3A_1374 : memref<128x128xf32, #tpu.memory_space<vmem>>[vector<16xi32>, vector<16xi32>], vector<16xf32>,
        %broadcast_in_dim3A_1375 = arith.constant 118 : i32
        %broadcast_in_dim3A_1376 = vector.broadcast %broadcast_in_dim3A_1375 : i32 to vector<16xi32>
        %gather3A_1377 = tpu.vector_load_idx %arg19[%add3A_221, %broadcast_in_dim3A_1376] : memref<128x128xf32, #tpu.memory_space<vmem>>[vector<16xi32>, vector<16xi32>], vector<16xf32>,
        %mul3A_1378 = arith.mulf %gather3A_1377, %select_n3A_1142 : vector<16xf32>
        tpu.vector_store_idx %arg19[%add3A_221, %broadcast_in_dim3A_1376], %mul3A_1378 : memref<128x128xf32, #tpu.memory_space<vmem>>[vector<16xi32>, vector<16xi32>], vector<16xf32>,
        %broadcast_in_dim3A_1379 = arith.constant 119 : i32
        %broadcast_in_dim3A_1380 = vector.broadcast %broadcast_in_dim3A_1379 : i32 to vector<16xi32>
        %gather3A_1381 = tpu.vector_load_idx %arg19[%add3A_221, %broadcast_in_dim3A_1380] : memref<128x128xf32, #tpu.memory_space<vmem>>[vector<16xi32>, vector<16xi32>], vector<16xf32>,
        %mul3A_1382 = arith.mulf %gather3A_1381, %select_n3A_1142 : vector<16xf32>
        tpu.vector_store_idx %arg19[%add3A_221, %broadcast_in_dim3A_1380], %mul3A_1382 : memref<128x128xf32, #tpu.memory_space<vmem>>[vector<16xi32>, vector<16xi32>], vector<16xf32>,
        %broadcast_in_dim3A_1383 = arith.constant 120 : i32
        %broadcast_in_dim3A_1384 = vector.broadcast %broadcast_in_dim3A_1383 : i32 to vector<16xi32>
        %gather3A_1385 = tpu.vector_load_idx %arg19[%add3A_221, %broadcast_in_dim3A_1384] : memref<128x128xf32, #tpu.memory_space<vmem>>[vector<16xi32>, vector<16xi32>], vector<16xf32>,
        %mul3A_1386 = arith.mulf %gather3A_1385, %select_n3A_1142 : vector<16xf32>
        tpu.vector_store_idx %arg19[%add3A_221, %broadcast_in_dim3A_1384], %mul3A_1386 : memref<128x128xf32, #tpu.memory_space<vmem>>[vector<16xi32>, vector<16xi32>], vector<16xf32>,
        %broadcast_in_dim3A_1387 = arith.constant 121 : i32
        %broadcast_in_dim3A_1388 = vector.broadcast %broadcast_in_dim3A_1387 : i32 to vector<16xi32>
        %gather3A_1389 = tpu.vector_load_idx %arg19[%add3A_221, %broadcast_in_dim3A_1388] : memref<128x128xf32, #tpu.memory_space<vmem>>[vector<16xi32>, vector<16xi32>], vector<16xf32>,
        %mul3A_1390 = arith.mulf %gather3A_1389, %select_n3A_1142 : vector<16xf32>
        tpu.vector_store_idx %arg19[%add3A_221, %broadcast_in_dim3A_1388], %mul3A_1390 : memref<128x128xf32, #tpu.memory_space<vmem>>[vector<16xi32>, vector<16xi32>], vector<16xf32>,
        %broadcast_in_dim3A_1391 = arith.constant 122 : i32
        %broadcast_in_dim3A_1392 = vector.broadcast %broadcast_in_dim3A_1391 : i32 to vector<16xi32>
        %gather3A_1393 = tpu.vector_load_idx %arg19[%add3A_221, %broadcast_in_dim3A_1392] : memref<128x128xf32, #tpu.memory_space<vmem>>[vector<16xi32>, vector<16xi32>], vector<16xf32>,
        %mul3A_1394 = arith.mulf %gather3A_1393, %select_n3A_1142 : vector<16xf32>
        tpu.vector_store_idx %arg19[%add3A_221, %broadcast_in_dim3A_1392], %mul3A_1394 : memref<128x128xf32, #tpu.memory_space<vmem>>[vector<16xi32>, vector<16xi32>], vector<16xf32>,
        %broadcast_in_dim3A_1395 = arith.constant 123 : i32
        %broadcast_in_dim3A_1396 = vector.broadcast %broadcast_in_dim3A_1395 : i32 to vector<16xi32>
        %gather3A_1397 = tpu.vector_load_idx %arg19[%add3A_221, %broadcast_in_dim3A_1396] : memref<128x128xf32, #tpu.memory_space<vmem>>[vector<16xi32>, vector<16xi32>], vector<16xf32>,
        %mul3A_1398 = arith.mulf %gather3A_1397, %select_n3A_1142 : vector<16xf32>
        tpu.vector_store_idx %arg19[%add3A_221, %broadcast_in_dim3A_1396], %mul3A_1398 : memref<128x128xf32, #tpu.memory_space<vmem>>[vector<16xi32>, vector<16xi32>], vector<16xf32>,
        %broadcast_in_dim3A_1399 = arith.constant 124 : i32
        %broadcast_in_dim3A_1400 = vector.broadcast %broadcast_in_dim3A_1399 : i32 to vector<16xi32>
        %gather3A_1401 = tpu.vector_load_idx %arg19[%add3A_221, %broadcast_in_dim3A_1400] : memref<128x128xf32, #tpu.memory_space<vmem>>[vector<16xi32>, vector<16xi32>], vector<16xf32>,
        %mul3A_1402 = arith.mulf %gather3A_1401, %select_n3A_1142 : vector<16xf32>
        tpu.vector_store_idx %arg19[%add3A_221, %broadcast_in_dim3A_1400], %mul3A_1402 : memref<128x128xf32, #tpu.memory_space<vmem>>[vector<16xi32>, vector<16xi32>], vector<16xf32>,
        %broadcast_in_dim3A_1403 = arith.constant 125 : i32
        %broadcast_in_dim3A_1404 = vector.broadcast %broadcast_in_dim3A_1403 : i32 to vector<16xi32>
        %gather3A_1405 = tpu.vector_load_idx %arg19[%add3A_221, %broadcast_in_dim3A_1404] : memref<128x128xf32, #tpu.memory_space<vmem>>[vector<16xi32>, vector<16xi32>], vector<16xf32>,
        %mul3A_1406 = arith.mulf %gather3A_1405, %select_n3A_1142 : vector<16xf32>
        tpu.vector_store_idx %arg19[%add3A_221, %broadcast_in_dim3A_1404], %mul3A_1406 : memref<128x128xf32, #tpu.memory_space<vmem>>[vector<16xi32>, vector<16xi32>], vector<16xf32>,
        %broadcast_in_dim3A_1407 = arith.constant 126 : i32
        %broadcast_in_dim3A_1408 = vector.broadcast %broadcast_in_dim3A_1407 : i32 to vector<16xi32>
        %gather3A_1409 = tpu.vector_load_idx %arg19[%add3A_221, %broadcast_in_dim3A_1408] : memref<128x128xf32, #tpu.memory_space<vmem>>[vector<16xi32>, vector<16xi32>], vector<16xf32>,
        %mul3A_1410 = arith.mulf %gather3A_1409, %select_n3A_1142 : vector<16xf32>
        tpu.vector_store_idx %arg19[%add3A_221, %broadcast_in_dim3A_1408], %mul3A_1410 : memref<128x128xf32, #tpu.memory_space<vmem>>[vector<16xi32>, vector<16xi32>], vector<16xf32>,
        %broadcast_in_dim3A_1411 = arith.constant 127 : i32
        %broadcast_in_dim3A_1412 = vector.broadcast %broadcast_in_dim3A_1411 : i32 to vector<16xi32>
        %gather3A_1413 = tpu.vector_load_idx %arg19[%add3A_221, %broadcast_in_dim3A_1412] : memref<128x128xf32, #tpu.memory_space<vmem>>[vector<16xi32>, vector<16xi32>], vector<16xf32>,
        %mul3A_1414 = arith.mulf %gather3A_1413, %select_n3A_1142 : vector<16xf32>
        tpu.vector_store_idx %arg19[%add3A_221, %broadcast_in_dim3A_1412], %mul3A_1414 : memref<128x128xf32, #tpu.memory_space<vmem>>[vector<16xi32>, vector<16xi32>], vector<16xf32>,
      }
      %scan3A_211 = arith.constant 8 : i32
      "tpu.region"() ({
        %run_scoped3A = tpu.sem_alloc : memref<!tpu.dma_semaphore, #tpu.memory_space<semaphore_mem>>
        %dma_start3A_212 = arith.constant 0 : i32
        %dma_start3A_213 = arith.constant 0 : i32
        %dma_start3A_214 = tpu.memref_slice %arg21[%dma_start3A_212, %dma_start3A_213] : memref<4096x128xf32, #tpu.memory_space<vmem_shared>> -> memref<4096x128xf32, #tpu.memory_space<vmem_shared>>
        tpu.enqueue_indirect_dma source(%arg19 : memref<128x128xf32, #tpu.memory_space<vmem>>) target(%dma_start3A_214 : memref<4096x128xf32, #tpu.memory_space<vmem_shared>>) offsets(%arg15 : memref<128xi32, #tpu.memory_space<vmem>>) semaphore(%run_scoped3A : memref<!tpu.dma_semaphore, #tpu.memory_space<semaphore_mem>>) {add = true}
        %dma_wait3A_215 = arith.constant 0 : i32
        %dma_wait3A_216 = arith.constant 0 : i32
        %dma_wait3A_217 = tpu.memref_slice %arg21[%dma_wait3A_215, %dma_wait3A_216] : memref<4096x128xf32, #tpu.memory_space<vmem_shared>> -> memref<4096x128xf32, #tpu.memory_space<vmem_shared>>
        tpu.wait_indirect_dma semaphore(%run_scoped3A : memref<!tpu.dma_semaphore, #tpu.memory_space<semaphore_mem>>) src(%arg19 : memref<128x128xf32, #tpu.memory_space<vmem>>) dst(%dma_wait3A_217 : memref<4096x128xf32, #tpu.memory_space<vmem_shared>>)
        tpu.yield
      }) : () -> ()
    }
    %scan3A_165 = arith.constant 32 : i32
    %barrier3A_166 = arith.constant 0 : index
    tpu.barrier barrier_id(%barrier3A_166)
    "tpu.region"() ({
      %run_scoped3A = tpu.sem_alloc : memref<!tpu.dma_semaphore, #tpu.memory_space<semaphore_mem>>
      %dma_start3A = arith.constant 0 : i32
      %dma_start3A_167 = tpu.memref_slice %arg10[%arg0, %mul3A_4, %dma_start3A] : memref<2x4096x128xf32, #tpu.memory_space<hbm>> -> memref<1x256x128xf32, #tpu.memory_space<hbm>>
      %dma_start3A_168 = tpu.memref_squeeze %dma_start3A_167 : memref<1x256x128xf32, #tpu.memory_space<hbm>> -> memref<256x128xf32, #tpu.memory_space<hbm>>
      %dma_start3A_169 = arith.constant 0 : i32
      %dma_start3A_170 = tpu.memref_slice %arg21[%mul3A_4, %dma_start3A_169] : memref<4096x128xf32, #tpu.memory_space<vmem_shared>> -> memref<256x128xf32, #tpu.memory_space<vmem_shared>>
      tpu.enqueue_dma source(%dma_start3A_170 : memref<256x128xf32, #tpu.memory_space<vmem_shared>>) target(%dma_start3A_168 : memref<256x128xf32, #tpu.memory_space<hbm>>) target_semaphore(%run_scoped3A : memref<!tpu.dma_semaphore, #tpu.memory_space<semaphore_mem>>)
      %dma_wait3A = arith.constant 0 : i32
      %dma_wait3A_171 = tpu.memref_slice %arg10[%arg0, %mul3A_4, %dma_wait3A] : memref<2x4096x128xf32, #tpu.memory_space<hbm>> -> memref<1x256x128xf32, #tpu.memory_space<hbm>>
      %dma_wait3A_172 = tpu.memref_squeeze %dma_wait3A_171 : memref<1x256x128xf32, #tpu.memory_space<hbm>> -> memref<256x128xf32, #tpu.memory_space<hbm>>
      %dma_wait3A_173 = arith.constant 0 : i32
      %dma_wait3A_174 = tpu.memref_slice %arg21[%mul3A_4, %dma_wait3A_173] : memref<4096x128xf32, #tpu.memory_space<vmem_shared>> -> memref<256x128xf32, #tpu.memory_space<vmem_shared>>
      tpu.wait_dma2 semaphore(%run_scoped3A : memref<!tpu.dma_semaphore, #tpu.memory_space<semaphore_mem>>) src(%dma_wait3A_174 : memref<256x128xf32, #tpu.memory_space<vmem_shared>>) dst(%dma_wait3A_172 : memref<256x128xf32, #tpu.memory_space<hbm>>)
      tpu.yield
    }) : () -> ()
    "tpu.region"() ({
      %run_scoped3A = tpu.sem_alloc : memref<!tpu.dma_semaphore, #tpu.memory_space<semaphore_mem>>
      %dma_start3A = arith.constant 0 : i32
      %dma_start3A_167 = tpu.memref_slice %arg11[%add3A, %dma_start3A] : memref<32x16384xf32, #tpu.memory_space<hbm>> -> memref<1x16384xf32, #tpu.memory_space<hbm>>
      %dma_start3A_168 = tpu.memref_squeeze %dma_start3A_167 : memref<1x16384xf32, #tpu.memory_space<hbm>> -> memref<16384xf32, #tpu.memory_space<hbm>>
      %dma_start3A_169 = arith.constant 0 : i32
      %dma_start3A_170 = tpu.memref_slice %arg11[%add3A, %dma_start3A_169] : memref<32x16384xf32, #tpu.memory_space<hbm>> -> memref<1x16384xf32, #tpu.memory_space<hbm>>
      %dma_start3A_171 = tpu.memref_squeeze %dma_start3A_170 : memref<1x16384xf32, #tpu.memory_space<hbm>> -> memref<16384xf32, #tpu.memory_space<hbm>>
      tpu.enqueue_dma source(%arg20 : memref<16384xf32, #tpu.memory_space<vmem>>) target(%dma_start3A_171 : memref<16384xf32, #tpu.memory_space<hbm>>) target_semaphore(%run_scoped3A : memref<!tpu.dma_semaphore, #tpu.memory_space<semaphore_mem>>)
      %dma_wait3A = arith.constant 0 : i32
      %dma_wait3A_172 = tpu.memref_slice %arg11[%add3A, %dma_wait3A] : memref<32x16384xf32, #tpu.memory_space<hbm>> -> memref<1x16384xf32, #tpu.memory_space<hbm>>
      %dma_wait3A_173 = tpu.memref_squeeze %dma_wait3A_172 : memref<1x16384xf32, #tpu.memory_space<hbm>> -> memref<16384xf32, #tpu.memory_space<hbm>>
      %dma_wait3A_174 = arith.constant 0 : i32
      %dma_wait3A_175 = tpu.memref_slice %arg11[%add3A, %dma_wait3A_174] : memref<32x16384xf32, #tpu.memory_space<hbm>> -> memref<1x16384xf32, #tpu.memory_space<hbm>>
      %dma_wait3A_176 = tpu.memref_squeeze %dma_wait3A_175 : memref<1x16384xf32, #tpu.memory_space<hbm>> -> memref<16384xf32, #tpu.memory_space<hbm>>
      tpu.wait_dma2 semaphore(%run_scoped3A : memref<!tpu.dma_semaphore, #tpu.memory_space<semaphore_mem>>) src(%arg20 : memref<16384xf32, #tpu.memory_space<vmem>>) dst(%dma_wait3A_176 : memref<16384xf32, #tpu.memory_space<hbm>>)
      tpu.yield
    }) : () -> ()
    return
  }
}

module attributes {stable_mosaic.version = 14 : i64} {
  func.func @_prep_body(%arg0: memref<4096x128xf32, #tpu.memory_space<vmem>>, %arg1: memref<128x128xf32, #tpu.memory_space<vmem>>, %arg2: memref<128x128xf32, #tpu.memory_space<vmem>>, %arg3: memref<4096x128xf32, #tpu.memory_space<vmem>>, %arg4: memref<4096x8xf32, #tpu.memory_space<vmem>>) attributes {dimension_semantics = [], scalar_prefetch = 0 : i64, scratch_operands = 0 : i64, tpu.core_type = #tpu.core_type<tc>} {
    %get3A = arith.constant 0 : index
    %get3A_0 = arith.constant 0 : index
    %get3A_1 = vector.load %arg0[%get3A, %get3A_0] : memref<4096x128xf32, #tpu.memory_space<vmem>>, vector<4096x128xf32>
    %get3A_2 = arith.constant 0 : index
    %get3A_3 = arith.constant 0 : index
    %get3A_4 = vector.load %arg1[%get3A_2, %get3A_3] : memref<128x128xf32, #tpu.memory_space<vmem>>, vector<128x128xf32>
    %dot_general3A = arith.constant dense<0.000000e+00> : vector<4096x128xf32>
    %dot_general3A_5 = tpu.matmul %get3A_1, %get3A_4, %dot_general3A {dimension_numbers = #tpu.dot_dimension_numbers<[1], [0], [0], [1], [0, 0, 1, 1], [], []>, precision = #tpu.contract_precision<fp32>, transpose_lhs_hint = false} : vector<4096x128xf32>, vector<128x128xf32>, vector<4096x128xf32> -> vector<4096x128xf32>
    %swap3A = arith.constant 0 : index
    %swap3A_6 = arith.constant 0 : index
    %swap3A_7 = vector.load %arg3[%swap3A, %swap3A_6] : memref<4096x128xf32, #tpu.memory_space<vmem>>, vector<4096x128xf32>
    tpu.vector_store %arg3[%swap3A, %swap3A_6], %dot_general3A_5 {strides = array<i32>} : memref<4096x128xf32, #tpu.memory_space<vmem>>, vector<4096x128xf32>,
    %get3A_8 = arith.constant 0 : index
    %get3A_9 = arith.constant 0 : index
    %get3A_10 = vector.load %arg2[%get3A_8, %get3A_9] : memref<128x128xf32, #tpu.memory_space<vmem>>, vector<128x128xf32>
    %dot_general3A_11 = arith.constant dense<0.000000e+00> : vector<4096x128xf32>
    %dot_general3A_12 = tpu.matmul %dot_general3A_5, %get3A_10, %dot_general3A_11 {dimension_numbers = #tpu.dot_dimension_numbers<[1], [0], [0], [1], [0, 0, 1, 1], [], []>, precision = #tpu.contract_precision<fp32>, transpose_lhs_hint = false} : vector<4096x128xf32>, vector<128x128xf32>, vector<4096x128xf32> -> vector<4096x128xf32>
    %slice3A = vector.extract_strided_slice %dot_general3A_12 {offsets = [0, 0], sizes = [4096, 8], strides = [1, 1]} : vector<4096x128xf32> to vector<4096x8xf32>
    %swap3A_13 = arith.constant 0 : index
    %swap3A_14 = arith.constant 0 : index
    %swap3A_15 = vector.load %arg4[%swap3A_13, %swap3A_14] : memref<4096x8xf32, #tpu.memory_space<vmem>>, vector<4096x8xf32>
    tpu.vector_store %arg4[%swap3A_13, %swap3A_14], %slice3A {strides = array<i32>} : memref<4096x8xf32, #tpu.memory_space<vmem>>, vector<4096x8xf32>,
    return
  }
}

module attributes {stable_mosaic.version = 14 : i64} {
  func.func @_finish_body(%arg0: memref<2x4096x128xf32, #tpu.memory_space<vmem>>, %arg1: memref<32x16384xf32, #tpu.memory_space<vmem>>, %arg2: memref<4096x128xf32, #tpu.memory_space<vmem>>) attributes {dimension_semantics = [], scalar_prefetch = 0 : i64, scratch_operands = 0 : i64, tpu.core_type = #tpu.core_type<tc>} {
    %get3A = arith.constant 0 : index
    %get3A_0 = arith.constant 0 : index
    %get3A_1 = arith.constant 0 : index
    %get3A_2 = vector.load %arg0[%get3A, %get3A_0, %get3A_1] : memref<2x4096x128xf32, #tpu.memory_space<vmem>>, vector<1x4096x128xf32>
    %get3A_3 = vector.shape_cast %get3A_2 : vector<1x4096x128xf32> to vector<4096x128xf32>
    %get3A_4 = arith.constant 1 : index
    %get3A_5 = arith.constant 0 : index
    %get3A_6 = arith.constant 0 : index
    %get3A_7 = vector.load %arg0[%get3A_4, %get3A_5, %get3A_6] : memref<2x4096x128xf32, #tpu.memory_space<vmem>>, vector<1x4096x128xf32>
    %get3A_8 = vector.shape_cast %get3A_7 : vector<1x4096x128xf32> to vector<4096x128xf32>
    %add3A = arith.addf %get3A_3, %get3A_8 : vector<4096x128xf32>
    %get3A_9 = arith.constant 0 : index
    %get3A_10 = arith.constant 0 : index
    %get3A_11 = vector.load %arg1[%get3A_9, %get3A_10] : memref<32x16384xf32, #tpu.memory_space<vmem>>, vector<32x16384xf32>
    %reduce_sum3A = arith.constant dense<0.000000e+00> : vector<16384xf32>
    %reduce_sum3A_12 = vector.multi_reduction <add>, %get3A_11, %reduce_sum3A [0] : vector<32x16384xf32> to vector<16384xf32>
    %reshape3A = vector.shape_cast %reduce_sum3A_12 : vector<16384xf32> to vector<128x128xf32>
    %iota3A = tpu.iota {dimensions = array<i32: 0>} : vector<128x4096xi32>
    %iota3A_13 = tpu.iota {dimensions = array<i32: 1>} : vector<128x4096xi32>
    %jit3A = arith.constant 128 : i32
    %div3A = vector.broadcast %jit3A : i32 to vector<128x4096xi32>
    %div3A_14 = arith.divsi %iota3A_13, %div3A : vector<128x4096xi32>
    %sign3A = arith.constant 0 : i32
    %sign3A_15 = vector.broadcast %sign3A : i32 to vector<128x4096xi32>
    %sign3A_16 = arith.cmpi sgt, %iota3A_13, %sign3A_15 : vector<128x4096xi32>
    %sign3A_17 = arith.extui %sign3A_16 : vector<128x4096xi1> to vector<128x4096xi32>
    %sign3A_18 = arith.constant 0 : i32
    %sign3A_19 = vector.broadcast %sign3A_18 : i32 to vector<128x4096xi32>
    %sign3A_20 = arith.cmpi slt, %iota3A_13, %sign3A_19 : vector<128x4096xi32>
    %sign3A_21 = arith.extui %sign3A_20 : vector<128x4096xi1> to vector<128x4096xi32>
    %sign3A_22 = arith.subi %sign3A_17, %sign3A_21 : vector<128x4096xi32>
    %sign3A_23 = arith.constant 0 : i32
    %sign3A_24 = arith.cmpi sgt, %jit3A, %sign3A_23 : i32
    %sign3A_25 = arith.extui %sign3A_24 : i1 to i32
    %sign3A_26 = arith.constant 0 : i32
    %sign3A_27 = arith.cmpi slt, %jit3A, %sign3A_26 : i32
    %sign3A_28 = arith.extui %sign3A_27 : i1 to i32
    %sign3A_29 = arith.subi %sign3A_25, %sign3A_28 : i32
    %ne3A = vector.broadcast %sign3A_29 : i32 to vector<128x4096xi32>
    %ne3A_30 = arith.cmpi ne, %sign3A_22, %ne3A : vector<128x4096xi32>
    %rem3A = vector.broadcast %jit3A : i32 to vector<128x4096xi32>
    %rem3A_31 = arith.remsi %iota3A_13, %rem3A : vector<128x4096xi32>
    %ne3A_32 = arith.constant 0 : i32
    %ne3A_33 = vector.broadcast %ne3A_32 : i32 to vector<128x4096xi32>
    %ne3A_34 = arith.cmpi ne, %rem3A_31, %ne3A_33 : vector<128x4096xi32>
    %and3A = arith.andi %ne3A_30, %ne3A_34 : vector<128x4096xi1>
    %sub3A = arith.constant 1 : i32
    %sub3A_35 = vector.broadcast %sub3A : i32 to vector<128x4096xi32>
    %sub3A_36 = arith.subi %div3A_14, %sub3A_35 : vector<128x4096xi32>
    %select_n3A = arith.select %and3A, %sub3A_36, %div3A_14 : vector<128x4096xi1>, vector<128x4096xi32>
    %mul3A = arith.constant 4 : i32
    %mul3A_37 = vector.broadcast %mul3A : i32 to vector<128x4096xi32>
    %mul3A_38 = arith.muli %select_n3A, %mul3A_37 : vector<128x4096xi32>
    %jit3A_39 = arith.constant 128 : i32
    %eq3A = arith.constant 0 : i32
    %eq3A_40 = arith.cmpi eq, %jit3A_39, %eq3A : i32
    %jit3A_41 = arith.constant 1 : i32
    %select_n3A_42 = arith.select %eq3A_40, %jit3A_41, %jit3A_39 : i32
    %rem3A_43 = vector.broadcast %select_n3A_42 : i32 to vector<128x4096xi32>
    %rem3A_44 = arith.remsi %iota3A_13, %rem3A_43 : vector<128x4096xi32>
    %ne3A_45 = arith.constant 0 : i32
    %ne3A_46 = vector.broadcast %ne3A_45 : i32 to vector<128x4096xi32>
    %ne3A_47 = arith.cmpi ne, %rem3A_44, %ne3A_46 : vector<128x4096xi32>
    %lt3A = arith.constant 0 : i32
    %lt3A_48 = vector.broadcast %lt3A : i32 to vector<128x4096xi32>
    %lt3A_49 = arith.cmpi slt, %rem3A_44, %lt3A_48 : vector<128x4096xi32>
    %lt3A_50 = arith.constant 0 : i32
    %lt3A_51 = arith.cmpi slt, %select_n3A_42, %lt3A_50 : i32
    %ne3A_52 = vector.broadcast %lt3A_51 : i1 to vector<128x4096xi1>
    %ne3A_53 = vector.broadcast %ne3A_52 : vector<128x4096xi1> to vector<128x4096xi1>
    %ne3A_54 = arith.xori %lt3A_49, %ne3A_53 : vector<128x4096xi1>
    %and3A_55 = arith.andi %ne3A_54, %ne3A_47 : vector<128x4096xi1>
    %add3A_56 = vector.broadcast %select_n3A_42 : i32 to vector<128x4096xi32>
    %add3A_57 = arith.addi %rem3A_44, %add3A_56 : vector<128x4096xi32>
    %select_n3A_58 = arith.select %and3A_55, %add3A_57, %rem3A_44 : vector<128x4096xi1>, vector<128x4096xi32>
    %jit3A_59 = arith.constant 32 : i32
    %div3A_60 = vector.broadcast %jit3A_59 : i32 to vector<128x4096xi32>
    %div3A_61 = arith.divsi %select_n3A_58, %div3A_60 : vector<128x4096xi32>
    %sign3A_62 = arith.constant 0 : i32
    %sign3A_63 = vector.broadcast %sign3A_62 : i32 to vector<128x4096xi32>
    %sign3A_64 = arith.cmpi sgt, %select_n3A_58, %sign3A_63 : vector<128x4096xi32>
    %sign3A_65 = arith.extui %sign3A_64 : vector<128x4096xi1> to vector<128x4096xi32>
    %sign3A_66 = arith.constant 0 : i32
    %sign3A_67 = vector.broadcast %sign3A_66 : i32 to vector<128x4096xi32>
    %sign3A_68 = arith.cmpi slt, %select_n3A_58, %sign3A_67 : vector<128x4096xi32>
    %sign3A_69 = arith.extui %sign3A_68 : vector<128x4096xi1> to vector<128x4096xi32>
    %sign3A_70 = arith.subi %sign3A_65, %sign3A_69 : vector<128x4096xi32>
    %sign3A_71 = arith.constant 0 : i32
    %sign3A_72 = arith.cmpi sgt, %jit3A_59, %sign3A_71 : i32
    %sign3A_73 = arith.extui %sign3A_72 : i1 to i32
    %sign3A_74 = arith.constant 0 : i32
    %sign3A_75 = arith.cmpi slt, %jit3A_59, %sign3A_74 : i32
    %sign3A_76 = arith.extui %sign3A_75 : i1 to i32
    %sign3A_77 = arith.subi %sign3A_73, %sign3A_76 : i32
    %ne3A_78 = vector.broadcast %sign3A_77 : i32 to vector<128x4096xi32>
    %ne3A_79 = arith.cmpi ne, %sign3A_70, %ne3A_78 : vector<128x4096xi32>
    %rem3A_80 = vector.broadcast %jit3A_59 : i32 to vector<128x4096xi32>
    %rem3A_81 = arith.remsi %select_n3A_58, %rem3A_80 : vector<128x4096xi32>
    %ne3A_82 = arith.constant 0 : i32
    %ne3A_83 = vector.broadcast %ne3A_82 : i32 to vector<128x4096xi32>
    %ne3A_84 = arith.cmpi ne, %rem3A_81, %ne3A_83 : vector<128x4096xi32>
    %and3A_85 = arith.andi %ne3A_79, %ne3A_84 : vector<128x4096xi1>
    %sub3A_86 = arith.constant 1 : i32
    %sub3A_87 = vector.broadcast %sub3A_86 : i32 to vector<128x4096xi32>
    %sub3A_88 = arith.subi %div3A_61, %sub3A_87 : vector<128x4096xi32>
    %select_n3A_89 = arith.select %and3A_85, %sub3A_88, %div3A_61 : vector<128x4096xi1>, vector<128x4096xi32>
    %add3A_90 = arith.addi %mul3A_38, %select_n3A_89 : vector<128x4096xi32>
    %eq3A_91 = arith.cmpi eq, %add3A_90, %iota3A : vector<128x4096xi32>
    %convert_element_type3A = arith.extui %eq3A_91 : vector<128x4096xi1> to vector<128x4096xi32>
    %convert_element_type3A_92 = arith.sitofp %convert_element_type3A : vector<128x4096xi32> to vector<128x4096xf32>
    %dot_general3A = arith.constant dense<0.000000e+00> : vector<128x4096xf32>
    %dot_general3A_93 = tpu.matmul %reshape3A, %convert_element_type3A_92, %dot_general3A {dimension_numbers = #tpu.dot_dimension_numbers<[1], [0], [0], [1], [0, 0, 1, 1], [], []>, precision = #tpu.contract_precision<fp32>, transpose_lhs_hint = false} : vector<128x128xf32>, vector<128x4096xf32>, vector<128x4096xf32> -> vector<128x4096xf32>
    %reshape3A_94 = vector.shape_cast %dot_general3A_93 : vector<128x4096xf32> to vector<4096x128xf32>
    %gt3A = arith.constant 0.000000e+00 : f32
    %gt3A_95 = vector.broadcast %gt3A : f32 to vector<4096x128xf32>
    %gt3A_96 = arith.cmpf ogt, %reshape3A_94, %gt3A_95 : vector<4096x128xf32>
    %jit3A_97 = arith.constant 1.000000e+00 : f32
    %broadcast_in_dim3A = vector.broadcast %jit3A_97 : f32 to vector<4096x128xf32>
    %select_n3A_98 = arith.select %gt3A_96, %reshape3A_94, %broadcast_in_dim3A : vector<4096x128xi1>, vector<4096x128xf32>
    %div3A_99 = arith.divf %add3A, %select_n3A_98 : vector<4096x128xf32>
    %jit3A_100 = arith.constant 0.000000e+00 : f32
    %broadcast_in_dim3A_101 = vector.broadcast %jit3A_100 : f32 to vector<4096x128xf32>
    %select_n3A_102 = arith.select %gt3A_96, %div3A_99, %broadcast_in_dim3A_101 : vector<4096x128xi1>, vector<4096x128xf32>
    %gt3A_103 = arith.constant 0.000000e+00 : f32
    %gt3A_104 = vector.broadcast %gt3A_103 : f32 to vector<4096x128xf32>
    %gt3A_105 = arith.cmpf ogt, %select_n3A_102, %gt3A_104 : vector<4096x128xf32>
    %min3A = arith.constant 0.000000e+00 : f32
    %min3A_106 = vector.broadcast %min3A : f32 to vector<4096x128xf32>
    %min3A_107 = arith.minimumf %select_n3A_102, %min3A_106 : vector<4096x128xf32>
    %exp3A = math.exp %min3A_107 : vector<4096x128xf32>
    %sub3A_108 = arith.constant 1.000000e+00 : f32
    %sub3A_109 = vector.broadcast %sub3A_108 : f32 to vector<4096x128xf32>
    %sub3A_110 = arith.subf %exp3A, %sub3A_109 : vector<4096x128xf32>
    %select_n3A_111 = arith.select %gt3A_105, %select_n3A_102, %sub3A_110 : vector<4096x128xi1>, vector<4096x128xf32>
    %swap3A = arith.constant 0 : index
    %swap3A_112 = arith.constant 0 : index
    %swap3A_113 = vector.load %arg2[%swap3A, %swap3A_112] : memref<4096x128xf32, #tpu.memory_space<vmem>>, vector<4096x128xf32>
    tpu.vector_store %arg2[%swap3A, %swap3A_112], %select_n3A_111 {strides = array<i32>} : memref<4096x128xf32, #tpu.memory_space<vmem>>, vector<4096x128xf32>,
    return
  }
}

</mosaic_0001>

<sc_bundles>
// kernel: kernel.6.cloned.1.call-start
scs
__scs_entry_jumppad:
0x0: {  	(pc) =	sbr.rel $0x88, $3  }
0x1: {  	(tag) =	ssettag $0x0;
	lr =	simm.s32 $0x1  }
0x2: {  	[smem:$0x3F9D] =	sst lr;
	_ =	strace $0xD0000000  }
0x3: {  	_ = 	snop  }
0x4: {  	_ = 	snop  }
0x5: {  	_ = 	snop  }
0x6: {  	_ = 	snop  }
0x7: {  	_ = 	snop  }
__scs_overlays_trampoline_lowered:
0x8: {  	[smem:$0x3FAC] =	sst s0  }
0x9: {  	[smem:$0x3FAD] =	sst s1  }
0xa: {  	[smem:$0x3FAE] =	sst s2  }
0xb: {  	[smem:$0x3FAF] =	sst s3  }
0xc: {  	[smem:$0x3FB0] =	sst s4  }
0xd: {  	[smem:$0x3FB1] =	sst s5  }
0xe: {  	[smem:$0x3FB2] =	sst s6  }
0xf: {  	[smem:$0x3FB3] =	sst s7  }
0x10: {  	[smem:$0x3FB4] =	sst s8  }
0x11: {  	[smem:$0x3FB5] =	sst s9;
	s0 =	simm.s32 @!p0 $0x0  }
0x12: {  	s1 =	sld [smem:$0x3F9B];
	s0 =	simm.s32 @p0 $0x1  }
0x13: {  	[smem:$0x3FB6] =	sst s0;
	s0 =	simm.s32 @!p1 $0x0  }
0x14: {  	s2 =	sld [smem:$0x3F9A];
	s0 =	simm.s32 @p1 $0x1  }
0x15: {  	[smem:$0x3FB7] =	sst s0;
	s0 =	simm.s32 @!p2 $0x0  }
0x16: {  	s3 =	sld [smem:$0x3FDB];
	s0 =	simm.s32 @p2 $0x1  }
0x17: {  	s4 =	simm.s32 $0x1BF5;
	[smem:$0x3FB9] =	sst s0  }
0x18: {  	s0 =	sld [smem:$0x3F9C];
	_ =	swait.ge [sflag:s4], $0x0  }
0x19: {  	s7 =	sld [smem:$0x3F9D]  }
0x1a: {  	s8 =	sadd.s32 $0xFFFFE003, lr  }
0x1b: {  	s9 =	sadd.s32 $0xFFFFFEF7, lr;
	s5 =	simm.s32 $0xFFFFFFFF;
	p2 =	slt.u32 s8, $0xFFFFF086  }
0x1c: {  	p1 =	slt.u32 s9, $0xF7A;
	s5 =	simm.s32 @!p2 $0x0  }
0x1d: {  	s5 =	simm.s32 @p1 $0x1;
	p0 =	seq.s32 s7, s2  }
0x1e: {  	s7 =	smul.u32 @!p0 $0xF7A, s2;
	p2 =	seq.s32 @!p0 s5, $0x0  }
0x1f: {  	s9 =	smul.u32 $0xF7A, s1;
	s8 =	simm.s32 @!p0 $0x1BF5;
	p2 =	por !p2, p0  }
0x20: {  	[sflag:s8] =	ssyncset.s32 @!p0 $0xFFFFF086;
	s6 =	sadd.s32 @!p0 s3, s7;
	s7 =	simm.s32 @!p0 $0x108  }
0x21: {  	s3 =	sadd.s32 s3, s9;
	s6 =	sadd.s32 @!p0 $0x88, s6;
	s7 =	simm.s32 @p2 $0x1082  }
0x22: {  	[simem:s7], [sflag:s8] =	dma.local @!p0 [hbm:s6], $0xF7A  }
0x23: {  	s9 =	sor.u32 $0xD0000000, s2;
	s6 =	simm.s32 $0x108;
	_ =	swait.ge @!p0 [sflag:s8], $0x0  }
0x24: {  	s3 =	sadd.s32 $0x88, s3;
	s6 =	simm.s32 @!p1 $0x1082;
	[sflag:s4] =	ssyncset.s32 $0xFFFFF086  }
0x25: {  	[simem:s6], [sflag:s4] =	dma.local [hbm:s3], $0xF7A  }
0x26: {  	[smem:$0x3F9D] =	sst s1;
	(tag) =	ssettag s2;
	_ =	strace s9  }
0x27: {  	s1 =	sld [smem:$0x3FAD]  }
0x28: {  	s2 =	sld [smem:$0x3FAE]  }
0x29: {  	s4 =	sld [smem:$0x3FB0]  }
0x2a: {  	p0 =	seq.s32 s5, $0x0;
	s5 =	sld [smem:$0x3FB1]  }
0x2b: {  	s6 =	sld [smem:$0x3FB2]  }
0x2c: {  	s7 =	sld [smem:$0x3FB3]  }
0x2d: {  	s3 =	simm.s32 $0x108;
	s8 =	sld [smem:$0x3FB4]  }
0x2e: {  	s3 =	simm.s32 @!p0 $0x1082;
	s9 =	sld [smem:$0x3FB5]  }
0x2f: {  	lr =	sadd.s32 s0, s3;
	s0 =	sld [smem:$0x3FAC]  }
0x30: {  	s3 =	sld [smem:$0x3FAF]  }
0x31: {  	[smem:$0x3FB8] =	sst s10  }
0x32: {  	s10 =	sld [smem:$0x3FB6];
	_ =	sdelay $0x3  }
0x33: {  	p0 =	seq.s32 s10, $0x1;
	s10 =	sld [smem:$0x3FB8];
	_ =	sdelay $0x3  }
0x34: {  	[smem:$0x3FB8] =	sst s10  }
0x35: {  	s10 =	sld [smem:$0x3FB7];
	_ =	sdelay $0x3  }
0x36: {  	p1 =	seq.s32 s10, $0x1;
	s10 =	sld [smem:$0x3FB8];
	_ =	sdelay $0x3  }
0x37: {  	[smem:$0x3FB8] =	sst s10  }
0x38: {  	s10 =	sld [smem:$0x3FB9]  }
0x39: {  	_ = 	snop;
	(pc) =	sbr.ind lr, $3  }
0x3a: {  	_ = 	snop  }
0x3b: {  	_ = 	snop  }
0x3c: {  	p2 =	seq.s32 s10, $0x1;
	s10 =	sld [smem:$0x3FB8]  }
0x3d: {  	_ =	shalt  }
0x3e: {  	_ =	shalt  }
0x3f: {  	_ =	shalt  }
0x40: {  	_ =	shalt  }
0x41: {  	_ =	shalt  }
0x42: {  	_ =	shalt  }
0x43: {  	_ =	shalt  }
0x44: {  	_ =	shalt  }
0x45: {  	_ =	shalt  }
0x46: {  	_ =	shalt  }
0x47: {  	_ =	shalt  }
0x48: {  	_ =	shalt  }
0x49: {  	_ =	shalt  }
0x4a: {  	_ =	shalt  }
0x4b: {  	_ =	shalt  }
0x4c: {  	_ =	shalt  }
0x4d: {  	_ =	shalt  }
0x4e: {  	_ =	shalt  }
0x4f: {  	_ =	shalt  }
0x50: {  	_ =	shalt  }
0x51: {  	_ =	shalt  }
0x52: {  	_ =	shalt  }
0x53: {  	_ =	shalt  }
0x54: {  	_ =	shalt  }
0x55: {  	_ =	shalt  }
0x56: {  	_ =	shalt  }
0x57: {  	_ =	shalt  }
0x58: {  	_ =	shalt  }
0x59: {  	_ =	shalt  }
0x5a: {  	_ =	shalt  }
0x5b: {  	_ =	shalt  }
0x5c: {  	_ =	shalt  }
0x5d: {  	_ =	shalt  }
0x5e: {  	_ =	shalt  }
0x5f: {  	_ =	shalt  }
0x60: {  	_ =	shalt  }
0x61: {  	_ =	shalt  }
0x62: {  	_ =	shalt  }
0x63: {  	_ =	shalt  }
0x64: {  	_ =	shalt  }
0x65: {  	_ =	shalt  }
0x66: {  	_ =	shalt  }
0x67: {  	_ =	shalt  }
0x68: {  	_ =	shalt  }
0x69: {  	_ =	shalt  }
0x6a: {  	_ =	shalt  }
0x6b: {  	_ =	shalt  }
0x6c: {  	_ =	shalt  }
0x6d: {  	_ =	shalt  }
0x6e: {  	_ =	shalt  }
0x6f: {  	_ =	shalt  }
0x70: {  	_ =	shalt  }
0x71: {  	_ =	shalt  }
0x72: {  	_ =	shalt  }
0x73: {  	_ =	shalt  }
0x74: {  	_ =	shalt  }
0x75: {  	_ =	shalt  }
0x76: {  	_ =	shalt  }
0x77: {  	_ =	shalt  }
0x78: {  	_ =	shalt  }
0x79: {  	_ =	shalt  }
0x7a: {  	_ =	shalt  }
0x7b: {  	_ =	shalt  }
0x7c: {  	_ =	shalt  }
0x7d: {  	_ =	shalt  }
0x7e: {  	_ =	shalt  }
0x7f: {  	_ =	shalt  }
0x80: {  	_ =	shalt  }
0x81: {  	_ =	shalt  }
0x82: {  	_ =	shalt  }
0x83: {  	_ =	shalt  }
0x84: {  	_ =	shalt  }
0x85: {  	_ =	shalt  }
0x86: {  	_ =	shalt  }
0x87: {  	_ =	shalt  }
.Lfunc_end0:
.L_simem_size_0:
called_computation_lowered:
.L_overlay_start_0:
0x88: {  	s2 =	sld [smem:$0x3FD9]  }
0x89: {  	s3 =	sld [smem:$0x3FFE];
	_ =	sdelay $0x1  }
0x8a: {  	s1 =	srdreg.scid  }
0x8b: {  	s0 =	sand.u32 $0x1, s1  }
0x8c: {  	s16 =	sshll.u32 s0, $0xA;
	s2 =	sadd.s32 s3, s2  }
0x8d: {  	s2 =	sadd.s32 s2, s16  }
0x8e: {  	[smem:$0x3FC4] =	sst s2  }
0x8f: {  	_ = 	snop  }
0x90: {  	(tm) =	ssettm $0x1  }
0x91: {  	s17 =	sld [smem:$0x3FFB];
	_ =	sdelay $0x3  }
0x92: {  	_ =	strace s17  }
0x93: {  	s2 =	sld [smem:$0x3FFC];
	_ =	sdelay $0x3  }
0x94: {  	_ =	strace s2  }
0x95: {  	s2 =	sld [smem:$0x3FFD];
	_ =	sdelay $0x3  }
0x96: {  	_ =	strace s2  }
0x97: {  	_ =	strace $0x8FFFFFFF  }
0x98: {  	s18 =	sld [smem:$0x3FDB];
	_ =	sdelay $0x1  }
0x99: {  	s19 =	simm.s32 $_scs_section_size  }
0x9a: {  	s4 =	simm.s32 $_size__tile_overlayer_lowered;
	s5 =	simm.s32 $_tile_overlayer_lowered  }
0x9b: {  	s22 =	simm.s32 $0x1BFF;
	s21 =	sshll.u32 s5, $0x1;
	s2 =	sadd.s32 s19, s18  }
0x9c: {  	s6 =	simm.s32 $0x0;
	s20 =	sshll.u32 s4, $0x1;
	s4 =	sadd.s32 s21, s2  }
0x9d: {  	[timem:s6], [sflag:s22] =	dma.local [hbm:s4], s20  }
0x9e: {  	_ =	swait.ge [sflag:s22], s20  }
0x9f: {  	s3 =	ssub.s32 $0x0, s20;
	[sflag:s22] =	ssyncset.done $0x0  }
0xa0: {  	[sflag:s22] =	ssyncadd.s32 s3;
	_ =	sdelay $0x1  }
0xa1: {  	s23 =	simm.s32 $0x1B8B  }
0xa2: {  	_ =	swait.ge [sflag:s23], $0x1  }
0xa3: {  	[sflag:s23] =	ssyncset.done $0x0  }
0xa4: {  	s25 =	simm.s32 $0x1B8E;
	s24 =	sld [smem:$0x3FFE];
	[sflag:s23] =	ssyncadd.s32 $0xFFFFFFFF  }
0xa5: {  	s26 =	simm.s32 $execute0_lowered;
	[smem:$0x3FD2] =	sst s25  }
0xa6: {  	s4 =	sshll.u32 s26, $0x1;
	_ =	strace $0x80000046;
	[dreg:$0x1] =	wrdreg $0xFFFFFFFF  }
0xa7: {  	s28 =	simm.s32 $_size_execute0_lowered;
	s2 =	sadd.s32 s2, s4;
	[dreg:$0x0] =	wrdreg $0x0  }
0xa8: {  	s4 =	sshll.u32 s28, $0x1;
	[dreg:$0x2] =	wrdreg s2  }
0xa9: {  	[dreg:$0x3] =	wrdreg s4  }
0xaa: {  	[dreg:$0x4] =	wrdreg $0xC0  }
0xab: {  	_ =	task [dreg:s6], $0x5FFFF  }
0xac: {  	[dreg:$0x1] =	wrdreg $0xFFFFFFFF  }
0xad: {  	[dreg:$0x0] =	wrdreg $0x60  }
0xae: {  	[dreg:$0x2] =	wrdreg s24  }
0xaf: {  	[dreg:$0x3] =	wrdreg $0x9  }
0xb0: {  	_ =	task.clear_ibuf [dreg:s6], $0x4FFFF;
	_ =	strace $0x90000046  }
0xb1: {  	s29 =	simm.s32 $0x9;
	_ =	strace $0x80000048  }
0xb2: {  	_ =	swait.ge [sflag:s29], $0x1  }
0xb3: {  	[sflag:s29] =	ssyncadd.s32 $0xFFFFFFFF  }
0xb4: {  	_ =	strace $0x90000048  }
0xb5: {  	_ =	sfence  }
0xb6: {  	s30 =	sld [smem:$0x0];
	_ =	sdelay $0x2  }
0xb7: {  	s31 =	sshll.u32 s1, $0xD;
	s1 =	sshrl.u32 s1, $0x2  }
0xb8: {  	s3 =	sand.u32 $0x4000, s31;
	s1 =	sadd.s32 s1, s30  }
0xb9: {  	s0 =	sor.u32 s3, s0;
	s1 =	sshll.u32 s1, $0x11  }
0xba: {  	s0 =	sor.u32 s1, s0  }
0xbb: {  	s0 =	sadd.s32 $0x8F2B, s0  }
0xbc: {  	[sflag:s0] =	ssyncadd.remote.s32 $0x1  }
0xbd: {  	_ =	sfence.sel $0xFFFF  }
0xbe: {  	[dreg:$0x0] =	wrdreg $0xFFFFFFFF;
	(pc) =	sbr.abs _section_cstart, $3  }
0xbf: {  	[dreg:$0x1] =	wrdreg $0xFFFFFFFF  }
0xc0: {  	_ =	task.clear_ibuf [dreg:s6], $0x2FFFF;
	_ =	strace $0x9FFFFFFF  }
0xc1: {  	(tm) =	ssettm $0x7FFFFFFF  }
tec
execute0_lowered:
.L_overlay_start_1:
0x0: {  	(tag) =	ssettag $0x1  }
0x1: {  	s3 =	rddreg [dreg:$0x0]  }
0x2: {  	s0 =	rddreg [dreg:$0x1];
	s2 =	simm.s32 $0x0;
	s4 =	srdreg.scid  }
0x3: {  	s1 =	stileid.u32;
	s8 =	simm.s32 $0x80;
	s9 =	simm.s32 $0x0  }
0x4: {  	[smem:$0x7FF] =	sst s2;
	s4 =	sand.u32 $0x1, s4;
	s5 =	sshll.u32 s1, $0xA  }
0x5: {  	s6 =	ssub.s32 $0x2, s4;
	s5 =	sadd.s32 s5, s3;
	s4 =	sshll.u32 s4, $0x9  }
0x6: {  	_ =	strace $0x80000047;
	s7 =	sshrl.u32 s6, $0x1;
	s31 =	sadd.s32 s4, s5  }
0x7: {  	s3 =	sadd.s32 $0x11C00, s3;
	s6 =	ssub.s32 s6, s7;
	s5 =	sadd.s32 $0xDC00, s31  }
0x8: {  	s7 =	simm.s32 $0x1;
	s4 =	smax.u32 s6, $0x1;
	s6 =	sadd.s32 $0x9C00, s31  }
.LBB2_1:
0x9: {  	s10 =	sadd.s32 $0x0, s5  }
0xa: {  	[tilespmem:s2], [sflag:$0x1] =	stream.linear.gather [hbm4b:s10+s2], $0x80, $0x38;
	[tilespmem:$0x100] =	vst v63  }
0xb: {  	_ =	swait.ge [sflag:s7], $0x80  }
0xc: {  	[sflag:s7] =	ssyncset.done $0x0  }
0xd: {  	s31 =	sadd.s32 $0x0, s6;
	[sflag:s7] =	ssyncadd.s32 $0xFFFFFF80  }
0xe: {  	[tilespmem:s8], [sflag:$0x1] =	stream.linear.gather [hbm4b:s31+s2], $0x80, $0x38;
	[tilespmem:$0x100] =	vst v63  }
0xf: {  	_ =	swait.ge [sflag:s7], $0x80  }
0x10: {  	[sflag:s7] =	ssyncset.done $0x0  }
0x11: {  	[sflag:s7] =	ssyncadd.s32 $0xFFFFFF80  }
0x12: {  	[hbm4b:s3+s8] =	stream.indirect.scatter [tilespmem:s8], [sflag:$0x1], $0x1, s2, s8, $0xb8;
	[tilespmem:$0x100] =	vst v63  }
0x13: {  	_ =	swait.ge [sflag:s7], $0x80  }
0x14: {  	s11 =	simm.s32 $0x20;
	s10 =	simm.s32 $0x10;
	[sflag:s7] =	ssyncset.done $0x0  }
.LBB2_2:
0x15: {  	s12 =	sadd.s32 s10, s5  }
0x16: {  	[sflag:s7] =	ssyncadd.s32 $0xFFFFFF80;
	s13 =	smov.u32 s11;
	s14 =	sadd.s32 $0x10, s11  }
0x17: {  	[tilespmem:s2], [sflag:$0x1] =	stream.linear.gather [hbm4b:s12+s2], $0x80, $0x38;
	[tilespmem:$0x100] =	vst v63  }
0x18: {  	p0 =	sne.s32 s11, $0x1F0;
	_ =	swait.ge [sflag:s7], $0x80  }
0x19: {  	[sflag:s7] =	ssyncset.done $0x0  }
0x1a: {  	s11 =	sadd.s32 s10, s6;
	s10 =	smov.u32 s13;
	[sflag:s7] =	ssyncadd.s32 $0xFFFFFF80  }
0x1b: {  	[tilespmem:s8], [sflag:$0x1] =	stream.linear.gather [hbm4b:s11+s2], $0x80, $0x38;
	[tilespmem:$0x100] =	vst v63  }
0x1c: {  	_ =	swait.ge [sflag:s7], $0x80  }
.Ltmp0:
0x1d: {  	[sflag:s7] =	ssyncset.done $0x0;
	(pc) =	sbr.rel @p0 .LBB2_2-.Ltmp0, $4  }
0x1e: {  	[sflag:s7] =	ssyncadd.s32 $0xFFFFFF80  }
0x1f: {  	[hbm4b:s3+s8] =	stream.indirect.scatter [tilespmem:s8], [sflag:$0x1], $0x1, s2, s8, $0xb8;
	[tilespmem:$0x100] =	vst v63  }
0x20: {  	_ =	swait.ge [sflag:s7], $0x80  }
0x21: {  	s11 =	smov.u32 s14;
	[sflag:s7] =	ssyncset.done $0x0  }
0x22: {  	s11 =	sadd.s32 s10, s5;
	[sflag:s7] =	ssyncadd.s32 $0xFFFFFF80  }
0x23: {  	[tilespmem:s2], [sflag:$0x1] =	stream.linear.gather [hbm4b:s11+s2], $0x80, $0x38;
	[tilespmem:$0x100] =	vst v63  }
0x24: {  	_ =	swait.ge [sflag:s7], $0x80  }
0x25: {  	[sflag:s7] =	ssyncset.done $0x0  }
0x26: {  	s31 =	sadd.s32 s10, s6;
	[sflag:s7] =	ssyncadd.s32 $0xFFFFFF80  }
0x27: {  	[tilespmem:s8], [sflag:$0x1] =	stream.linear.gather [hbm4b:s31+s2], $0x80, $0x38;
	[tilespmem:$0x100] =	vst v63  }
0x28: {  	s9 =	sadd.s32 $0x1, s9;
	_ =	swait.ge [sflag:s7], $0x80  }
0x29: {  	p0 =	sne.s32 s9, s4;
	[sflag:s7] =	ssyncset.done $0x0  }
.Ltmp1:
0x2a: {  	[sflag:s7] =	ssyncadd.s32 $0xFFFFFF80;
	(pc) =	sbr.rel @p0 .LBB2_1-.Ltmp1, $4  }
0x2b: {  	[hbm4b:s3+s8] =	stream.indirect.scatter [tilespmem:s8], [sflag:$0x1], $0x1, s2, s8, $0xb8;
	[tilespmem:$0x100] =	vst v63  }
0x2c: {  	_ =	swait.ge [sflag:s7], $0x80  }
0x2d: {  	[sflag:s7] =	ssyncset.done $0x0  }
0x2e: {  	[sflag:s7] =	ssyncadd.s32 $0xFFFFFF80  }
0x2f: {  	_ =	sfence.sel $0x180000  }
0x30: {  	[bflag:$0x0] =	sbarrier.arrive $0xFFFF  }
0x31: {  	p0 =	sne.s32 s1, $0x0;
	_ =	strace $0x90000047  }
0x32: {  	s0 =	sadd.s32 @!p0 $0x100000, s0;
	[bflag:$0x2] =	sbarrier.arrive $0xFFFF  }
0x33: {  	[sflag:s0] =	ssyncadd.tile.s32 @!p0 $0x1;
	_ =	shalt  }
.Lfunc_end2:
_tile_overlayer_lowered:
.L_overlay_start_2:
0x34: {  	(tag) =	ssettag $0x2  }
0x35: {  	s0 =	rddreg [dreg:$0x0];
	s2 =	stileid.u32  }
0x36: {  	s1 =	rddreg [dreg:$0x1];
	p0 =	sne.s32 s2, $0x0  }
0x37: {  	s3 =	rddreg [dreg:$0x2];
	[bflag:$0x3] =	sbarrier.arrive $0xFFFF;
	s2 =	simm.s32 @!p0 $0x1C01  }
0x38: {  	[timem:s3], [sflag:s2] =	dma.local @!p0 [hbm:s0], s1  }
0x39: {  	s0 =	simm.s32 @!p0 $0x1  }
0x3a: {  	_ =	swait.ge @!p0 [sflag:s0], s1  }
0x3b: {  	s1 =	ssub.s32 @!p0 $0x0, s1;
	[sflag:s0] =	ssyncset.done @!p0 $0x0  }
0x3c: {  	[sflag:s0] =	ssyncadd.s32 @!p0 s1  }
0x3d: {  	[bflag:$0x3] =	sbarrier.arrive $0xFFFF  }
0x3e: {  	_ =	shalt  }

// kernel: kernel.9.cloned.1.call-start
scs
__scs_entry_jumppad:
0x0: {  	(pc) =	sbr.rel $0x88, $3  }
0x1: {  	(tag) =	ssettag $0x0;
	lr =	simm.s32 $0x1  }
0x2: {  	[smem:$0x3F9D] =	sst lr;
	_ =	strace $0xD0000000  }
0x3: {  	_ = 	snop  }
0x4: {  	_ = 	snop  }
0x5: {  	_ = 	snop  }
0x6: {  	_ = 	snop  }
0x7: {  	_ = 	snop  }
__scs_overlays_trampoline_lowered:
0x8: {  	[smem:$0x3FAC] =	sst s0  }
0x9: {  	[smem:$0x3FAD] =	sst s1  }
0xa: {  	[smem:$0x3FAE] =	sst s2  }
0xb: {  	[smem:$0x3FAF] =	sst s3  }
0xc: {  	[smem:$0x3FB0] =	sst s4  }
0xd: {  	[smem:$0x3FB1] =	sst s5  }
0xe: {  	[smem:$0x3FB2] =	sst s6  }
0xf: {  	[smem:$0x3FB3] =	sst s7  }
0x10: {  	[smem:$0x3FB4] =	sst s8  }
0x11: {  	[smem:$0x3FB5] =	sst s9;
	s0 =	simm.s32 @!p0 $0x0  }
0x12: {  	s1 =	sld [smem:$0x3F9B];
	s0 =	simm.s32 @p0 $0x1  }
0x13: {  	[smem:$0x3FB6] =	sst s0;
	s0 =	simm.s32 @!p1 $0x0  }
0x14: {  	s2 =	sld [smem:$0x3F9A];
	s0 =	simm.s32 @p1 $0x1  }
0x15: {  	[smem:$0x3FB7] =	sst s0;
	s0 =	simm.s32 @!p2 $0x0  }
0x16: {  	s3 =	sld [smem:$0x3FDB];
	s0 =	simm.s32 @p2 $0x1  }
0x17: {  	s4 =	simm.s32 $0x1BF5;
	[smem:$0x3FB9] =	sst s0  }
0x18: {  	s0 =	sld [smem:$0x3F9C];
	_ =	swait.ge [sflag:s4], $0x0  }
0x19: {  	s7 =	sld [smem:$0x3F9D]  }
0x1a: {  	s8 =	sadd.s32 $0xFFFFE003, lr  }
0x1b: {  	s9 =	sadd.s32 $0xFFFFFEF7, lr;
	s5 =	simm.s32 $0xFFFFFFFF;
	p2 =	slt.u32 s8, $0xFFFFF086  }
0x1c: {  	p1 =	slt.u32 s9, $0xF7A;
	s5 =	simm.s32 @!p2 $0x0  }
0x1d: {  	s5 =	simm.s32 @p1 $0x1;
	p0 =	seq.s32 s7, s2  }
0x1e: {  	s7 =	smul.u32 @!p0 $0xF7A, s2;
	p2 =	seq.s32 @!p0 s5, $0x0  }
0x1f: {  	s9 =	smul.u32 $0xF7A, s1;
	s8 =	simm.s32 @!p0 $0x1BF5;
	p2 =	por !p2, p0  }
0x20: {  	[sflag:s8] =	ssyncset.s32 @!p0 $0xFFFFF086;
	s6 =	sadd.s32 @!p0 s3, s7;
	s7 =	simm.s32 @!p0 $0x108  }
0x21: {  	s3 =	sadd.s32 s3, s9;
	s6 =	sadd.s32 @!p0 $0x88, s6;
	s7 =	simm.s32 @p2 $0x1082  }
0x22: {  	[simem:s7], [sflag:s8] =	dma.local @!p0 [hbm:s6], $0xF7A  }
0x23: {  	s9 =	sor.u32 $0xD0000000, s2;
	s6 =	simm.s32 $0x108;
	_ =	swait.ge @!p0 [sflag:s8], $0x0  }
0x24: {  	s3 =	sadd.s32 $0x88, s3;
	s6 =	simm.s32 @!p1 $0x1082;
	[sflag:s4] =	ssyncset.s32 $0xFFFFF086  }
0x25: {  	[simem:s6], [sflag:s4] =	dma.local [hbm:s3], $0xF7A  }
0x26: {  	[smem:$0x3F9D] =	sst s1;
	(tag) =	ssettag s2;
	_ =	strace s9  }
0x27: {  	s1 =	sld [smem:$0x3FAD]  }
0x28: {  	s2 =	sld [smem:$0x3FAE]  }
0x29: {  	s4 =	sld [smem:$0x3FB0]  }
0x2a: {  	p0 =	seq.s32 s5, $0x0;
	s5 =	sld [smem:$0x3FB1]  }
0x2b: {  	s6 =	sld [smem:$0x3FB2]  }
0x2c: {  	s7 =	sld [smem:$0x3FB3]  }
0x2d: {  	s3 =	simm.s32 $0x108;
	s8 =	sld [smem:$0x3FB4]  }
0x2e: {  	s3 =	simm.s32 @!p0 $0x1082;
	s9 =	sld [smem:$0x3FB5]  }
0x2f: {  	lr =	sadd.s32 s0, s3;
	s0 =	sld [smem:$0x3FAC]  }
0x30: {  	s3 =	sld [smem:$0x3FAF]  }
0x31: {  	[smem:$0x3FB8] =	sst s10  }
0x32: {  	s10 =	sld [smem:$0x3FB6];
	_ =	sdelay $0x3  }
0x33: {  	p0 =	seq.s32 s10, $0x1;
	s10 =	sld [smem:$0x3FB8];
	_ =	sdelay $0x3  }
0x34: {  	[smem:$0x3FB8] =	sst s10  }
0x35: {  	s10 =	sld [smem:$0x3FB7];
	_ =	sdelay $0x3  }
0x36: {  	p1 =	seq.s32 s10, $0x1;
	s10 =	sld [smem:$0x3FB8];
	_ =	sdelay $0x3  }
0x37: {  	[smem:$0x3FB8] =	sst s10  }
0x38: {  	s10 =	sld [smem:$0x3FB9]  }
0x39: {  	_ = 	snop;
	(pc) =	sbr.ind lr, $3  }
0x3a: {  	_ = 	snop  }
0x3b: {  	_ = 	snop  }
0x3c: {  	p2 =	seq.s32 s10, $0x1;
	s10 =	sld [smem:$0x3FB8]  }
0x3d: {  	_ =	shalt  }
0x3e: {  	_ =	shalt  }
0x3f: {  	_ =	shalt  }
0x40: {  	_ =	shalt  }
0x41: {  	_ =	shalt  }
0x42: {  	_ =	shalt  }
0x43: {  	_ =	shalt  }
0x44: {  	_ =	shalt  }
0x45: {  	_ =	shalt  }
0x46: {  	_ =	shalt  }
0x47: {  	_ =	shalt  }
0x48: {  	_ =	shalt  }
0x49: {  	_ =	shalt  }
0x4a: {  	_ =	shalt  }
0x4b: {  	_ =	shalt  }
0x4c: {  	_ =	shalt  }
0x4d: {  	_ =	shalt  }
0x4e: {  	_ =	shalt  }
0x4f: {  	_ =	shalt  }
0x50: {  	_ =	shalt  }
0x51: {  	_ =	shalt  }
0x52: {  	_ =	shalt  }
0x53: {  	_ =	shalt  }
0x54: {  	_ =	shalt  }
0x55: {  	_ =	shalt  }
0x56: {  	_ =	shalt  }
0x57: {  	_ =	shalt  }
0x58: {  	_ =	shalt  }
0x59: {  	_ =	shalt  }
0x5a: {  	_ =	shalt  }
0x5b: {  	_ =	shalt  }
0x5c: {  	_ =	shalt  }
0x5d: {  	_ =	shalt  }
0x5e: {  	_ =	shalt  }
0x5f: {  	_ =	shalt  }
0x60: {  	_ =	shalt  }
0x61: {  	_ =	shalt  }
0x62: {  	_ =	shalt  }
0x63: {  	_ =	shalt  }
0x64: {  	_ =	shalt  }
0x65: {  	_ =	shalt  }
0x66: {  	_ =	shalt  }
0x67: {  	_ =	shalt  }
0x68: {  	_ =	shalt  }
0x69: {  	_ =	shalt  }
0x6a: {  	_ =	shalt  }
0x6b: {  	_ =	shalt  }
0x6c: {  	_ =	shalt  }
0x6d: {  	_ =	shalt  }
0x6e: {  	_ =	shalt  }
0x6f: {  	_ =	shalt  }
0x70: {  	_ =	shalt  }
0x71: {  	_ =	shalt  }
0x72: {  	_ =	shalt  }
0x73: {  	_ =	shalt  }
0x74: {  	_ =	shalt  }
0x75: {  	_ =	shalt  }
0x76: {  	_ =	shalt  }
0x77: {  	_ =	shalt  }
0x78: {  	_ =	shalt  }
0x79: {  	_ =	shalt  }
0x7a: {  	_ =	shalt  }
0x7b: {  	_ =	shalt  }
0x7c: {  	_ =	shalt  }
0x7d: {  	_ =	shalt  }
0x7e: {  	_ =	shalt  }
0x7f: {  	_ =	shalt  }
0x80: {  	_ =	shalt  }
0x81: {  	_ =	shalt  }
0x82: {  	_ =	shalt  }
0x83: {  	_ =	shalt  }
0x84: {  	_ =	shalt  }
0x85: {  	_ =	shalt  }
0x86: {  	_ =	shalt  }
0x87: {  	_ =	shalt  }
.Lfunc_end0:
.L_simem_size_0:
called_computation.1_lowered:
.L_overlay_start_0:
0x88: {  	s2 =	sld [smem:$0x3FD9]  }
0x89: {  	s3 =	sld [smem:$0x3FFE];
	_ =	sdelay $0x1  }
0x8a: {  	s1 =	srdreg.scid  }
0x8b: {  	s0 =	sand.u32 $0x1, s1  }
0x8c: {  	s17 =	sshll.u32 s0, $0xA;
	s2 =	sadd.s32 s3, s2  }
0x8d: {  	s2 =	sadd.s32 s2, s17  }
0x8e: {  	[smem:$0x3FC4] =	sst s2  }
0x8f: {  	_ = 	snop  }
0x90: {  	s2 =	sld [smem:$0x3FD0];
	(tm) =	ssettm $0x1  }
0x91: {  	s18 =	sld [smem:$0x3FFB];
	_ =	sdelay $0x3  }
0x92: {  	_ =	strace s18  }
0x93: {  	s3 =	sld [smem:$0x3FFC];
	_ =	sdelay $0x3  }
0x94: {  	_ =	strace s3  }
0x95: {  	s3 =	sld [smem:$0x3FFD];
	_ =	sdelay $0x3  }
0x96: {  	_ =	strace s3  }
0x97: {  	_ =	strace $0x8FFFFFFF  }
0x98: {  	s19 =	sld [smem:$0x3FDB];
	_ =	sdelay $0x1  }
0x99: {  	s4 =	simm.s32 $_scs_section_size  }
0x9a: {  	s5 =	simm.s32 $_size__tile_overlayer_lowered;
	s6 =	simm.s32 $_tile_overlayer_lowered  }
0x9b: {  	s22 =	simm.s32 $0x1BFF;
	s21 =	sshll.u32 s6, $0x1;
	s3 =	sadd.s32 s4, s19  }
0x9c: {  	s7 =	simm.s32 $0x0;
	s20 =	sshll.u32 s5, $0x1;
	s5 =	sadd.s32 s21, s3  }
0x9d: {  	[timem:s7], [sflag:s22] =	dma.local [hbm:s5], s20  }
0x9e: {  	_ =	swait.ge [sflag:s22], s20  }
0x9f: {  	s4 =	ssub.s32 $0x0, s20;
	[sflag:s22] =	ssyncset.done $0x0  }
0xa0: {  	[sflag:s22] =	ssyncadd.s32 s4;
	_ =	sdelay $0x1  }
0xa1: {  	s23 =	simm.s32 $0x1B8B  }
0xa2: {  	_ =	swait.ge [sflag:s23], $0x1  }
0xa3: {  	[sflag:s23] =	ssyncset.done $0x0  }
0xa4: {  	s25 =	simm.s32 $0x1B8E;
	s24 =	sld [smem:$0x3FFE];
	[sflag:s23] =	ssyncadd.s32 $0xFFFFFFFF  }
0xa5: {  	s26 =	simm.s32 $execute0_lowered;
	[smem:$0x3FD2] =	sst s25  }
0xa6: {  	s5 =	sshll.u32 s26, $0x1;
	_ =	strace $0x80000049;
	[dreg:$0x1] =	wrdreg $0xFFFFFFFF  }
0xa7: {  	s28 =	simm.s32 $_size_execute0_lowered;
	s3 =	sadd.s32 s3, s5;
	[dreg:$0x0] =	wrdreg $0x0  }
0xa8: {  	s5 =	sshll.u32 s28, $0x1;
	[dreg:$0x2] =	wrdreg s3  }
0xa9: {  	[dreg:$0x3] =	wrdreg s5  }
0xaa: {  	[dreg:$0x4] =	wrdreg $0xC0  }
0xab: {  	_ =	task [dreg:s7], $0x5FFFF  }
0xac: {  	[dreg:$0x1] =	wrdreg $0xFFFFFFFF  }
0xad: {  	[dreg:$0x0] =	wrdreg $0x60  }
0xae: {  	[dreg:$0x2] =	wrdreg s24  }
0xaf: {  	[dreg:$0x3] =	wrdreg s2  }
0xb0: {  	[dreg:$0x4] =	wrdreg $0x131800  }
0xb1: {  	[dreg:$0x5] =	wrdreg $0x9  }
0xb2: {  	_ =	task.clear_ibuf [dreg:s7], $0x6FFFF;
	_ =	strace $0x90000049  }
0xb3: {  	s29 =	simm.s32 $0x9;
	_ =	strace $0x8000004B  }
0xb4: {  	_ =	swait.ge [sflag:s29], $0x1  }
0xb5: {  	[sflag:s29] =	ssyncadd.s32 $0xFFFFFFFF  }
0xb6: {  	_ =	strace $0x9000004B  }
0xb7: {  	_ =	sfence  }
0xb8: {  	s30 =	sld [smem:$0x0];
	_ =	sdelay $0x2  }
0xb9: {  	s31 =	sshll.u32 s1, $0xD;
	s1 =	sshrl.u32 s1, $0x2  }
0xba: {  	s3 =	sand.u32 $0x4000, s31;
	s1 =	sadd.s32 s1, s30  }
0xbb: {  	s0 =	sor.u32 s3, s0;
	s1 =	sshll.u32 s1, $0x11  }
0xbc: {  	s0 =	sor.u32 s1, s0  }
0xbd: {  	s0 =	sadd.s32 $0x8F2B, s0  }
0xbe: {  	[sflag:s0] =	ssyncadd.remote.s32 $0x1  }
0xbf: {  	_ =	sfence.sel $0xFFFF  }
0xc0: {  	[dreg:$0x0] =	wrdreg $0xFFFFFFFF;
	(pc) =	sbr.abs _section_cstart, $3  }
0xc1: {  	[dreg:$0x1] =	wrdreg $0xFFFFFFFF  }
0xc2: {  	_ =	task.clear_ibuf [dreg:s7], $0x2FFFF;
	_ =	strace $0x9FFFFFFF  }
0xc3: {  	(tm) =	ssettm $0x7FFFFFFF  }
tec
execute0_lowered:
.L_overlay_start_1:
0x0: {  	(tag) =	ssettag $0x1  }
0x1: {  	s0 =	rddreg [dreg:$0x0]  }
0x2: {  	s1 =	rddreg [dreg:$0x1]  }
0x3: {  	s2 =	rddreg [dreg:$0x2]  }
0x4: {  	s3 =	simm.s32 $0x0;
	s16 =	stileid.u32;
	s17 =	srdreg.scid  }
0x5: {  	s28 =	simm.s32 $0x80;
	s29 =	simm.s32 $0xB180;
	s30 =	simm.s32 $0x1  }
0x6: {  	[smem:$0x7FF] =	sst s3;
	s4 =	sadd.s32 $0x1C00, s0;
	s5 =	sadd.s32 $0x5C00, s0  }
0x7: {  	s6 =	sadd.s32 $0xDC00, s0;
	s7 =	sadd.s32 $0x11C00, s0;
	s8 =	sadd.s32 $0x211C00, s0  }
0x8: {  	s9 =	sadd.s32 $0xA400, s0;
	s18 =	sshll.u32 s16, $0xC;
	s10 =	sadd.s32 $0x9C00, s0  }
0x9: {  	s13 =	sshll.u32 s16, $0x1;
	_ =	strace $0x8000004A;
	[dreg:$0x4] =	wrdreg s8  }
0xa: {  	s21 =	sshll.u32 s16, $0xF;
	s14 =	sshll.u32 s16, $0x6;
	[dreg:$0x5] =	wrdreg s9  }
0xb: {  	s16 =	sshll.u32 s16, $0xD;
	s8 =	sand.u32 $0x1, s17;
	[dreg:$0x6] =	wrdreg s10  }
0xc: {  	s19 =	sadd.s32 s18, s0;
	s9 =	sand.u32 $0xC000, s18;
	s15 =	sadd.s32 s21, s2  }
0xd: {  	v0 =	vimm.s32 $0xFEDCBA98;
	v1 =	vimm.s32 $0x76543210;
	v2 =	vimm.s32 $0x4;
	s21 =	simm.s32 $0x2;
	s11 =	ssub.s32 $0x2, s8;
	s0 =	sadd.s32 s9, s0  }
0xe: {  	v3 =	vimm.s32 $0x1;
	v4 =	vimm.s32 $0x5;
	v5 =	vimm.s32 $0x2;
	s13 =	sor.u32 s8, s13;
	s23 =	sshll.u32 s8, $0x10;
	s8 =	sshll.u32 s8, $0xC  }
0xf: {  	v6 =	vimm.s32 $0x6;
	v7 =	vimm.s32 $0x3;
	v8 =	vimm.s32 $0x7;
	s12 =	sshrl.u32 s11, $0x1;
	s22 =	sshll.u32 s13, $0x9;
	s10 =	sadd.s32 s23, s19  }
0x10: {  	v9 =	vlaneseq.u32;
	vm0 =	vcmask $0x704;
	vm1 =	vcmask $0xB08;
	s31 =	sor.u32 s8, s16;
	s20 =	ssub.s32 s11, s12;
	s11 =	sshll.u32 s13, $0xC  }
0x11: {  	vm2 =	vcmask $0xF0C;
	vm3 =	vcmask $0x1310;
	vm4 =	vcmask $0x1714;
	s12 =	sor.u32 $0x1C02, s14;
	s14 =	sadd.s32 s4, s22;
	s13 =	sshll.u32 s13, $0x4  }
0x12: {  	vm5 =	vcmask $0x1B18;
	vm6 =	vcmask $0x1F1C;
	v0 =	vunpack.c.l.s4.s8 v0;
	s24 =	sadd.s32 $0x212C00, s10;
	s25 =	sshrl.u32 s31, $0x3;
	[dreg:$0x7] =	wrdreg s14  }
0x13: {  	vm7 =	vcmask $0x2320;
	vm8 =	vcmask $0x2724;
	v1 =	vunpack.c.l.s4.s8 v1;
	s22 =	simm.s32 $0xF180;
	s13 =	sand.u32 $0x70, s13;
	[dreg:$0x8] =	wrdreg s24  }
0x14: {  	vm9 =	vcmask $0x2B28;
	vm10 =	vcmask $0x2F2C;
	v0 =	vunpack.c.0.s8.s32 v0;
	s26 =	smax.u32 s20, $0x1;
	s18 =	sadd.s32 s25, s5;
	s19 =	sadd.s32 s25, s4  }
0x15: {  	vm11 =	vcmask $0x3330;
	vm12 =	vcmask $0x3734;
	v1 =	vunpack.c.0.s8.s32 v1;
	s20 =	sshrl.u32 s15, $0x3;
	s24 =	simm.s32 $0x3180;
	s0 =	sadd.s32 s13, s0  }
0x16: {  	vm13 =	vcmask $0x3B38;
	vm14 =	vcmask $0x3F3C;
	v0 =	vand.u32 $0xF, v0;
	s25 =	simm.s32 $0x3000;
	[dreg:$0xa] =	wrdreg s26;
	s0 =	sadd.s32 $0x232C00, s0  }
0x17: {  	v10 =	vmul.u32 $0x80, v9;
	v0 =	vcombine.low v0, v1;
	v1 =	vimm.s32 $0x0;
	s26 =	simm.s32 $0x3080;
	[dreg:$0x9] =	wrdreg s0;
	s0 =	simm.s32 $0x0  }
.LBB2_1:
0x18: {  	s4 =	rddreg [dreg:$0x5]  }
0x19: {  	[spmem:s20], [sflag:s12] =	dma.local [hbm:s4], $0x1000  }
0x1a: {  	_ =	swait.ge [sflag:s21], $0x1000  }
0x1b: {  	[sflag:s21] =	ssyncset.done $0x0  }
0x1c: {  	s14 =	rddreg [dreg:$0x6];
	[sflag:s21] =	ssyncadd.s32 $0xFFFFF000  }
0x1d: {  	[tilespmem:s22], [sflag:$0x2] =	stream.linear.gather [hbm4b:s14+s3], $0x4000, $0x38;
	[tilespmem:$0x1B180] =	vst v63  }
0x1e: {  	_ =	swait.ge [sflag:s21], $0x4000  }
0x1f: {  	[sflag:s21] =	ssyncset.done $0x0  }
0x20: {  	s8 =	simm.s32 $0x2000;
	s15 =	rddreg [dreg:$0x7];
	[sflag:s21] =	ssyncadd.s32 $0xFFFFC000  }
0x21: {  	[tilespmem:s8], [sflag:$0x2] =	stream.linear.gather [hbm4b:s15+s3], $0x1000, $0x38;
	[tilespmem:$0x1B180] =	vst v63  }
0x22: {  	_ =	swait.ge [sflag:s21], $0x1000  }
0x23: {  	[sflag:s21] =	ssyncset.done $0x0  }
0x24: {  	s16 =	rddreg [dreg:$0x4];
	[sflag:s21] =	ssyncadd.s32 $0xFFFFF000  }
0x25: {  	[tilespmem:s24], [sflag:$0x2] =	stream.linear.gather [hbm4b:s16+s3], $0x8000, $0x38;
	[tilespmem:$0x1B180] =	vst v63  }
0x26: {  	_ =	swait.ge [sflag:s21], $0x8000  }
0x27: {  	[sflag:s21] =	ssyncset.done $0x0  }
0x28: {  	s17 =	sadd.s32 $0x0, s19;
	[sflag:s21] =	ssyncadd.s32 $0xFFFF8000  }
0x29: {  	[tilespmem:s3], [sflag:$0x2] =	stream.linear.gather [hbm4b:s17+s3], $0x80, $0x38;
	[tilespmem:$0x1B180] =	vst v63  }
0x2a: {  	_ =	swait.ge [sflag:s21], $0x80  }
0x2b: {  	s23 =	simm.s32 $0x1000;
	[sflag:s21] =	ssyncset.done $0x0  }
0x2c: {  	s9 =	sadd.s32 $0x0, s18;
	s13 =	simm.s32 $0x80;
	[sflag:s21] =	ssyncadd.s32 $0xFFFFFF80  }
0x2d: {  	[tilespmem:s23], [sflag:$0x2] =	stream.linear.gather [hbm4b:s9+s3], $0x80, $0x38;
	[tilespmem:$0x1B180] =	vst v63  }
0x2e: {  	s4 =	simm.s32 $0x10;
	s14 =	sadd.s32 $0x10, s19;
	_ =	swait.ge [sflag:s21], $0x80  }
0x2f: {  	s8 =	simm.s32 $0x1080;
	s9 =	simm.s32 $0x20;
	[sflag:s21] =	ssyncset.done $0x0  }
.LBB2_2:
0x30: {  	s15 =	sadd.s32 s9, s19  }
0x31: {  	s10 =	simm.s32 $0x0;
	[sflag:s21] =	ssyncadd.s32 $0xFFFFFF80;
	s16 =	smov.u32 s9  }
0x32: {  	[tilespmem:s13], [sflag:$0x2] =	stream.linear.gather [hbm4b:s14+s10], $0x80, $0x38;
	[tilespmem:$0x1B180] =	vst v63  }
0x33: {  	p0 =	sne.s32 s9, $0x1F0;
	s9 =	sadd.s32 $0x10, s9;
	_ =	swait.ge [sflag:s21], $0x80  }
.Ltmp0:
0x34: {  	s14 =	smov.u32 s15;
	[sflag:s21] =	ssyncset.done $0x0;
	(pc) =	sbr.rel @p0 .LBB2_2-.Ltmp0, $4  }
0x35: {  	s15 =	sadd.s32 s4, s18;
	s4 =	smov.u32 s16;
	[sflag:s21] =	ssyncadd.s32 $0xFFFFFF80  }
0x36: {  	[tilespmem:s8], [sflag:$0x2] =	stream.linear.gather [hbm4b:s15+s10], $0x80, $0x38;
	[tilespmem:$0x1B180] =	vst v63  }
0x37: {  	_ =	swait.ge [sflag:s21], $0x80  }
0x38: {  	s13 =	sadd.s32 $0x80, s13;
	s8 =	sadd.s32 $0x80, s8;
	[sflag:s21] =	ssyncset.done $0x0  }
0x39: {  	[sflag:s21] =	ssyncadd.s32 $0xFFFFFF80  }
0x3a: {  	[tilespmem:s13], [sflag:$0x2] =	stream.linear.gather [hbm4b:s14+s10], $0x80, $0x38;
	[tilespmem:$0x1B180] =	vst v63  }
0x3b: {  	_ =	swait.ge [sflag:s21], $0x80  }
0x3c: {  	[sflag:s21] =	ssyncset.done $0x0  }
0x3d: {  	s4 =	sadd.s32 s4, s18;
	p0 =	por $0x1, $0x1;
	[sflag:s21] =	ssyncadd.s32 $0xFFFFFF80  }
0x3e: {  	[tilespmem:s8], [sflag:$0x2] =	stream.linear.gather [hbm4b:s4+s10], $0x80, $0x38;
	[tilespmem:$0x1B180] =	vst v63  }
.Ltmp1:
0x3f: {  	_ = 	snop;
	(pc) =	sbr.rel @!p0 .LBB2_5-.Ltmp1, $4  }
0x40: {  	_ =	swait.ge [sflag:s21], $0x80  }
0x41: {  	[sflag:s21] =	ssyncset.done $0x0  }
0x42: {  	s23 =	simm.s32 $0x0;
	[sflag:s21] =	ssyncadd.s32 $0xFFFFFF80  }
0x43: {  	v11 =	vimm.f32 $-3.000000010e+38;
	s4 =	simm.s32 $0x40;
	v12 =	vld [tilespmem:s23+$0x3180]  }
.LBB2_4:
0x44: {  	p0 =	sne.s32 s4, $0x1FFC0  }
.Ltmp2:
0x45: {  	_ = 	snop;
	(pc) =	sbr.rel @p0 .LBB2_4-.Ltmp2, $3  }
0x46: {  	_ =	sdelay $0x1  }
0x47: {  	s8 =	sshra.s32 s4, $0x2;
	s4 =	sadd.s32 $0x40, s4;
	v11 =	vmax.f32 v11, v12  }
0x48: {  	v12 =	vld [tilespmem:s8+$0x3180]  }
.LBB2_5:
0x49: {  	_ =	sdelay $0x3  }
0x4a: {  	v11 =	vmax.f32 v11, v12  }
0x4b: {  	v12 =	vperm.xlane v11, v0;
	_ =	sdelay $0x1  }
0x4c: {  	v11 =	vmax.f32 v11, v12  }
0x4d: {  	v12 =	vperm.xlane v11, v1;
	v13 =	vperm.xlane v11, v2  }
0x4e: {  	v14 =	vperm.xlane v11, v3;
	v15 =	vperm.xlane v11, v4  }
0x4f: {  	v16 =	vperm.xlane v11, v5;
	v17 =	vperm.xlane v11, v6  }
0x50: {  	v18 =	vperm.xlane v11, v7;
	v11 =	vperm.xlane v11, v8  }
0x51: {  	v12 =	vadd.f32 v13, v12;
	v13 =	vadd.f32 v15, v14  }
0x52: {  	v14 =	vadd.f32 v17, v16;
	v15 =	vadd.f32 v11, v18  }
0x53: {  	v11 =	vmul.f32 $2.000000030e-01, v12;
	v63 =	vmul.f32 $2.000000030e-01, v13  }
0x54: {  	v17 =	vmul.f32 $2.000000030e-01, v14;
	v18 =	vmul.f32 $2.000000030e-01, v15  }
0x55: {  	[bflag:$0x0] =	sbarrier.arrive $0xFFFF;
	s4 =	simm.s32 $0x0;
	s15 =	simm.s32 $0x1000;
	v11 =	vmax.f32 v12, v11  }
0x56: {  	s14 =	smov.u32 s31;
	s13 =	simm.s32 $0x0;
	s9 =	simm.s32 $0x0;
	v12 =	vmax.f32 v13, v63;
	v13 =	vmax.f32 v14, v17;
	v14 =	vmax.f32 v15, v18  }
.LBB2_6:
0x57: {  	s8 =	sshll.u32 s9, $0x7  }
0x58: {  	s10 =	sor.u32 s11, s8  }
0x59: {  	s10 =	sshrl.u32 s10, $0x3  }
0x5a: {  	s16 =	sadd.s32 s5, s10  }
0x5b: {  	[tilespmem:s25], [sflag:$0x1] =	stream.linear.gather [hbm4b:s16+s4], $0x80, $0x38;
	[tilespmem:$0x1B180] =	vst v63  }
0x5c: {  	s10 =	sadd.s32 s6, s10  }
0x5d: {  	[tilespmem:s26], [sflag:$0x1] =	stream.linear.gather [hbm4b:s10+s4], $0x80, $0x38;
	[tilespmem:$0x1B180] =	vst v63  }
0x5e: {  	s8 =	sadd.s32 $0x2000, s8  }
0x5f: {  	[tilespmem:s29], [sflag:$0x1] =	stream.indirect.gather [hbm4b:s1+s28], $0x80, s8, s28, $0xb8;
	[tilespmem:$0x1B180] =	vst v63  }
0x60: {  	_ =	swait.ge [sflag:s30], $0x80  }
0x61: {  	[sflag:s30] =	ssyncset.done $0x0  }
0x62: {  	[sflag:s30] =	ssyncadd.s32 $0xFFFFFF80  }
0x63: {  	_ =	swait.ge [sflag:s30], $0x80  }
0x64: {  	[sflag:s30] =	ssyncset.done $0x0  }
0x65: {  	s10 =	simm.s32 $0x3100;
	[sflag:s30] =	ssyncadd.s32 $0xFFFFFF80  }
0x66: {  	[tilespmem:s10], [sflag:$0x1] =	stream.indirect.gather [hbm4b:s7+s28], $0x1, s26, s28, $0xb8;
	[tilespmem:$0x1B180] =	vst v63  }
0x67: {  	_ =	swait.ge [sflag:s30], $0x4000  }
0x68: {  	[sflag:s30] =	ssyncset.done $0x0  }
0x69: {  	[sflag:s30] =	ssyncadd.s32 $0xFFFFC000  }
0x6a: {  	_ =	swait.ge [sflag:s30], $0x80  }
0x6b: {  	s23 =	smov.u32 s15;
	[sflag:s30] =	ssyncset.done $0x0  }
0x6c: {  	s16 =	simm.s32 $0x0;
	s8 =	smov.u32 s13;
	[sflag:s30] =	ssyncadd.s32 $0xFFFFFF80  }
.LBB2_7:
0x6d: {  	v15 =	vld [tilespmem:s8+$0x0]  }
0x6e: {  	v18 =	vld [tilespmem:s23+$0x0];
	_ =	sdelay $0x4  }
0x6f: {  	v16 =	vshll.u32 v15, $0x3;
	v17 =	vshll.u32 v18, $0x3  }
0x70: {  	v15 =	vor.u32 $0x4, v17;
	_ =	sdelay $0x3  }
0x71: {  	v19 =	vld.idx.msk [tilespmem:v16+s24+$0x0], $0xffff  }
0x72: {  	v15 =	vld.idx.msk [tilespmem:v15+s24+$0x0], $0xffff;
	_ =	sdelay $0x4  }
0x73: {  	v15 =	vadd.f32 v15, v19;
	_ =	sdelay $0x1  }
0x74: {  	v19 =	vmul.f32 $2.000000030e-01, v15;
	_ =	sdelay $0x1  }
0x75: {  	v15 =	vmax.f32 v15, v19  }
0x76: {  	v15 =	vsub.f32 v15, v11;
	_ =	sdelay $0x1  }
0x77: {  	v15 =	vmul.f32 $1.442695020e+00, v15;
	_ =	sdelay $0x1  }
0x78: {  	(erf) = vpow2.f32 v15;
	_ =	sdelay $0x3  }
0x79: {  	v15 =	vld [tilespmem:s10+$0x0];
	_ =	sdelay $0x1  }
0x7a: {  	v18 =	vshll.u32 v18, $0x2  }
0x7b: {  	s17 =	sadd.s32 s16, s14  }
0x7c: {  	v51 =	vor.u32 s17, v9  }
0x7d: {  	vm15 =	veq.s32 v15, v51;
	v15 =	vpop (erf)  }
0x7e: {  	v19 =	vnsel vm15, $0x0, v15  }
0x7f: {  	[tilespmem:v18+s22+$0x0] =	vst.idx.add.f32.msk $0x1, v19  }
0x80: {  	[tilespmem:v18+s22+$0x0] =	vst.idx.add.f32.msk vm0, v19  }
0x81: {  	[tilespmem:v18+s22+$0x0] =	vst.idx.add.f32.msk vm1, v19  }
0x82: {  	[tilespmem:v18+s22+$0x0] =	vst.idx.add.f32.msk vm2, v19  }
0x83: {  	[tilespmem:v18+s22+$0x0] =	vst.idx.add.f32.msk vm3, v19  }
0x84: {  	[tilespmem:v18+s22+$0x0] =	vst.idx.add.f32.msk vm4, v19  }
0x85: {  	[tilespmem:v18+s22+$0x0] =	vst.idx.add.f32.msk vm5, v19  }
0x86: {  	[tilespmem:v18+s22+$0x0] =	vst.idx.add.f32.msk vm6, v19  }
0x87: {  	[tilespmem:v18+s22+$0x0] =	vst.idx.add.f32.msk vm7, v19  }
0x88: {  	v15 =	vmov s16;
	[tilespmem:v18+s22+$0x0] =	vst.idx.add.f32.msk vm8, v19  }
0x89: {  	v15 =	vshll.u32 v15, $0x7;
	[tilespmem:v18+s22+$0x0] =	vst.idx.add.f32.msk vm9, v19  }
0x8a: {  	v15 =	vor.u32 v10, v15;
	[tilespmem:v18+s22+$0x0] =	vst.idx.add.f32.msk vm10, v19  }
0x8b: {  	[tilespmem:v18+s22+$0x0] =	vst.idx.add.f32.msk vm11, v19  }
0x8c: {  	[tilespmem:v18+s22+$0x0] =	vst.idx.add.f32.msk vm12, v19  }
0x8d: {  	[tilespmem:v18+s22+$0x0] =	vst.idx.add.f32.msk vm13, v19  }
0x8e: {  	[tilespmem:v18+s22+$0x0] =	vst.idx.add.f32.msk vm14, v19  }
0x8f: {  	v20 =	vld.idx.msk [tilespmem:v15+s29+$0x0], $0xffff;
	_ =	sdelay $0x2  }
0x90: {  	v21 =	vor.u32 $0x1, v15;
	_ =	sdelay $0x1  }
0x91: {  	v20 =	vmul.f32 v20, v19;
	_ =	sdelay $0x1  }
0x92: {  	[tilespmem:v15+s29+$0x0] =	vst.idx.msk $0xffff, v20  }
0x93: {  	v20 =	vld.idx.msk [tilespmem:v21+s29+$0x0], $0xffff;
	_ =	sdelay $0x2  }
0x94: {  	v22 =	vor.u32 $0x2, v15;
	_ =	sdelay $0x1  }
0x95: {  	v20 =	vmul.f32 v20, v19;
	_ =	sdelay $0x1  }
0x96: {  	[tilespmem:v21+s29+$0x0] =	vst.idx.msk $0xffff, v20  }
0x97: {  	v20 =	vld.idx.msk [tilespmem:v22+s29+$0x0], $0xffff;
	_ =	sdelay $0x2  }
0x98: {  	v52 =	vor.u32 $0x3, v15;
	_ =	sdelay $0x1  }
0x99: {  	v20 =	vmul.f32 v20, v19;
	_ =	sdelay $0x1  }
0x9a: {  	[tilespmem:v22+s29+$0x0] =	vst.idx.msk $0xffff, v20  }
0x9b: {  	v20 =	vld.idx.msk [tilespmem:v52+s29+$0x0], $0xffff;
	_ =	sdelay $0x2  }
0x9c: {  	v53 =	vor.u32 $0x4, v15;
	_ =	sdelay $0x1  }
0x9d: {  	v20 =	vmul.f32 v20, v19;
	_ =	sdelay $0x1  }
0x9e: {  	[tilespmem:v52+s29+$0x0] =	vst.idx.msk $0xffff, v20  }
0x9f: {  	v20 =	vld.idx.msk [tilespmem:v53+s29+$0x0], $0xffff;
	_ =	sdelay $0x2  }
0xa0: {  	v54 =	vor.u32 $0x5, v15;
	_ =	sdelay $0x1  }
0xa1: {  	v20 =	vmul.f32 v20, v19;
	_ =	sdelay $0x1  }
0xa2: {  	[tilespmem:v53+s29+$0x0] =	vst.idx.msk $0xffff, v20  }
0xa3: {  	v20 =	vld.idx.msk [tilespmem:v54+s29+$0x0], $0xffff;
	_ =	sdelay $0x2  }
0xa4: {  	v55 =	vor.u32 $0x6, v15;
	_ =	sdelay $0x1  }
0xa5: {  	v20 =	vmul.f32 v20, v19;
	_ =	sdelay $0x1  }
0xa6: {  	[tilespmem:v54+s29+$0x0] =	vst.idx.msk $0xffff, v20  }
0xa7: {  	v20 =	vld.idx.msk [tilespmem:v55+s29+$0x0], $0xffff;
	_ =	sdelay $0x2  }
0xa8: {  	v56 =	vor.u32 $0x7, v15;
	_ =	sdelay $0x1  }
0xa9: {  	v20 =	vmul.f32 v20, v19;
	_ =	sdelay $0x1  }
0xaa: {  	[tilespmem:v55+s29+$0x0] =	vst.idx.msk $0xffff, v20  }
0xab: {  	v20 =	vld.idx.msk [tilespmem:v56+s29+$0x0], $0xffff;
	_ =	sdelay $0x2  }
0xac: {  	v57 =	vor.u32 $0x8, v15;
	_ =	sdelay $0x1  }
0xad: {  	v20 =	vmul.f32 v20, v19;
	_ =	sdelay $0x1  }
0xae: {  	[tilespmem:v56+s29+$0x0] =	vst.idx.msk $0xffff, v20  }
0xaf: {  	v20 =	vld.idx.msk [tilespmem:v57+s29+$0x0], $0xffff;
	_ =	sdelay $0x2  }
0xb0: {  	v58 =	vor.u32 $0x9, v15;
	_ =	sdelay $0x1  }
0xb1: {  	v20 =	vmul.f32 v20, v19;
	_ =	sdelay $0x1  }
0xb2: {  	[tilespmem:v57+s29+$0x0] =	vst.idx.msk $0xffff, v20  }
0xb3: {  	v20 =	vld.idx.msk [tilespmem:v58+s29+$0x0], $0xffff;
	_ =	sdelay $0x2  }
0xb4: {  	v59 =	vor.u32 $0xA, v15;
	_ =	sdelay $0x1  }
0xb5: {  	v20 =	vmul.f32 v20, v19;
	_ =	sdelay $0x1  }
0xb6: {  	[tilespmem:v58+s29+$0x0] =	vst.idx.msk $0xffff, v20  }
0xb7: {  	v20 =	vld.idx.msk [tilespmem:v59+s29+$0x0], $0xffff;
	_ =	sdelay $0x2  }
0xb8: {  	v60 =	vor.u32 $0xB, v15;
	_ =	sdelay $0x1  }
0xb9: {  	v20 =	vmul.f32 v20, v19;
	_ =	sdelay $0x1  }
0xba: {  	[tilespmem:v59+s29+$0x0] =	vst.idx.msk $0xffff, v20  }
0xbb: {  	v20 =	vld.idx.msk [tilespmem:v60+s29+$0x0], $0xffff;
	_ =	sdelay $0x2  }
0xbc: {  	v61 =	vor.u32 $0xC, v15;
	_ =	sdelay $0x1  }
0xbd: {  	v20 =	vmul.f32 v20, v19;
	_ =	sdelay $0x1  }
0xbe: {  	[tilespmem:v60+s29+$0x0] =	vst.idx.msk $0xffff, v20  }
0xbf: {  	v20 =	vld.idx.msk [tilespmem:v61+s29+$0x0], $0xffff;
	_ =	sdelay $0x2  }
0xc0: {  	v62 =	vor.u32 $0xD, v15;
	_ =	sdelay $0x1  }
0xc1: {  	v20 =	vmul.f32 v20, v19;
	_ =	sdelay $0x1  }
0xc2: {  	[tilespmem:v61+s29+$0x0] =	vst.idx.msk $0xffff, v20  }
0xc3: {  	v20 =	vld.idx.msk [tilespmem:v62+s29+$0x0], $0xffff;
	_ =	sdelay $0x2  }
0xc4: {  	v63 =	vor.u32 $0xE, v15;
	_ =	sdelay $0x1  }
0xc5: {  	v20 =	vmul.f32 v20, v19;
	_ =	sdelay $0x1  }
0xc6: {  	[tilespmem:v62+s29+$0x0] =	vst.idx.msk $0xffff, v20  }
0xc7: {  	v20 =	vld.idx.msk [tilespmem:v63+s29+$0x0], $0xffff;
	_ =	sdelay $0x2  }
0xc8: {  	v24 =	vor.u32 $0xF, v15;
	_ =	sdelay $0x1  }
0xc9: {  	v20 =	vmul.f32 v20, v19;
	_ =	sdelay $0x1  }
0xca: {  	[tilespmem:v63+s29+$0x0] =	vst.idx.msk $0xffff, v20  }
0xcb: {  	v20 =	vld.idx.msk [tilespmem:v24+s29+$0x0], $0xffff;
	_ =	sdelay $0x2  }
0xcc: {  	v25 =	vor.u32 $0x10, v15;
	_ =	sdelay $0x1  }
0xcd: {  	v20 =	vmul.f32 v20, v19;
	_ =	sdelay $0x1  }
0xce: {  	[tilespmem:v24+s29+$0x0] =	vst.idx.msk $0xffff, v20  }
0xcf: {  	v20 =	vld.idx.msk [tilespmem:v25+s29+$0x0], $0xffff;
	_ =	sdelay $0x2  }
0xd0: {  	v26 =	vor.u32 $0x11, v15;
	_ =	sdelay $0x1  }
0xd1: {  	v20 =	vmul.f32 v20, v19;
	_ =	sdelay $0x1  }
0xd2: {  	[tilespmem:v25+s29+$0x0] =	vst.idx.msk $0xffff, v20  }
0xd3: {  	v20 =	vld.idx.msk [tilespmem:v26+s29+$0x0], $0xffff;
	_ =	sdelay $0x2  }
0xd4: {  	v27 =	vor.u32 $0x12, v15;
	_ =	sdelay $0x1  }
0xd5: {  	v20 =	vmul.f32 v20, v19;
	_ =	sdelay $0x1  }
0xd6: {  	[tilespmem:v26+s29+$0x0] =	vst.idx.msk $0xffff, v20  }
0xd7: {  	v20 =	vld.idx.msk [tilespmem:v27+s29+$0x0], $0xffff;
	_ =	sdelay $0x2  }
0xd8: {  	v28 =	vor.u32 $0x13, v15;
	_ =	sdelay $0x1  }
0xd9: {  	v20 =	vmul.f32 v20, v19;
	_ =	sdelay $0x1  }
0xda: {  	[tilespmem:v27+s29+$0x0] =	vst.idx.msk $0xffff, v20  }
0xdb: {  	v20 =	vld.idx.msk [tilespmem:v28+s29+$0x0], $0xffff;
	_ =	sdelay $0x2  }
0xdc: {  	v29 =	vor.u32 $0x14, v15;
	_ =	sdelay $0x1  }
0xdd: {  	v20 =	vmul.f32 v20, v19;
	_ =	sdelay $0x1  }
0xde: {  	[tilespmem:v28+s29+$0x0] =	vst.idx.msk $0xffff, v20  }
0xdf: {  	v20 =	vld.idx.msk [tilespmem:v29+s29+$0x0], $0xffff;
	_ =	sdelay $0x2  }
0xe0: {  	v30 =	vor.u32 $0x15, v15;
	_ =	sdelay $0x1  }
0xe1: {  	v20 =	vmul.f32 v20, v19;
	_ =	sdelay $0x1  }
0xe2: {  	[tilespmem:v29+s29+$0x0] =	vst.idx.msk $0xffff, v20  }
0xe3: {  	v20 =	vld.idx.msk [tilespmem:v30+s29+$0x0], $0xffff;
	_ =	sdelay $0x2  }
0xe4: {  	v31 =	vor.u32 $0x16, v15;
	_ =	sdelay $0x1  }
0xe5: {  	v20 =	vmul.f32 v20, v19;
	_ =	sdelay $0x1  }
0xe6: {  	[tilespmem:v30+s29+$0x0] =	vst.idx.msk $0xffff, v20  }
0xe7: {  	v20 =	vld.idx.msk [tilespmem:v31+s29+$0x0], $0xffff;
	_ =	sdelay $0x2  }
0xe8: {  	v32 =	vor.u32 $0x17, v15;
	_ =	sdelay $0x1  }
0xe9: {  	v20 =	vmul.f32 v20, v19;
	_ =	sdelay $0x1  }
0xea: {  	[tilespmem:v31+s29+$0x0] =	vst.idx.msk $0xffff, v20  }
0xeb: {  	v20 =	vld.idx.msk [tilespmem:v32+s29+$0x0], $0xffff;
	_ =	sdelay $0x2  }
0xec: {  	v33 =	vor.u32 $0x18, v15;
	_ =	sdelay $0x1  }
0xed: {  	v20 =	vmul.f32 v20, v19;
	_ =	sdelay $0x1  }
0xee: {  	[tilespmem:v32+s29+$0x0] =	vst.idx.msk $0xffff, v20  }
0xef: {  	v20 =	vld.idx.msk [tilespmem:v33+s29+$0x0], $0xffff;
	_ =	sdelay $0x2  }
0xf0: {  	v34 =	vor.u32 $0x19, v15;
	_ =	sdelay $0x1  }
0xf1: {  	v20 =	vmul.f32 v20, v19;
	_ =	sdelay $0x1  }
0xf2: {  	[tilespmem:v33+s29+$0x0] =	vst.idx.msk $0xffff, v20  }
0xf3: {  	v20 =	vld.idx.msk [tilespmem:v34+s29+$0x0], $0xffff;
	_ =	sdelay $0x2  }
0xf4: {  	v35 =	vor.u32 $0x1A, v15;
	_ =	sdelay $0x1  }
0xf5: {  	v20 =	vmul.f32 v20, v19;
	_ =	sdelay $0x1  }
0xf6: {  	[tilespmem:v34+s29+$0x0] =	vst.idx.msk $0xffff, v20  }
0xf7: {  	v20 =	vld.idx.msk [tilespmem:v35+s29+$0x0], $0xffff;
	_ =	sdelay $0x2  }
0xf8: {  	v36 =	vor.u32 $0x1B, v15;
	_ =	sdelay $0x1  }
0xf9: {  	v20 =	vmul.f32 v20, v19;
	_ =	sdelay $0x1  }
0xfa: {  	[tilespmem:v35+s29+$0x0] =	vst.idx.msk $0xffff, v20  }
0xfb: {  	v20 =	vld.idx.msk [tilespmem:v36+s29+$0x0], $0xffff;
	_ =	sdelay $0x2  }
0xfc: {  	v37 =	vor.u32 $0x1C, v15;
	_ =	sdelay $0x1  }
0xfd: {  	v20 =	vmul.f32 v20, v19;
	_ =	sdelay $0x1  }
0xfe: {  	[tilespmem:v36+s29+$0x0] =	vst.idx.msk $0xffff, v20  }
0xff: {  	v20 =	vld.idx.msk [tilespmem:v37+s29+$0x0], $0xffff;
	_ =	sdelay $0x2  }
0x100: {  	v38 =	vor.u32 $0x1D, v15;
	_ =	sdelay $0x1  }
0x101: {  	v20 =	vmul.f32 v20, v19;
	_ =	sdelay $0x1  }
0x102: {  	[tilespmem:v37+s29+$0x0] =	vst.idx.msk $0xffff, v20  }
0x103: {  	v20 =	vld.idx.msk [tilespmem:v38+s29+$0x0], $0xffff;
	_ =	sdelay $0x2  }
0x104: {  	v39 =	vor.u32 $0x1E, v15;
	_ =	sdelay $0x1  }
0x105: {  	v20 =	vmul.f32 v20, v19;
	_ =	sdelay $0x1  }
0x106: {  	[tilespmem:v38+s29+$0x0] =	vst.idx.msk $0xffff, v20  }
0x107: {  	v20 =	vld.idx.msk [tilespmem:v39+s29+$0x0], $0xffff;
	_ =	sdelay $0x2  }
0x108: {  	v40 =	vor.u32 $0x1F, v15;
	_ =	sdelay $0x1  }
0x109: {  	v20 =	vmul.f32 v20, v19;
	_ =	sdelay $0x1  }
0x10a: {  	[tilespmem:v39+s29+$0x0] =	vst.idx.msk $0xffff, v20  }
0x10b: {  	v20 =	vld.idx.msk [tilespmem:v40+s29+$0x0], $0xffff;
	_ =	sdelay $0x2  }
0x10c: {  	v41 =	vor.u32 $0x1, v16  }
0x10d: {  	v23 =	vor.u32 $0x5, v17  }
0x10e: {  	v19 =	vmul.f32 v20, v19;
	_ =	sdelay $0x1  }
0x10f: {  	[tilespmem:v40+s29+$0x0] =	vst.idx.msk $0xffff, v19  }
0x110: {  	v19 =	vld.idx.msk [tilespmem:v41+s24+$0x0], $0xffff  }
0x111: {  	v42 =	vld.idx.msk [tilespmem:v23+s24+$0x0], $0xffff;
	_ =	sdelay $0x4  }
0x112: {  	v19 =	vadd.f32 v42, v19;
	_ =	sdelay $0x1  }
0x113: {  	v20 =	vmul.f32 $2.000000030e-01, v19;
	_ =	sdelay $0x1  }
0x114: {  	v19 =	vmax.f32 v19, v20  }
0x115: {  	v19 =	vsub.f32 v19, v12;
	_ =	sdelay $0x1  }
0x116: {  	v19 =	vmul.f32 $1.442695020e+00, v19;
	_ =	sdelay $0x1  }
0x117: {  	(erf) = vpow2.f32 v19;
	_ =	sdelay $0x5  }
0x118: {  	v43 =	vor.u32 $0x1, v18;
	_ =	sdelay $0x2  }
0x119: {  	v19 =	vpop (erf)  }
0x11a: {  	v19 =	vnsel vm15, $0x0, v19  }
0x11b: {  	[tilespmem:v43+s22+$0x0] =	vst.idx.add.f32.msk $0x1, v19  }
0x11c: {  	[tilespmem:v43+s22+$0x0] =	vst.idx.add.f32.msk vm0, v19  }
0x11d: {  	[tilespmem:v43+s22+$0x0] =	vst.idx.add.f32.msk vm1, v19  }
0x11e: {  	[tilespmem:v43+s22+$0x0] =	vst.idx.add.f32.msk vm2, v19  }
0x11f: {  	[tilespmem:v43+s22+$0x0] =	vst.idx.add.f32.msk vm3, v19  }
0x120: {  	[tilespmem:v43+s22+$0x0] =	vst.idx.add.f32.msk vm4, v19  }
0x121: {  	[tilespmem:v43+s22+$0x0] =	vst.idx.add.f32.msk vm5, v19  }
0x122: {  	[tilespmem:v43+s22+$0x0] =	vst.idx.add.f32.msk vm6, v19  }
0x123: {  	[tilespmem:v43+s22+$0x0] =	vst.idx.add.f32.msk vm7, v19  }
0x124: {  	[tilespmem:v43+s22+$0x0] =	vst.idx.add.f32.msk vm8, v19  }
0x125: {  	[tilespmem:v43+s22+$0x0] =	vst.idx.add.f32.msk vm9, v19  }
0x126: {  	v44 =	vor.u32 $0x20, v15;
	[tilespmem:v43+s22+$0x0] =	vst.idx.add.f32.msk vm10, v19  }
0x127: {  	[tilespmem:v43+s22+$0x0] =	vst.idx.add.f32.msk vm11, v19  }
0x128: {  	[tilespmem:v43+s22+$0x0] =	vst.idx.add.f32.msk vm12, v19  }
0x129: {  	[tilespmem:v43+s22+$0x0] =	vst.idx.add.f32.msk vm13, v19  }
0x12a: {  	[tilespmem:v43+s22+$0x0] =	vst.idx.add.f32.msk vm14, v19  }
0x12b: {  	v20 =	vld.idx.msk [tilespmem:v44+s29+$0x0], $0xffff;
	_ =	sdelay $0x2  }
0x12c: {  	v45 =	vor.u32 $0x21, v15;
	_ =	sdelay $0x1  }
0x12d: {  	v20 =	vmul.f32 v20, v19;
	_ =	sdelay $0x1  }
0x12e: {  	[tilespmem:v44+s29+$0x0] =	vst.idx.msk $0xffff, v20  }
0x12f: {  	v20 =	vld.idx.msk [tilespmem:v45+s29+$0x0], $0xffff;
	_ =	sdelay $0x2  }
0x130: {  	v46 =	vor.u32 $0x22, v15;
	_ =	sdelay $0x1  }
0x131: {  	v20 =	vmul.f32 v20, v19;
	_ =	sdelay $0x1  }
0x132: {  	[tilespmem:v45+s29+$0x0] =	vst.idx.msk $0xffff, v20  }
0x133: {  	v20 =	vld.idx.msk [tilespmem:v46+s29+$0x0], $0xffff;
	_ =	sdelay $0x2  }
0x134: {  	v47 =	vor.u32 $0x23, v15;
	_ =	sdelay $0x1  }
0x135: {  	v20 =	vmul.f32 v20, v19;
	_ =	sdelay $0x1  }
0x136: {  	[tilespmem:v46+s29+$0x0] =	vst.idx.msk $0xffff, v20  }
0x137: {  	v20 =	vld.idx.msk [tilespmem:v47+s29+$0x0], $0xffff;
	_ =	sdelay $0x2  }
0x138: {  	v48 =	vor.u32 $0x24, v15;
	_ =	sdelay $0x1  }
0x139: {  	v20 =	vmul.f32 v20, v19;
	_ =	sdelay $0x1  }
0x13a: {  	[tilespmem:v47+s29+$0x0] =	vst.idx.msk $0xffff, v20  }
0x13b: {  	v20 =	vld.idx.msk [tilespmem:v48+s29+$0x0], $0xffff;
	_ =	sdelay $0x2  }
0x13c: {  	v49 =	vor.u32 $0x25, v15;
	_ =	sdelay $0x1  }
0x13d: {  	v20 =	vmul.f32 v20, v19;
	_ =	sdelay $0x1  }
0x13e: {  	[tilespmem:v48+s29+$0x0] =	vst.idx.msk $0xffff, v20  }
0x13f: {  	v20 =	vld.idx.msk [tilespmem:v49+s29+$0x0], $0xffff;
	_ =	sdelay $0x2  }
0x140: {  	v50 =	vor.u32 $0x26, v15;
	_ =	sdelay $0x1  }
0x141: {  	v20 =	vmul.f32 v20, v19;
	_ =	sdelay $0x1  }
0x142: {  	[tilespmem:v49+s29+$0x0] =	vst.idx.msk $0xffff, v20  }
0x143: {  	v20 =	vld.idx.msk [tilespmem:v50+s29+$0x0], $0xffff;
	_ =	sdelay $0x2  }
0x144: {  	v51 =	vor.u32 $0x27, v15;
	_ =	sdelay $0x1  }
0x145: {  	v20 =	vmul.f32 v20, v19;
	_ =	sdelay $0x1  }
0x146: {  	[tilespmem:v50+s29+$0x0] =	vst.idx.msk $0xffff, v20  }
0x147: {  	v20 =	vld.idx.msk [tilespmem:v51+s29+$0x0], $0xffff;
	_ =	sdelay $0x2  }
0x148: {  	v52 =	vor.u32 $0x28, v15;
	_ =	sdelay $0x1  }
0x149: {  	v20 =	vmul.f32 v20, v19;
	_ =	sdelay $0x1  }
0x14a: {  	[tilespmem:v51+s29+$0x0] =	vst.idx.msk $0xffff, v20  }
0x14b: {  	v20 =	vld.idx.msk [tilespmem:v52+s29+$0x0], $0xffff;
	_ =	sdelay $0x2  }
0x14c: {  	v53 =	vor.u32 $0x29, v15;
	_ =	sdelay $0x1  }
0x14d: {  	v20 =	vmul.f32 v20, v19;
	_ =	sdelay $0x1  }
0x14e: {  	[tilespmem:v52+s29+$0x0] =	vst.idx.msk $0xffff, v20  }
0x14f: {  	v20 =	vld.idx.msk [tilespmem:v53+s29+$0x0], $0xffff;
	_ =	sdelay $0x2  }
0x150: {  	v54 =	vor.u32 $0x2A, v15;
	_ =	sdelay $0x1  }
0x151: {  	v20 =	vmul.f32 v20, v19;
	_ =	sdelay $0x1  }
0x152: {  	[tilespmem:v53+s29+$0x0] =	vst.idx.msk $0xffff, v20  }
0x153: {  	v20 =	vld.idx.msk [tilespmem:v54+s29+$0x0], $0xffff;
	_ =	sdelay $0x2  }
0x154: {  	v55 =	vor.u32 $0x2B, v15;
	_ =	sdelay $0x1  }
0x155: {  	v20 =	vmul.f32 v20, v19;
	_ =	sdelay $0x1  }
0x156: {  	[tilespmem:v54+s29+$0x0] =	vst.idx.msk $0xffff, v20  }
0x157: {  	v20 =	vld.idx.msk [tilespmem:v55+s29+$0x0], $0xffff;
	_ =	sdelay $0x2  }
0x158: {  	v56 =	vor.u32 $0x2C, v15;
	_ =	sdelay $0x1  }
0x159: {  	v20 =	vmul.f32 v20, v19;
	_ =	sdelay $0x1  }
0x15a: {  	[tilespmem:v55+s29+$0x0] =	vst.idx.msk $0xffff, v20  }
0x15b: {  	v20 =	vld.idx.msk [tilespmem:v56+s29+$0x0], $0xffff;
	_ =	sdelay $0x2  }
0x15c: {  	v57 =	vor.u32 $0x2D, v15;
	_ =	sdelay $0x1  }
0x15d: {  	v20 =	vmul.f32 v20, v19;
	_ =	sdelay $0x1  }
0x15e: {  	[tilespmem:v56+s29+$0x0] =	vst.idx.msk $0xffff, v20  }
0x15f: {  	v20 =	vld.idx.msk [tilespmem:v57+s29+$0x0], $0xffff;
	_ =	sdelay $0x2  }
0x160: {  	v58 =	vor.u32 $0x2E, v15;
	_ =	sdelay $0x1  }
0x161: {  	v20 =	vmul.f32 v20, v19;
	_ =	sdelay $0x1  }
0x162: {  	[tilespmem:v57+s29+$0x0] =	vst.idx.msk $0xffff, v20  }
0x163: {  	v20 =	vld.idx.msk [tilespmem:v58+s29+$0x0], $0xffff;
	_ =	sdelay $0x2  }
0x164: {  	v59 =	vor.u32 $0x2F, v15;
	_ =	sdelay $0x1  }
0x165: {  	v20 =	vmul.f32 v20, v19;
	_ =	sdelay $0x1  }
0x166: {  	[tilespmem:v58+s29+$0x0] =	vst.idx.msk $0xffff, v20  }
0x167: {  	v20 =	vld.idx.msk [tilespmem:v59+s29+$0x0], $0xffff;
	_ =	sdelay $0x2  }
0x168: {  	v60 =	vor.u32 $0x30, v15;
	_ =	sdelay $0x1  }
0x169: {  	v20 =	vmul.f32 v20, v19;
	_ =	sdelay $0x1  }
0x16a: {  	[tilespmem:v59+s29+$0x0] =	vst.idx.msk $0xffff, v20  }
0x16b: {  	v20 =	vld.idx.msk [tilespmem:v60+s29+$0x0], $0xffff;
	_ =	sdelay $0x2  }
0x16c: {  	v61 =	vor.u32 $0x31, v15;
	_ =	sdelay $0x1  }
0x16d: {  	v20 =	vmul.f32 v20, v19;
	_ =	sdelay $0x1  }
0x16e: {  	[tilespmem:v60+s29+$0x0] =	vst.idx.msk $0xffff, v20  }
0x16f: {  	v20 =	vld.idx.msk [tilespmem:v61+s29+$0x0], $0xffff;
	_ =	sdelay $0x2  }
0x170: {  	v62 =	vor.u32 $0x32, v15;
	_ =	sdelay $0x1  }
0x171: {  	v20 =	vmul.f32 v20, v19;
	_ =	sdelay $0x1  }
0x172: {  	[tilespmem:v61+s29+$0x0] =	vst.idx.msk $0xffff, v20  }
0x173: {  	v20 =	vld.idx.msk [tilespmem:v62+s29+$0x0], $0xffff;
	_ =	sdelay $0x2  }
0x174: {  	v63 =	vor.u32 $0x33, v15;
	_ =	sdelay $0x1  }
0x175: {  	v20 =	vmul.f32 v20, v19;
	_ =	sdelay $0x1  }
0x176: {  	[tilespmem:v62+s29+$0x0] =	vst.idx.msk $0xffff, v20  }
0x177: {  	v20 =	vld.idx.msk [tilespmem:v63+s29+$0x0], $0xffff;
	_ =	sdelay $0x2  }
0x178: {  	v24 =	vor.u32 $0x34, v15;
	_ =	sdelay $0x1  }
0x179: {  	v20 =	vmul.f32 v20, v19;
	_ =	sdelay $0x1  }
0x17a: {  	[tilespmem:v63+s29+$0x0] =	vst.idx.msk $0xffff, v20  }
0x17b: {  	v20 =	vld.idx.msk [tilespmem:v24+s29+$0x0], $0xffff;
	_ =	sdelay $0x2  }
0x17c: {  	v25 =	vor.u32 $0x35, v15;
	_ =	sdelay $0x1  }
0x17d: {  	v20 =	vmul.f32 v20, v19;
	_ =	sdelay $0x1  }
0x17e: {  	[tilespmem:v24+s29+$0x0] =	vst.idx.msk $0xffff, v20  }
0x17f: {  	v20 =	vld.idx.msk [tilespmem:v25+s29+$0x0], $0xffff;
	_ =	sdelay $0x2  }
0x180: {  	v26 =	vor.u32 $0x36, v15;
	_ =	sdelay $0x1  }
0x181: {  	v20 =	vmul.f32 v20, v19;
	_ =	sdelay $0x1  }
0x182: {  	[tilespmem:v25+s29+$0x0] =	vst.idx.msk $0xffff, v20  }
0x183: {  	v20 =	vld.idx.msk [tilespmem:v26+s29+$0x0], $0xffff;
	_ =	sdelay $0x2  }
0x184: {  	v27 =	vor.u32 $0x37, v15;
	_ =	sdelay $0x1  }
0x185: {  	v20 =	vmul.f32 v20, v19;
	_ =	sdelay $0x1  }
0x186: {  	[tilespmem:v26+s29+$0x0] =	vst.idx.msk $0xffff, v20  }
0x187: {  	v20 =	vld.idx.msk [tilespmem:v27+s29+$0x0], $0xffff;
	_ =	sdelay $0x2  }
0x188: {  	v28 =	vor.u32 $0x38, v15;
	_ =	sdelay $0x1  }
0x189: {  	v20 =	vmul.f32 v20, v19;
	_ =	sdelay $0x1  }
0x18a: {  	[tilespmem:v27+s29+$0x0] =	vst.idx.msk $0xffff, v20  }
0x18b: {  	v20 =	vld.idx.msk [tilespmem:v28+s29+$0x0], $0xffff;
	_ =	sdelay $0x2  }
0x18c: {  	v29 =	vor.u32 $0x39, v15;
	_ =	sdelay $0x1  }
0x18d: {  	v20 =	vmul.f32 v20, v19;
	_ =	sdelay $0x1  }
0x18e: {  	[tilespmem:v28+s29+$0x0] =	vst.idx.msk $0xffff, v20  }
0x18f: {  	v20 =	vld.idx.msk [tilespmem:v29+s29+$0x0], $0xffff;
	_ =	sdelay $0x2  }
0x190: {  	v30 =	vor.u32 $0x3A, v15;
	_ =	sdelay $0x1  }
0x191: {  	v20 =	vmul.f32 v20, v19;
	_ =	sdelay $0x1  }
0x192: {  	[tilespmem:v29+s29+$0x0] =	vst.idx.msk $0xffff, v20  }
0x193: {  	v20 =	vld.idx.msk [tilespmem:v30+s29+$0x0], $0xffff;
	_ =	sdelay $0x2  }
0x194: {  	v31 =	vor.u32 $0x3B, v15;
	_ =	sdelay $0x1  }
0x195: {  	v20 =	vmul.f32 v20, v19;
	_ =	sdelay $0x1  }
0x196: {  	[tilespmem:v30+s29+$0x0] =	vst.idx.msk $0xffff, v20  }
0x197: {  	v20 =	vld.idx.msk [tilespmem:v31+s29+$0x0], $0xffff;
	_ =	sdelay $0x2  }
0x198: {  	v32 =	vor.u32 $0x3C, v15;
	_ =	sdelay $0x1  }
0x199: {  	v20 =	vmul.f32 v20, v19;
	_ =	sdelay $0x1  }
0x19a: {  	[tilespmem:v31+s29+$0x0] =	vst.idx.msk $0xffff, v20  }
0x19b: {  	v20 =	vld.idx.msk [tilespmem:v32+s29+$0x0], $0xffff;
	_ =	sdelay $0x2  }
0x19c: {  	v33 =	vor.u32 $0x3D, v15;
	_ =	sdelay $0x1  }
0x19d: {  	v20 =	vmul.f32 v20, v19;
	_ =	sdelay $0x1  }
0x19e: {  	[tilespmem:v32+s29+$0x0] =	vst.idx.msk $0xffff, v20  }
0x19f: {  	v20 =	vld.idx.msk [tilespmem:v33+s29+$0x0], $0xffff;
	_ =	sdelay $0x2  }
0x1a0: {  	v34 =	vor.u32 $0x3E, v15;
	_ =	sdelay $0x1  }
0x1a1: {  	v20 =	vmul.f32 v20, v19;
	_ =	sdelay $0x1  }
0x1a2: {  	[tilespmem:v33+s29+$0x0] =	vst.idx.msk $0xffff, v20  }
0x1a3: {  	v20 =	vld.idx.msk [tilespmem:v34+s29+$0x0], $0xffff;
	_ =	sdelay $0x2  }
0x1a4: {  	v35 =	vor.u32 $0x3F, v15;
	_ =	sdelay $0x1  }
0x1a5: {  	v20 =	vmul.f32 v20, v19;
	_ =	sdelay $0x1  }
0x1a6: {  	[tilespmem:v34+s29+$0x0] =	vst.idx.msk $0xffff, v20  }
0x1a7: {  	v20 =	vld.idx.msk [tilespmem:v35+s29+$0x0], $0xffff;
	_ =	sdelay $0x2  }
0x1a8: {  	v36 =	vor.u32 $0x2, v16  }
0x1a9: {  	v37 =	vor.u32 $0x6, v17  }
0x1aa: {  	v19 =	vmul.f32 v20, v19;
	_ =	sdelay $0x1  }
0x1ab: {  	[tilespmem:v35+s29+$0x0] =	vst.idx.msk $0xffff, v19  }
0x1ac: {  	v19 =	vld.idx.msk [tilespmem:v36+s24+$0x0], $0xffff  }
0x1ad: {  	v38 =	vld.idx.msk [tilespmem:v37+s24+$0x0], $0xffff;
	_ =	sdelay $0x4  }
0x1ae: {  	v19 =	vadd.f32 v38, v19;
	_ =	sdelay $0x1  }
0x1af: {  	v20 =	vmul.f32 $2.000000030e-01, v19;
	_ =	sdelay $0x1  }
0x1b0: {  	v19 =	vmax.f32 v19, v20  }
0x1b1: {  	v19 =	vsub.f32 v19, v13;
	_ =	sdelay $0x1  }
0x1b2: {  	v19 =	vmul.f32 $1.442695020e+00, v19;
	_ =	sdelay $0x1  }
0x1b3: {  	(erf) = vpow2.f32 v19;
	_ =	sdelay $0x5  }
0x1b4: {  	v39 =	vor.u32 $0x2, v18;
	_ =	sdelay $0x2  }
0x1b5: {  	v19 =	vpop (erf)  }
0x1b6: {  	v19 =	vnsel vm15, $0x0, v19  }
0x1b7: {  	[tilespmem:v39+s22+$0x0] =	vst.idx.add.f32.msk $0x1, v19  }
0x1b8: {  	[tilespmem:v39+s22+$0x0] =	vst.idx.add.f32.msk vm0, v19  }
0x1b9: {  	[tilespmem:v39+s22+$0x0] =	vst.idx.add.f32.msk vm1, v19  }
0x1ba: {  	[tilespmem:v39+s22+$0x0] =	vst.idx.add.f32.msk vm2, v19  }
0x1bb: {  	[tilespmem:v39+s22+$0x0] =	vst.idx.add.f32.msk vm3, v19  }
0x1bc: {  	[tilespmem:v39+s22+$0x0] =	vst.idx.add.f32.msk vm4, v19  }
0x1bd: {  	[tilespmem:v39+s22+$0x0] =	vst.idx.add.f32.msk vm5, v19  }
0x1be: {  	[tilespmem:v39+s22+$0x0] =	vst.idx.add.f32.msk vm6, v19  }
0x1bf: {  	[tilespmem:v39+s22+$0x0] =	vst.idx.add.f32.msk vm7, v19  }
0x1c0: {  	[tilespmem:v39+s22+$0x0] =	vst.idx.add.f32.msk vm8, v19  }
0x1c1: {  	[tilespmem:v39+s22+$0x0] =	vst.idx.add.f32.msk vm9, v19  }
0x1c2: {  	v40 =	vor.u32 $0x40, v15;
	[tilespmem:v39+s22+$0x0] =	vst.idx.add.f32.msk vm10, v19  }
0x1c3: {  	[tilespmem:v39+s22+$0x0] =	vst.idx.add.f32.msk vm11, v19  }
0x1c4: {  	[tilespmem:v39+s22+$0x0] =	vst.idx.add.f32.msk vm12, v19  }
0x1c5: {  	[tilespmem:v39+s22+$0x0] =	vst.idx.add.f32.msk vm13, v19  }
0x1c6: {  	[tilespmem:v39+s22+$0x0] =	vst.idx.add.f32.msk vm14, v19  }
0x1c7: {  	v20 =	vld.idx.msk [tilespmem:v40+s29+$0x0], $0xffff;
	_ =	sdelay $0x2  }
0x1c8: {  	v41 =	vor.u32 $0x41, v15;
	_ =	sdelay $0x1  }
0x1c9: {  	v20 =	vmul.f32 v20, v19;
	_ =	sdelay $0x1  }
0x1ca: {  	[tilespmem:v40+s29+$0x0] =	vst.idx.msk $0xffff, v20  }
0x1cb: {  	v20 =	vld.idx.msk [tilespmem:v41+s29+$0x0], $0xffff;
	_ =	sdelay $0x2  }
0x1cc: {  	v42 =	vor.u32 $0x42, v15;
	_ =	sdelay $0x1  }
0x1cd: {  	v20 =	vmul.f32 v20, v19;
	_ =	sdelay $0x1  }
0x1ce: {  	[tilespmem:v41+s29+$0x0] =	vst.idx.msk $0xffff, v20  }
0x1cf: {  	v20 =	vld.idx.msk [tilespmem:v42+s29+$0x0], $0xffff;
	_ =	sdelay $0x2  }
0x1d0: {  	v43 =	vor.u32 $0x43, v15;
	_ =	sdelay $0x1  }
0x1d1: {  	v20 =	vmul.f32 v20, v19;
	_ =	sdelay $0x1  }
0x1d2: {  	[tilespmem:v42+s29+$0x0] =	vst.idx.msk $0xffff, v20  }
0x1d3: {  	v20 =	vld.idx.msk [tilespmem:v43+s29+$0x0], $0xffff;
	_ =	sdelay $0x2  }
0x1d4: {  	v44 =	vor.u32 $0x44, v15;
	_ =	sdelay $0x1  }
0x1d5: {  	v20 =	vmul.f32 v20, v19;
	_ =	sdelay $0x1  }
0x1d6: {  	[tilespmem:v43+s29+$0x0] =	vst.idx.msk $0xffff, v20  }
0x1d7: {  	v20 =	vld.idx.msk [tilespmem:v44+s29+$0x0], $0xffff;
	_ =	sdelay $0x2  }
0x1d8: {  	v45 =	vor.u32 $0x45, v15;
	_ =	sdelay $0x1  }
0x1d9: {  	v20 =	vmul.f32 v20, v19;
	_ =	sdelay $0x1  }
0x1da: {  	[tilespmem:v44+s29+$0x0] =	vst.idx.msk $0xffff, v20  }
0x1db: {  	v20 =	vld.idx.msk [tilespmem:v45+s29+$0x0], $0xffff;
	_ =	sdelay $0x2  }
0x1dc: {  	v46 =	vor.u32 $0x46, v15;
	_ =	sdelay $0x1  }
0x1dd: {  	v20 =	vmul.f32 v20, v19;
	_ =	sdelay $0x1  }
0x1de: {  	[tilespmem:v45+s29+$0x0] =	vst.idx.msk $0xffff, v20  }
0x1df: {  	v20 =	vld.idx.msk [tilespmem:v46+s29+$0x0], $0xffff;
	_ =	sdelay $0x2  }
0x1e0: {  	v47 =	vor.u32 $0x47, v15;
	_ =	sdelay $0x1  }
0x1e1: {  	v20 =	vmul.f32 v20, v19;
	_ =	sdelay $0x1  }
0x1e2: {  	[tilespmem:v46+s29+$0x0] =	vst.idx.msk $0xffff, v20  }
0x1e3: {  	v20 =	vld.idx.msk [tilespmem:v47+s29+$0x0], $0xffff;
	_ =	sdelay $0x2  }
0x1e4: {  	v48 =	vor.u32 $0x48, v15;
	_ =	sdelay $0x1  }
0x1e5: {  	v20 =	vmul.f32 v20, v19;
	_ =	sdelay $0x1  }
0x1e6: {  	[tilespmem:v47+s29+$0x0] =	vst.idx.msk $0xffff, v20  }
0x1e7: {  	v20 =	vld.idx.msk [tilespmem:v48+s29+$0x0], $0xffff;
	_ =	sdelay $0x2  }
0x1e8: {  	v49 =	vor.u32 $0x49, v15;
	_ =	sdelay $0x1  }
0x1e9: {  	v20 =	vmul.f32 v20, v19;
	_ =	sdelay $0x1  }
0x1ea: {  	[tilespmem:v48+s29+$0x0] =	vst.idx.msk $0xffff, v20  }
0x1eb: {  	v20 =	vld.idx.msk [tilespmem:v49+s29+$0x0], $0xffff;
	_ =	sdelay $0x2  }
0x1ec: {  	v50 =	vor.u32 $0x4A, v15;
	_ =	sdelay $0x1  }
0x1ed: {  	v20 =	vmul.f32 v20, v19;
	_ =	sdelay $0x1  }
0x1ee: {  	[tilespmem:v49+s29+$0x0] =	vst.idx.msk $0xffff, v20  }
0x1ef: {  	v20 =	vld.idx.msk [tilespmem:v50+s29+$0x0], $0xffff;
	_ =	sdelay $0x2  }
0x1f0: {  	v51 =	vor.u32 $0x4B, v15;
	_ =	sdelay $0x1  }
0x1f1: {  	v20 =	vmul.f32 v20, v19;
	_ =	sdelay $0x1  }
0x1f2: {  	[tilespmem:v50+s29+$0x0] =	vst.idx.msk $0xffff, v20  }
0x1f3: {  	v20 =	vld.idx.msk [tilespmem:v51+s29+$0x0], $0xffff;
	_ =	sdelay $0x2  }
0x1f4: {  	v52 =	vor.u32 $0x4C, v15;
	_ =	sdelay $0x1  }
0x1f5: {  	v20 =	vmul.f32 v20, v19;
	_ =	sdelay $0x1  }
0x1f6: {  	[tilespmem:v51+s29+$0x0] =	vst.idx.msk $0xffff, v20  }
0x1f7: {  	v20 =	vld.idx.msk [tilespmem:v52+s29+$0x0], $0xffff;
	_ =	sdelay $0x2  }
0x1f8: {  	v53 =	vor.u32 $0x4D, v15;
	_ =	sdelay $0x1  }
0x1f9: {  	v20 =	vmul.f32 v20, v19;
	_ =	sdelay $0x1  }
0x1fa: {  	[tilespmem:v52+s29+$0x0] =	vst.idx.msk $0xffff, v20  }
0x1fb: {  	v20 =	vld.idx.msk [tilespmem:v53+s29+$0x0], $0xffff;
	_ =	sdelay $0x2  }
0x1fc: {  	v54 =	vor.u32 $0x4E, v15;
	_ =	sdelay $0x1  }
0x1fd: {  	v20 =	vmul.f32 v20, v19;
	_ =	sdelay $0x1  }
0x1fe: {  	[tilespmem:v53+s29+$0x0] =	vst.idx.msk $0xffff, v20  }
0x1ff: {  	v20 =	vld.idx.msk [tilespmem:v54+s29+$0x0], $0xffff;
	_ =	sdelay $0x2  }
0x200: {  	v55 =	vor.u32 $0x4F, v15;
	_ =	sdelay $0x1  }
0x201: {  	v20 =	vmul.f32 v20, v19;
	_ =	sdelay $0x1  }
0x202: {  	[tilespmem:v54+s29+$0x0] =	vst.idx.msk $0xffff, v20  }
0x203: {  	v20 =	vld.idx.msk [tilespmem:v55+s29+$0x0], $0xffff;
	_ =	sdelay $0x2  }
0x204: {  	v56 =	vor.u32 $0x50, v15;
	_ =	sdelay $0x1  }
0x205: {  	v20 =	vmul.f32 v20, v19;
	_ =	sdelay $0x1  }
0x206: {  	[tilespmem:v55+s29+$0x0] =	vst.idx.msk $0xffff, v20  }
0x207: {  	v20 =	vld.idx.msk [tilespmem:v56+s29+$0x0], $0xffff;
	_ =	sdelay $0x2  }
0x208: {  	v57 =	vor.u32 $0x51, v15;
	_ =	sdelay $0x1  }
0x209: {  	v20 =	vmul.f32 v20, v19;
	_ =	sdelay $0x1  }
0x20a: {  	[tilespmem:v56+s29+$0x0] =	vst.idx.msk $0xffff, v20  }
0x20b: {  	v20 =	vld.idx.msk [tilespmem:v57+s29+$0x0], $0xffff;
	_ =	sdelay $0x2  }
0x20c: {  	v58 =	vor.u32 $0x52, v15;
	_ =	sdelay $0x1  }
0x20d: {  	v20 =	vmul.f32 v20, v19;
	_ =	sdelay $0x1  }
0x20e: {  	[tilespmem:v57+s29+$0x0] =	vst.idx.msk $0xffff, v20  }
0x20f: {  	v20 =	vld.idx.msk [tilespmem:v58+s29+$0x0], $0xffff;
	_ =	sdelay $0x2  }
0x210: {  	v59 =	vor.u32 $0x53, v15;
	_ =	sdelay $0x1  }
0x211: {  	v20 =	vmul.f32 v20, v19;
	_ =	sdelay $0x1  }
0x212: {  	[tilespmem:v58+s29+$0x0] =	vst.idx.msk $0xffff, v20  }
0x213: {  	v20 =	vld.idx.msk [tilespmem:v59+s29+$0x0], $0xffff;
	_ =	sdelay $0x2  }
0x214: {  	v60 =	vor.u32 $0x54, v15;
	_ =	sdelay $0x1  }
0x215: {  	v20 =	vmul.f32 v20, v19;
	_ =	sdelay $0x1  }
0x216: {  	[tilespmem:v59+s29+$0x0] =	vst.idx.msk $0xffff, v20  }
0x217: {  	v20 =	vld.idx.msk [tilespmem:v60+s29+$0x0], $0xffff;
	_ =	sdelay $0x2  }
0x218: {  	v61 =	vor.u32 $0x55, v15;
	_ =	sdelay $0x1  }
0x219: {  	v20 =	vmul.f32 v20, v19;
	_ =	sdelay $0x1  }
0x21a: {  	[tilespmem:v60+s29+$0x0] =	vst.idx.msk $0xffff, v20  }
0x21b: {  	v20 =	vld.idx.msk [tilespmem:v61+s29+$0x0], $0xffff;
	_ =	sdelay $0x2  }
0x21c: {  	v62 =	vor.u32 $0x56, v15;
	_ =	sdelay $0x1  }
0x21d: {  	v20 =	vmul.f32 v20, v19;
	_ =	sdelay $0x1  }
0x21e: {  	[tilespmem:v61+s29+$0x0] =	vst.idx.msk $0xffff, v20  }
0x21f: {  	v20 =	vld.idx.msk [tilespmem:v62+s29+$0x0], $0xffff;
	_ =	sdelay $0x2  }
0x220: {  	v63 =	vor.u32 $0x57, v15;
	_ =	sdelay $0x1  }
0x221: {  	v20 =	vmul.f32 v20, v19;
	_ =	sdelay $0x1  }
0x222: {  	[tilespmem:v62+s29+$0x0] =	vst.idx.msk $0xffff, v20  }
0x223: {  	v20 =	vld.idx.msk [tilespmem:v63+s29+$0x0], $0xffff;
	_ =	sdelay $0x2  }
0x224: {  	v24 =	vor.u32 $0x58, v15;
	_ =	sdelay $0x1  }
0x225: {  	v20 =	vmul.f32 v20, v19;
	_ =	sdelay $0x1  }
0x226: {  	[tilespmem:v63+s29+$0x0] =	vst.idx.msk $0xffff, v20  }
0x227: {  	v20 =	vld.idx.msk [tilespmem:v24+s29+$0x0], $0xffff;
	_ =	sdelay $0x2  }
0x228: {  	v25 =	vor.u32 $0x59, v15;
	_ =	sdelay $0x1  }
0x229: {  	v20 =	vmul.f32 v20, v19;
	_ =	sdelay $0x1  }
0x22a: {  	[tilespmem:v24+s29+$0x0] =	vst.idx.msk $0xffff, v20  }
0x22b: {  	v20 =	vld.idx.msk [tilespmem:v25+s29+$0x0], $0xffff;
	_ =	sdelay $0x2  }
0x22c: {  	v26 =	vor.u32 $0x5A, v15;
	_ =	sdelay $0x1  }
0x22d: {  	v20 =	vmul.f32 v20, v19;
	_ =	sdelay $0x1  }
0x22e: {  	[tilespmem:v25+s29+$0x0] =	vst.idx.msk $0xffff, v20  }
0x22f: {  	v20 =	vld.idx.msk [tilespmem:v26+s29+$0x0], $0xffff;
	_ =	sdelay $0x2  }
0x230: {  	v27 =	vor.u32 $0x5B, v15;
	_ =	sdelay $0x1  }
0x231: {  	v20 =	vmul.f32 v20, v19;
	_ =	sdelay $0x1  }
0x232: {  	[tilespmem:v26+s29+$0x0] =	vst.idx.msk $0xffff, v20  }
0x233: {  	v20 =	vld.idx.msk [tilespmem:v27+s29+$0x0], $0xffff;
	_ =	sdelay $0x2  }
0x234: {  	v28 =	vor.u32 $0x5C, v15;
	_ =	sdelay $0x1  }
0x235: {  	v20 =	vmul.f32 v20, v19;
	_ =	sdelay $0x1  }
0x236: {  	[tilespmem:v27+s29+$0x0] =	vst.idx.msk $0xffff, v20  }
0x237: {  	v20 =	vld.idx.msk [tilespmem:v28+s29+$0x0], $0xffff;
	_ =	sdelay $0x2  }
0x238: {  	v29 =	vor.u32 $0x5D, v15;
	_ =	sdelay $0x1  }
0x239: {  	v20 =	vmul.f32 v20, v19;
	_ =	sdelay $0x1  }
0x23a: {  	[tilespmem:v28+s29+$0x0] =	vst.idx.msk $0xffff, v20  }
0x23b: {  	v20 =	vld.idx.msk [tilespmem:v29+s29+$0x0], $0xffff;
	_ =	sdelay $0x2  }
0x23c: {  	v30 =	vor.u32 $0x5E, v15;
	_ =	sdelay $0x1  }
0x23d: {  	v20 =	vmul.f32 v20, v19;
	_ =	sdelay $0x1  }
0x23e: {  	[tilespmem:v29+s29+$0x0] =	vst.idx.msk $0xffff, v20  }
0x23f: {  	v20 =	vld.idx.msk [tilespmem:v30+s29+$0x0], $0xffff;
	_ =	sdelay $0x2  }
0x240: {  	v31 =	vor.u32 $0x5F, v15;
	_ =	sdelay $0x1  }
0x241: {  	v20 =	vmul.f32 v20, v19;
	_ =	sdelay $0x1  }
0x242: {  	[tilespmem:v30+s29+$0x0] =	vst.idx.msk $0xffff, v20  }
0x243: {  	v20 =	vld.idx.msk [tilespmem:v31+s29+$0x0], $0xffff;
	_ =	sdelay $0x2  }
0x244: {  	v16 =	vor.u32 $0x3, v16  }
0x245: {  	v17 =	vor.u32 $0x7, v17  }
0x246: {  	v19 =	vmul.f32 v20, v19;
	_ =	sdelay $0x1  }
0x247: {  	[tilespmem:v31+s29+$0x0] =	vst.idx.msk $0xffff, v19  }
0x248: {  	v16 =	vld.idx.msk [tilespmem:v16+s24+$0x0], $0xffff  }
0x249: {  	v17 =	vld.idx.msk [tilespmem:v17+s24+$0x0], $0xffff;
	_ =	sdelay $0x4  }
0x24a: {  	v16 =	vadd.f32 v17, v16;
	_ =	sdelay $0x1  }
0x24b: {  	v17 =	vmul.f32 $2.000000030e-01, v16;
	_ =	sdelay $0x1  }
0x24c: {  	v16 =	vmax.f32 v16, v17  }
0x24d: {  	v16 =	vsub.f32 v16, v14;
	_ =	sdelay $0x1  }
0x24e: {  	v16 =	vmul.f32 $1.442695020e+00, v16;
	_ =	sdelay $0x1  }
0x24f: {  	(erf) = vpow2.f32 v16;
	_ =	sdelay $0x5  }
0x250: {  	v32 =	vor.u32 $0x3, v18;
	_ =	sdelay $0x2  }
0x251: {  	v16 =	vpop (erf)  }
0x252: {  	v16 =	vnsel vm15, $0x0, v16  }
0x253: {  	[tilespmem:v32+s22+$0x0] =	vst.idx.add.f32.msk $0x1, v16  }
0x254: {  	[tilespmem:v32+s22+$0x0] =	vst.idx.add.f32.msk vm0, v16  }
0x255: {  	[tilespmem:v32+s22+$0x0] =	vst.idx.add.f32.msk vm1, v16  }
0x256: {  	[tilespmem:v32+s22+$0x0] =	vst.idx.add.f32.msk vm2, v16  }
0x257: {  	[tilespmem:v32+s22+$0x0] =	vst.idx.add.f32.msk vm3, v16  }
0x258: {  	[tilespmem:v32+s22+$0x0] =	vst.idx.add.f32.msk vm4, v16  }
0x259: {  	[tilespmem:v32+s22+$0x0] =	vst.idx.add.f32.msk vm5, v16  }
0x25a: {  	[tilespmem:v32+s22+$0x0] =	vst.idx.add.f32.msk vm6, v16  }
0x25b: {  	[tilespmem:v32+s22+$0x0] =	vst.idx.add.f32.msk vm7, v16  }
0x25c: {  	[tilespmem:v32+s22+$0x0] =	vst.idx.add.f32.msk vm8, v16  }
0x25d: {  	[tilespmem:v32+s22+$0x0] =	vst.idx.add.f32.msk vm9, v16  }
0x25e: {  	v33 =	vor.u32 $0x60, v15;
	[tilespmem:v32+s22+$0x0] =	vst.idx.add.f32.msk vm10, v16  }
0x25f: {  	[tilespmem:v32+s22+$0x0] =	vst.idx.add.f32.msk vm11, v16  }
0x260: {  	[tilespmem:v32+s22+$0x0] =	vst.idx.add.f32.msk vm12, v16  }
0x261: {  	[tilespmem:v32+s22+$0x0] =	vst.idx.add.f32.msk vm13, v16  }
0x262: {  	[tilespmem:v32+s22+$0x0] =	vst.idx.add.f32.msk vm14, v16  }
0x263: {  	v17 =	vld.idx.msk [tilespmem:v33+s29+$0x0], $0xffff;
	_ =	sdelay $0x2  }
0x264: {  	v34 =	vor.u32 $0x61, v15;
	_ =	sdelay $0x1  }
0x265: {  	v17 =	vmul.f32 v17, v16;
	_ =	sdelay $0x1  }
0x266: {  	[tilespmem:v33+s29+$0x0] =	vst.idx.msk $0xffff, v17  }
0x267: {  	v17 =	vld.idx.msk [tilespmem:v34+s29+$0x0], $0xffff;
	_ =	sdelay $0x2  }
0x268: {  	v35 =	vor.u32 $0x62, v15;
	_ =	sdelay $0x1  }
0x269: {  	v17 =	vmul.f32 v17, v16;
	_ =	sdelay $0x1  }
0x26a: {  	[tilespmem:v34+s29+$0x0] =	vst.idx.msk $0xffff, v17  }
0x26b: {  	v17 =	vld.idx.msk [tilespmem:v35+s29+$0x0], $0xffff;
	_ =	sdelay $0x2  }
0x26c: {  	v36 =	vor.u32 $0x63, v15;
	_ =	sdelay $0x1  }
0x26d: {  	v17 =	vmul.f32 v17, v16;
	_ =	sdelay $0x1  }
0x26e: {  	[tilespmem:v35+s29+$0x0] =	vst.idx.msk $0xffff, v17  }
0x26f: {  	v17 =	vld.idx.msk [tilespmem:v36+s29+$0x0], $0xffff;
	_ =	sdelay $0x2  }
0x270: {  	v37 =	vor.u32 $0x64, v15;
	_ =	sdelay $0x1  }
0x271: {  	v17 =	vmul.f32 v17, v16;
	_ =	sdelay $0x1  }
0x272: {  	[tilespmem:v36+s29+$0x0] =	vst.idx.msk $0xffff, v17  }
0x273: {  	v17 =	vld.idx.msk [tilespmem:v37+s29+$0x0], $0xffff;
	_ =	sdelay $0x2  }
0x274: {  	v38 =	vor.u32 $0x65, v15;
	_ =	sdelay $0x1  }
0x275: {  	v17 =	vmul.f32 v17, v16;
	_ =	sdelay $0x1  }
0x276: {  	[tilespmem:v37+s29+$0x0] =	vst.idx.msk $0xffff, v17  }
0x277: {  	v17 =	vld.idx.msk [tilespmem:v38+s29+$0x0], $0xffff;
	_ =	sdelay $0x2  }
0x278: {  	v39 =	vor.u32 $0x66, v15;
	_ =	sdelay $0x1  }
0x279: {  	v17 =	vmul.f32 v17, v16;
	_ =	sdelay $0x1  }
0x27a: {  	[tilespmem:v38+s29+$0x0] =	vst.idx.msk $0xffff, v17  }
0x27b: {  	v17 =	vld.idx.msk [tilespmem:v39+s29+$0x0], $0xffff;
	_ =	sdelay $0x2  }
0x27c: {  	v40 =	vor.u32 $0x67, v15;
	_ =	sdelay $0x1  }
0x27d: {  	v17 =	vmul.f32 v17, v16;
	_ =	sdelay $0x1  }
0x27e: {  	[tilespmem:v39+s29+$0x0] =	vst.idx.msk $0xffff, v17  }
0x27f: {  	v17 =	vld.idx.msk [tilespmem:v40+s29+$0x0], $0xffff;
	_ =	sdelay $0x2  }
0x280: {  	v41 =	vor.u32 $0x68, v15;
	_ =	sdelay $0x1  }
0x281: {  	v17 =	vmul.f32 v17, v16;
	_ =	sdelay $0x1  }
0x282: {  	[tilespmem:v40+s29+$0x0] =	vst.idx.msk $0xffff, v17  }
0x283: {  	v17 =	vld.idx.msk [tilespmem:v41+s29+$0x0], $0xffff;
	_ =	sdelay $0x2  }
0x284: {  	v42 =	vor.u32 $0x69, v15;
	_ =	sdelay $0x1  }
0x285: {  	v17 =	vmul.f32 v17, v16;
	_ =	sdelay $0x1  }
0x286: {  	[tilespmem:v41+s29+$0x0] =	vst.idx.msk $0xffff, v17  }
0x287: {  	v17 =	vld.idx.msk [tilespmem:v42+s29+$0x0], $0xffff;
	_ =	sdelay $0x2  }
0x288: {  	v43 =	vor.u32 $0x6A, v15;
	_ =	sdelay $0x1  }
0x289: {  	v17 =	vmul.f32 v17, v16;
	_ =	sdelay $0x1  }
0x28a: {  	[tilespmem:v42+s29+$0x0] =	vst.idx.msk $0xffff, v17  }
0x28b: {  	v17 =	vld.idx.msk [tilespmem:v43+s29+$0x0], $0xffff;
	_ =	sdelay $0x2  }
0x28c: {  	v44 =	vor.u32 $0x6B, v15;
	_ =	sdelay $0x1  }
0x28d: {  	v17 =	vmul.f32 v17, v16;
	_ =	sdelay $0x1  }
0x28e: {  	[tilespmem:v43+s29+$0x0] =	vst.idx.msk $0xffff, v17  }
0x28f: {  	v17 =	vld.idx.msk [tilespmem:v44+s29+$0x0], $0xffff;
	_ =	sdelay $0x2  }
0x290: {  	v45 =	vor.u32 $0x6C, v15;
	_ =	sdelay $0x1  }
0x291: {  	v17 =	vmul.f32 v17, v16;
	_ =	sdelay $0x1  }
0x292: {  	[tilespmem:v44+s29+$0x0] =	vst.idx.msk $0xffff, v17  }
0x293: {  	v17 =	vld.idx.msk [tilespmem:v45+s29+$0x0], $0xffff;
	_ =	sdelay $0x2  }
0x294: {  	v46 =	vor.u32 $0x6D, v15;
	_ =	sdelay $0x1  }
0x295: {  	v17 =	vmul.f32 v17, v16;
	_ =	sdelay $0x1  }
0x296: {  	[tilespmem:v45+s29+$0x0] =	vst.idx.msk $0xffff, v17  }
0x297: {  	v17 =	vld.idx.msk [tilespmem:v46+s29+$0x0], $0xffff;
	_ =	sdelay $0x2  }
0x298: {  	v47 =	vor.u32 $0x6E, v15;
	_ =	sdelay $0x1  }
0x299: {  	v17 =	vmul.f32 v17, v16;
	_ =	sdelay $0x1  }
0x29a: {  	[tilespmem:v46+s29+$0x0] =	vst.idx.msk $0xffff, v17  }
0x29b: {  	v17 =	vld.idx.msk [tilespmem:v47+s29+$0x0], $0xffff;
	_ =	sdelay $0x2  }
0x29c: {  	v48 =	vor.u32 $0x6F, v15;
	_ =	sdelay $0x1  }
0x29d: {  	v17 =	vmul.f32 v17, v16;
	_ =	sdelay $0x1  }
0x29e: {  	[tilespmem:v47+s29+$0x0] =	vst.idx.msk $0xffff, v17  }
0x29f: {  	v17 =	vld.idx.msk [tilespmem:v48+s29+$0x0], $0xffff;
	_ =	sdelay $0x2  }
0x2a0: {  	v49 =	vor.u32 $0x70, v15;
	_ =	sdelay $0x1  }
0x2a1: {  	v17 =	vmul.f32 v17, v16;
	_ =	sdelay $0x1  }
0x2a2: {  	[tilespmem:v48+s29+$0x0] =	vst.idx.msk $0xffff, v17  }
0x2a3: {  	v17 =	vld.idx.msk [tilespmem:v49+s29+$0x0], $0xffff;
	_ =	sdelay $0x2  }
0x2a4: {  	v50 =	vor.u32 $0x71, v15;
	_ =	sdelay $0x1  }
0x2a5: {  	v17 =	vmul.f32 v17, v16;
	_ =	sdelay $0x1  }
0x2a6: {  	[tilespmem:v49+s29+$0x0] =	vst.idx.msk $0xffff, v17  }
0x2a7: {  	v17 =	vld.idx.msk [tilespmem:v50+s29+$0x0], $0xffff;
	_ =	sdelay $0x2  }
0x2a8: {  	v51 =	vor.u32 $0x72, v15;
	_ =	sdelay $0x1  }
0x2a9: {  	v17 =	vmul.f32 v17, v16;
	_ =	sdelay $0x1  }
0x2aa: {  	[tilespmem:v50+s29+$0x0] =	vst.idx.msk $0xffff, v17  }
0x2ab: {  	v17 =	vld.idx.msk [tilespmem:v51+s29+$0x0], $0xffff;
	_ =	sdelay $0x2  }
0x2ac: {  	v52 =	vor.u32 $0x73, v15;
	_ =	sdelay $0x1  }
0x2ad: {  	v17 =	vmul.f32 v17, v16;
	_ =	sdelay $0x1  }
0x2ae: {  	[tilespmem:v51+s29+$0x0] =	vst.idx.msk $0xffff, v17  }
0x2af: {  	v17 =	vld.idx.msk [tilespmem:v52+s29+$0x0], $0xffff;
	_ =	sdelay $0x2  }
0x2b0: {  	v53 =	vor.u32 $0x74, v15;
	_ =	sdelay $0x1  }
0x2b1: {  	v17 =	vmul.f32 v17, v16;
	_ =	sdelay $0x1  }
0x2b2: {  	[tilespmem:v52+s29+$0x0] =	vst.idx.msk $0xffff, v17  }
0x2b3: {  	v17 =	vld.idx.msk [tilespmem:v53+s29+$0x0], $0xffff;
	_ =	sdelay $0x2  }
0x2b4: {  	v54 =	vor.u32 $0x75, v15;
	_ =	sdelay $0x1  }
0x2b5: {  	v17 =	vmul.f32 v17, v16;
	_ =	sdelay $0x1  }
0x2b6: {  	[tilespmem:v53+s29+$0x0] =	vst.idx.msk $0xffff, v17  }
0x2b7: {  	v17 =	vld.idx.msk [tilespmem:v54+s29+$0x0], $0xffff;
	_ =	sdelay $0x2  }
0x2b8: {  	v55 =	vor.u32 $0x76, v15;
	_ =	sdelay $0x1  }
0x2b9: {  	v17 =	vmul.f32 v17, v16;
	_ =	sdelay $0x1  }
0x2ba: {  	[tilespmem:v54+s29+$0x0] =	vst.idx.msk $0xffff, v17  }
0x2bb: {  	v17 =	vld.idx.msk [tilespmem:v55+s29+$0x0], $0xffff;
	_ =	sdelay $0x2  }
0x2bc: {  	v56 =	vor.u32 $0x77, v15;
	_ =	sdelay $0x1  }
0x2bd: {  	v17 =	vmul.f32 v17, v16;
	_ =	sdelay $0x1  }
0x2be: {  	[tilespmem:v55+s29+$0x0] =	vst.idx.msk $0xffff, v17  }
0x2bf: {  	v17 =	vld.idx.msk [tilespmem:v56+s29+$0x0], $0xffff;
	_ =	sdelay $0x2  }
0x2c0: {  	v57 =	vor.u32 $0x78, v15;
	_ =	sdelay $0x1  }
0x2c1: {  	v17 =	vmul.f32 v17, v16;
	_ =	sdelay $0x1  }
0x2c2: {  	[tilespmem:v56+s29+$0x0] =	vst.idx.msk $0xffff, v17  }
0x2c3: {  	v17 =	vld.idx.msk [tilespmem:v57+s29+$0x0], $0xffff;
	_ =	sdelay $0x2  }
0x2c4: {  	v58 =	vor.u32 $0x79, v15;
	_ =	sdelay $0x1  }
0x2c5: {  	v17 =	vmul.f32 v17, v16;
	_ =	sdelay $0x1  }
0x2c6: {  	[tilespmem:v57+s29+$0x0] =	vst.idx.msk $0xffff, v17  }
0x2c7: {  	v17 =	vld.idx.msk [tilespmem:v58+s29+$0x0], $0xffff;
	_ =	sdelay $0x2  }
0x2c8: {  	v59 =	vor.u32 $0x7A, v15;
	_ =	sdelay $0x1  }
0x2c9: {  	v17 =	vmul.f32 v17, v16;
	_ =	sdelay $0x1  }
0x2ca: {  	[tilespmem:v58+s29+$0x0] =	vst.idx.msk $0xffff, v17  }
0x2cb: {  	v17 =	vld.idx.msk [tilespmem:v59+s29+$0x0], $0xffff;
	_ =	sdelay $0x2  }
0x2cc: {  	v60 =	vor.u32 $0x7B, v15;
	_ =	sdelay $0x1  }
0x2cd: {  	v17 =	vmul.f32 v17, v16;
	_ =	sdelay $0x1  }
0x2ce: {  	[tilespmem:v59+s29+$0x0] =	vst.idx.msk $0xffff, v17  }
0x2cf: {  	v17 =	vld.idx.msk [tilespmem:v60+s29+$0x0], $0xffff;
	_ =	sdelay $0x2  }
0x2d0: {  	v61 =	vor.u32 $0x7C, v15;
	_ =	sdelay $0x1  }
0x2d1: {  	v17 =	vmul.f32 v17, v16;
	_ =	sdelay $0x1  }
0x2d2: {  	[tilespmem:v60+s29+$0x0] =	vst.idx.msk $0xffff, v17  }
0x2d3: {  	v17 =	vld.idx.msk [tilespmem:v61+s29+$0x0], $0xffff;
	_ =	sdelay $0x2  }
0x2d4: {  	v62 =	vor.u32 $0x7D, v15;
	_ =	sdelay $0x1  }
0x2d5: {  	v17 =	vmul.f32 v17, v16;
	_ =	sdelay $0x1  }
0x2d6: {  	[tilespmem:v61+s29+$0x0] =	vst.idx.msk $0xffff, v17  }
0x2d7: {  	v17 =	vld.idx.msk [tilespmem:v62+s29+$0x0], $0xffff;
	_ =	sdelay $0x2  }
0x2d8: {  	v63 =	vor.u32 $0x7E, v15;
	_ =	sdelay $0x1  }
0x2d9: {  	v17 =	vmul.f32 v17, v16;
	_ =	sdelay $0x1  }
0x2da: {  	[tilespmem:v62+s29+$0x0] =	vst.idx.msk $0xffff, v17  }
0x2db: {  	v17 =	vld.idx.msk [tilespmem:v63+s29+$0x0], $0xffff;
	_ =	sdelay $0x2  }
0x2dc: {  	v15 =	vor.u32 $0x7F, v15;
	_ =	sdelay $0x1  }
0x2dd: {  	v17 =	vmul.f32 v17, v16;
	_ =	sdelay $0x1  }
0x2de: {  	[tilespmem:v63+s29+$0x0] =	vst.idx.msk $0xffff, v17  }
0x2df: {  	v17 =	vld.idx.msk [tilespmem:v15+s29+$0x0], $0xffff;
	_ =	sdelay $0x1  }
0x2e0: {  	p0 =	sne.s32 s16, $0x70  }
.Ltmp3:
0x2e1: {  	_ = 	snop;
	(pc) =	sbr.rel @p0 .LBB2_7-.Ltmp3, $4  }
0x2e2: {  	_ = 	snop  }
0x2e3: {  	v16 =	vmul.f32 v17, v16  }
0x2e4: {  	s23 =	sadd.s32 $0x10, s23  }
0x2e5: {  	s8 =	sadd.s32 $0x10, s8;
	s10 =	sadd.s32 $0x10, s10;
	s16 =	sadd.s32 $0x10, s16;
	[tilespmem:v15+s29+$0x0] =	vst.idx.msk $0xffff, v16  }
0x2e6: {  	s9 =	sadd.s32 $0x1, s9  }
0x2e7: {  	p0 =	sne.s32 s9, $0x20  }
.Ltmp4:
0x2e8: {  	_ = 	snop;
	(pc) =	sbr.rel @p0 .LBB2_6-.Ltmp4, $4  }
0x2e9: {  	[spmem:s2] =	stream.indirect.scatter.add.f32 [tilespmem:s29], [sflag:$0x2], $0x80, s25, s28, $0xb8;
	[tilespmem:$0x1B180] =	vst v63  }
0x2ea: {  	_ =	swait.ge [sflag:s21], $0x4000  }
0x2eb: {  	s15 =	sadd.s32 $0x80, s15;
	[sflag:s21] =	ssyncset.done $0x0  }
0x2ec: {  	s13 =	sadd.s32 $0x80, s13;
	s14 =	sadd.s32 $0x80, s14;
	[sflag:s21] =	ssyncadd.s32 $0xFFFFC000  }
0x2ed: {  	[bflag:$0x0] =	sbarrier.arrive $0xFFFF  }
0x2ee: {  	s4 =	rddreg [dreg:$0x8]  }
0x2ef: {  	[hbm:s4], [sflag:s12] =	dma.local [spmem:s20], $0x1000  }
0x2f0: {  	_ =	swait.ge [sflag:s21], $0x1000  }
0x2f1: {  	[sflag:s21] =	ssyncset.done $0x0  }
0x2f2: {  	s8 =	simm.s32 $0x400;
	s17 =	rddreg [dreg:$0x9];
	[sflag:s21] =	ssyncadd.s32 $0xFFFFF000  }
0x2f3: {  	[hbm4b:s17+s28] =	stream.strided.scatter [tilespmem:s22], [sflag:$0x2], $0x4000, s8, s28, $0x38;
	[tilespmem:$0x1B180] =	vst v63  }
0x2f4: {  	_ =	swait.ge [sflag:s21], $0x4000  }
0x2f5: {  	s0 =	sadd.s32 $0x1, s0;
	s23 =	rddreg [dreg:$0xa]  }
0x2f6: {  	p0 =	sne.s32 s0, s23  }
.Ltmp5:
0x2f7: {  	_ = 	snop;
	(pc) =	sbr.rel @p0 .LBB2_1-.Ltmp5, $3  }
0x2f8: {  	_ =	sdelay $0x1  }
0x2f9: {  	[sflag:s21] =	ssyncset.done $0x0  }
0x2fa: {  	[sflag:s21] =	ssyncadd.s32 $0xFFFFC000  }
0x2fb: {  	_ =	sfence.sel $0x180000  }
0x2fc: {  	[bflag:$0x0] =	sbarrier.arrive $0xFFFF  }
0x2fd: {  	_ =	strace $0x9000004A  }
0x2fe: {  	s0 =	stileid.u32;
	[bflag:$0x2] =	sbarrier.arrive $0xFFFF  }
0x2ff: {  	p0 =	sne.s32 s0, $0x0;
	s0 =	rddreg [dreg:$0x3]  }
0x300: {  	s0 =	sadd.s32 @!p0 $0x100000, s0  }
0x301: {  	[sflag:s0] =	ssyncadd.tile.s32 @!p0 $0x1;
	_ =	shalt  }
.Lfunc_end2:
_tile_overlayer_lowered:
.L_overlay_start_2:
0x302: {  	(tag) =	ssettag $0x2  }
0x303: {  	s0 =	rddreg [dreg:$0x0];
	s2 =	stileid.u32  }
0x304: {  	s1 =	rddreg [dreg:$0x1];
	p0 =	sne.s32 s2, $0x0  }
0x305: {  	s3 =	rddreg [dreg:$0x2];
	[bflag:$0x3] =	sbarrier.arrive $0xFFFF;
	s2 =	simm.s32 @!p0 $0x1C02  }
0x306: {  	[timem:s3], [sflag:s2] =	dma.local @!p0 [hbm:s0], s1  }
0x307: {  	s0 =	simm.s32 @!p0 $0x2  }
0x308: {  	_ =	swait.ge @!p0 [sflag:s0], s1  }
0x309: {  	s1 =	ssub.s32 @!p0 $0x0, s1;
	[sflag:s0] =	ssyncset.done @!p0 $0x0  }
0x30a: {  	[sflag:s0] =	ssyncadd.s32 @!p0 s1  }
0x30b: {  	[bflag:$0x3] =	sbarrier.arrive $0xFFFF  }
0x30c: {  	_ =	shalt  }

</sc_bundles>
